<compile_context>
chip_gen: v7x
topology: tpu7x:2x2x1
jax: 0.10.2.dev20260603
libtpu: 0.0.44.dev20260713+nightly
codegen_flags: <defaults>
</compile_context>

<pallas_src>
import functools

import jax
import jax.numpy as jnp
from jax import lax
from jax.experimental import pallas as pl
from jax.experimental.pallas import tpu as pltpu
from jax.experimental.pallas import tpu_sc as plsc

B = 4096
K = 4
S = 64
D = 32
SD = S * D
TEMPERATURE = 0.2
LANES = 16

NC = 2
NS = 16
NW = NC * NS
RPW = B // NW
SB = 8
NSB = RPW // SB
PPW = SD // NW
PB = 4
NPB = PPW // PB
NG = B // LANES


def _weights_body(sim_hbm, idxt_hbm, wt_hbm,
                  idxt_v, svals_v, wt_v, simbuf, sems0, sems1):
    wid = lax.axis_index("s") * NC + lax.axis_index("c")
    base = wid * RPW
    lane = jnp.arange(LANES, dtype=jnp.int32)

    pltpu.sync_copy(idxt_hbm.at[:, pl.ds(base, RPW)], idxt_v)

    sems = (sems0, sems1)

    def start_sim(sb, b):
        pltpu.async_copy(sim_hbm.at[pl.ds(base + sb * SB, SB)],
                         simbuf.at[b], sems[b])

    def wait_sim(b):
        pltpu.make_async_copy(sim_hbm.at[pl.ds(base, SB)],
                              simbuf.at[b], sems[b]).wait()

    start_sim(0, 0)
    start_sim(1, 1)
    rows4 = lane >> 2
    kof = lane & 3

    @pl.loop(0, NSB // 2)
    def sim_body(i):
        for b in range(2):
            sb = 2 * i + b
            wait_sim(b)
            for h in range(SB * K // LANES):
                rloc = h * (LANES // K) + rows4
                cols = plsc.load_gather(idxt_v, [kof, sb * SB + rloc])
                svals_v[pl.ds((sb * 2 + h) * LANES, LANES)] = plsc.load_gather(
                    simbuf.at[b], [rloc, cols])

            @pl.when(sb + 2 < NSB)
            def _():
                start_sim(sb + 2, b)

    inv_t = jnp.float32(1.0) / jnp.float32(TEMPERATURE)
    for t in range(RPW // LANES):
        ridx0 = (t * LANES + lane) * K
        s = [plsc.load_gather(svals_v, [ridx0 + k]) * inv_t for k in range(K)]
        m = jnp.maximum(jnp.maximum(s[0], s[1]), jnp.maximum(s[2], s[3]))
        e = [jnp.exp(sk - m) for sk in s]
        den = (e[0] + e[1]) + (e[2] + e[3])
        for k in range(K):
            wt_v[k, pl.ds(t * LANES, LANES)] = e[k] / den

    pltpu.sync_copy(wt_v, wt_hbm.at[:, pl.ds(base, RPW)])


def _rebuild_body(embt_hbm, idxt_hbm, wt_hbm, outt_hbm,
                  idxb, wb, ebuf, obuf, seme0, seme1, semo0, semo1):
    wid = lax.axis_index("s") * NC + lax.axis_index("c")
    pbase = wid * PPW

    pltpu.sync_copy(idxt_hbm, idxb)
    pltpu.sync_copy(wt_hbm, wb)

    seme = (seme0, seme1)
    semo = (semo0, semo1)

    def start_feat(t, b):
        pltpu.async_copy(embt_hbm.at[pl.ds(pbase + t * PB, PB)],
                         ebuf.at[b], seme[b])

    def wait_feat(b):
        pltpu.make_async_copy(embt_hbm.at[pl.ds(pbase, PB)],
                              ebuf.at[b], seme[b]).wait()

    def wait_out(b):
        pltpu.make_async_copy(obuf.at[b], outt_hbm.at[pl.ds(pbase, PB)],
                              semo[b]).wait()

    start_feat(0, 0)
    start_feat(1, 1)

    @pl.loop(0, NPB // 2)
    def feat_pair(i):
        for b in range(2):
            t = 2 * i + b
            wait_feat(b)

            @pl.when(t >= 2)
            def _():
                wait_out(b)

            bvec = jnp.full((LANES,), b, dtype=jnp.int32)
            pvecs = [jnp.full((LANES,), p, dtype=jnp.int32) for p in range(PB)]

            @plsc.parallel_loop(0, NG, unroll=2)
            def g_body(g):
                sl = pl.ds(g * LANES, LANES)
                ik = [idxb[k, sl] for k in range(K)]
                wk = [wb[k, sl] for k in range(K)]
                for p in range(PB):
                    v = [plsc.load_gather(ebuf, [bvec, pvecs[p], ik[k]])
                         for k in range(K)]
                    acc = wk[0] * v[0]
                    for k in range(1, K):
                        acc = acc + wk[k] * v[k]
                    obuf[b, p, sl] = acc

            pltpu.async_copy(obuf.at[b],
                             outt_hbm.at[pl.ds(pbase + t * PB, PB)],
                             semo[b])

            @pl.when(t + 2 < NPB)
            def _():
                start_feat(t + 2, b)

    wait_out(0)
    wait_out(1)


def kernel(similarity_matrix, batch_emb_om, index):
    embt = batch_emb_om.transpose(1, 2, 0).reshape(SD, B)
    idxt = index.T

    mesh = plsc.VectorSubcoreMesh(core_axis_name="c", subcore_axis_name="s",
                                  num_cores=NC, num_subcores=NS)
    ka = pl.kernel(
        _weights_body,
        out_type=jax.ShapeDtypeStruct((K, B), jnp.float32),
        mesh=mesh,
        scratch_types=[
            pltpu.VMEM((K, RPW), jnp.int32),
            pltpu.VMEM((RPW * K,), jnp.float32),
            pltpu.VMEM((K, RPW), jnp.float32),
            pltpu.VMEM((2, SB, B), jnp.float32),
            pltpu.SemaphoreType.DMA,
            pltpu.SemaphoreType.DMA,
        ],
        compiler_params=pltpu.CompilerParams(needs_layout_passes=False),
    )
    wt = ka(similarity_matrix, idxt)

    kb = pl.kernel(
        _rebuild_body,
        out_type=jax.ShapeDtypeStruct((SD, B), jnp.float32),
        mesh=mesh,
        scratch_types=[
            pltpu.VMEM((K, B), jnp.int32),
            pltpu.VMEM((K, B), jnp.float32),
            pltpu.VMEM((2, PB, B), jnp.float32),
            pltpu.VMEM((2, PB, B), jnp.float32),
            pltpu.SemaphoreType.DMA,
            pltpu.SemaphoreType.DMA,
            pltpu.SemaphoreType.DMA,
            pltpu.SemaphoreType.DMA,
        ],
        compiler_params=pltpu.CompilerParams(needs_layout_passes=False),
    )
    outt = kb(embt, idxt, wt)

    out = outt.reshape(S, D, B).transpose(2, 0, 1)
    return (wt.T, out)

# --- scband reference (transcript-rebuilt; emitter-appended) ---
"""Pipeline reference for scband-aggregation-rebuild-36223754175056 (READ-ONLY COPY).

The authoritative reference and input builder live on the scoring server;
editing this copy changes nothing except your own understanding.
"""

import jax, jax.numpy as jnp
import numpy as np

B = 4096
K = 4
S = 64
D = 32
TEMPERATURE = 0.2


def setup_inputs(seed: int = 0) -> dict:
    key = jax.random.key(seed)
    k1, k2, k3 = jax.random.split(key, 3)
    similarity_matrix = jax.random.normal(k1, (B, B), dtype=jnp.float32)
    batch_emb_om = jax.random.normal(k2, (B, S, D), dtype=jnp.float32)
    index = jax.random.randint(k3, (B, K), 0, B, dtype=jnp.int32)
    return {
        "similarity_matrix": similarity_matrix,
        "batch_emb_om": batch_emb_om,
        "index": index,
    }


def reference(similarity_matrix, batch_emb_om, index):
    # divide == True path of AggregationRebuild
    sm = similarity_matrix / TEMPERATURE
    rows = jnp.arange(index.shape[0])[:, None]
    sub_similarity = sm[rows, index]                       # [B, K] gather of similarity rows
    rebuild_weight_matrix = jax.nn.softmax(sub_similarity, axis=-1)  # [B, K]
    neighbor_features = jnp.take(batch_emb_om, index, axis=0)        # [B, K, S, D] row gather
    weighted_neighbors = rebuild_weight_matrix[:, :, None, None] * neighbor_features
    rebuild_oral_batch_emb = jnp.sum(weighted_neighbors, axis=1)     # [B, S, D]
    return (rebuild_weight_matrix, rebuild_oral_batch_emb)

if __name__ == "__main__":
    import jax
    _d = setup_inputs()
    print(jax.jit(kernel)(*tuple(_d.values())))

</pallas_src>

<mosaic_0001>
#map = affine_map<(d0, d1) -> (0, 0)>
module attributes {stable_mosaic.version = 14 : i64} {
  func.func @_rebuild_body(%arg0: i32, %arg1: i32, %arg2: memref<2048x4096xf32, #tpu.memory_space<hbm>>, %arg3: memref<4x4096xi32, #tpu.memory_space<hbm>>, %arg4: memref<4x4096xf32, #tpu.memory_space<hbm>>, %arg5: memref<2048x4096xf32, #tpu.memory_space<hbm>>, %arg6: memref<4x4096xi32, #tpu.memory_space<vmem>>, %arg7: memref<4x4096xf32, #tpu.memory_space<vmem>>, %arg8: memref<2x4x4096xf32, #tpu.memory_space<vmem>>, %arg9: memref<2x4x4096xf32, #tpu.memory_space<vmem>>, %arg10: memref<!tpu.dma_semaphore, #tpu.memory_space<semaphore_mem>>, %arg11: memref<!tpu.dma_semaphore, #tpu.memory_space<semaphore_mem>>, %arg12: memref<!tpu.dma_semaphore, #tpu.memory_space<semaphore_mem>>, %arg13: memref<!tpu.dma_semaphore, #tpu.memory_space<semaphore_mem>>) attributes {dimension_semantics = [#tpu.dimension_semantics<core_parallel>, #tpu.dimension_semantics<subcore_parallel>], iteration_bounds = array<i64: 2, 16>, scalar_prefetch = 0 : i64, scratch_operands = 8 : i64, tpu.core_type = #tpu.core_type<sc_vector_subcore>, window_params = [{transform_indices = #map}, {transform_indices = #map}, {transform_indices = #map}, {transform_indices = #map}]} {
    %mul3A = arith.constant 2 : i32
    %mul3A_0 = arith.muli %arg1, %mul3A : i32
    %add3A = arith.addi %mul3A_0, %arg0 : i32
    %mul3A_1 = arith.constant 64 : i32
    %mul3A_2 = arith.muli %add3A, %mul3A_1 : i32
    "tpu.region"() ({
      %run_scoped3A = tpu.sem_alloc : memref<!tpu.dma_semaphore, #tpu.memory_space<semaphore_mem>>
      tpu.enqueue_dma source(%arg3 : memref<4x4096xi32, #tpu.memory_space<hbm>>) target(%arg6 : memref<4x4096xi32, #tpu.memory_space<vmem>>) target_semaphore(%run_scoped3A : memref<!tpu.dma_semaphore, #tpu.memory_space<semaphore_mem>>)
      tpu.wait_dma2 semaphore(%run_scoped3A : memref<!tpu.dma_semaphore, #tpu.memory_space<semaphore_mem>>) src(%arg3 : memref<4x4096xi32, #tpu.memory_space<hbm>>) dst(%arg6 : memref<4x4096xi32, #tpu.memory_space<vmem>>)
      tpu.yield
    }) : () -> ()
    "tpu.region"() ({
      %run_scoped3A = tpu.sem_alloc : memref<!tpu.dma_semaphore, #tpu.memory_space<semaphore_mem>>
      tpu.enqueue_dma source(%arg4 : memref<4x4096xf32, #tpu.memory_space<hbm>>) target(%arg7 : memref<4x4096xf32, #tpu.memory_space<vmem>>) target_semaphore(%run_scoped3A : memref<!tpu.dma_semaphore, #tpu.memory_space<semaphore_mem>>)
      tpu.wait_dma2 semaphore(%run_scoped3A : memref<!tpu.dma_semaphore, #tpu.memory_space<semaphore_mem>>) src(%arg4 : memref<4x4096xf32, #tpu.memory_space<hbm>>) dst(%arg7 : memref<4x4096xf32, #tpu.memory_space<vmem>>)
      tpu.yield
    }) : () -> ()
    %add3A_3 = arith.constant 0 : i32
    %add3A_4 = arith.addi %mul3A_2, %add3A_3 : i32
    %dma_start3A = arith.constant 0 : i32
    %dma_start3A_5 = arith.constant 0 : i32
    %dma_start3A_6 = arith.constant 0 : i32
    %dma_start3A_7 = tpu.memref_slice %arg8[%dma_start3A, %dma_start3A_5, %dma_start3A_6] : memref<2x4x4096xf32, #tpu.memory_space<vmem>> -> memref<1x4x4096xf32, #tpu.memory_space<vmem>>
    %dma_start3A_8 = tpu.memref_squeeze %dma_start3A_7 : memref<1x4x4096xf32, #tpu.memory_space<vmem>> -> memref<4x4096xf32, #tpu.memory_space<vmem>>
    %dma_start3A_9 = arith.constant 0 : i32
    %dma_start3A_10 = tpu.memref_slice %arg2[%add3A_4, %dma_start3A_9] : memref<2048x4096xf32, #tpu.memory_space<hbm>> -> memref<4x4096xf32, #tpu.memory_space<hbm>>
    %dma_start3A_11 = arith.constant 0 : i32
    %dma_start3A_12 = arith.constant 0 : i32
    %dma_start3A_13 = tpu.memref_slice %arg8[%dma_start3A, %dma_start3A_11, %dma_start3A_12] : memref<2x4x4096xf32, #tpu.memory_space<vmem>> -> memref<1x4x4096xf32, #tpu.memory_space<vmem>>
    %dma_start3A_14 = tpu.memref_squeeze %dma_start3A_13 : memref<1x4x4096xf32, #tpu.memory_space<vmem>> -> memref<4x4096xf32, #tpu.memory_space<vmem>>
    %dma_start3A_15 = arith.constant 0 : i32
    %dma_start3A_16 = tpu.memref_slice %arg2[%add3A_4, %dma_start3A_15] : memref<2048x4096xf32, #tpu.memory_space<hbm>> -> memref<4x4096xf32, #tpu.memory_space<hbm>>
    tpu.enqueue_dma source(%dma_start3A_16 : memref<4x4096xf32, #tpu.memory_space<hbm>>) target(%dma_start3A_14 : memref<4x4096xf32, #tpu.memory_space<vmem>>) target_semaphore(%arg10 : memref<!tpu.dma_semaphore, #tpu.memory_space<semaphore_mem>>)
    %add3A_17 = arith.constant 4 : i32
    %add3A_18 = arith.addi %mul3A_2, %add3A_17 : i32
    %dma_start3A_19 = arith.constant 1 : i32
    %dma_start3A_20 = arith.constant 0 : i32
    %dma_start3A_21 = arith.constant 0 : i32
    %dma_start3A_22 = tpu.memref_slice %arg8[%dma_start3A_19, %dma_start3A_20, %dma_start3A_21] : memref<2x4x4096xf32, #tpu.memory_space<vmem>> -> memref<1x4x4096xf32, #tpu.memory_space<vmem>>
    %dma_start3A_23 = tpu.memref_squeeze %dma_start3A_22 : memref<1x4x4096xf32, #tpu.memory_space<vmem>> -> memref<4x4096xf32, #tpu.memory_space<vmem>>
    %dma_start3A_24 = arith.constant 0 : i32
    %dma_start3A_25 = tpu.memref_slice %arg2[%add3A_18, %dma_start3A_24] : memref<2048x4096xf32, #tpu.memory_space<hbm>> -> memref<4x4096xf32, #tpu.memory_space<hbm>>
    %dma_start3A_26 = arith.constant 0 : i32
    %dma_start3A_27 = arith.constant 0 : i32
    %dma_start3A_28 = tpu.memref_slice %arg8[%dma_start3A_19, %dma_start3A_26, %dma_start3A_27] : memref<2x4x4096xf32, #tpu.memory_space<vmem>> -> memref<1x4x4096xf32, #tpu.memory_space<vmem>>
    %dma_start3A_29 = tpu.memref_squeeze %dma_start3A_28 : memref<1x4x4096xf32, #tpu.memory_space<vmem>> -> memref<4x4096xf32, #tpu.memory_space<vmem>>
    %dma_start3A_30 = arith.constant 0 : i32
    %dma_start3A_31 = tpu.memref_slice %arg2[%add3A_18, %dma_start3A_30] : memref<2048x4096xf32, #tpu.memory_space<hbm>> -> memref<4x4096xf32, #tpu.memory_space<hbm>>
    tpu.enqueue_dma source(%dma_start3A_31 : memref<4x4096xf32, #tpu.memory_space<hbm>>) target(%dma_start3A_29 : memref<4x4096xf32, #tpu.memory_space<vmem>>) target_semaphore(%arg11 : memref<!tpu.dma_semaphore, #tpu.memory_space<semaphore_mem>>)
    %scan3A = arith.constant 0 : i32
    %scan3A_32 = arith.constant 8 : i32
    %scan3A_33 = arith.addi %scan3A, %scan3A_32 : i32
    %scan3A_34 = arith.constant 1 : i32
    scf.for %scan3A_61 = %scan3A to %scan3A_33 step %scan3A_34  : i32 {
      %mul3A_62 = arith.constant 1 : i32
      %mul3A_63 = arith.muli %scan3A_61, %mul3A_62 : i32
      %add3A_64 = arith.constant 0 : i32
      %add3A_65 = arith.addi %add3A_64, %mul3A_63 : i32
      %mul3A_66 = arith.constant 2 : i32
      %mul3A_67 = arith.muli %mul3A_66, %add3A_65 : i32
      %add3A_68 = arith.constant 0 : i32
      %add3A_69 = arith.addi %mul3A_67, %add3A_68 : i32
      %dma_wait3A_70 = arith.constant 0 : i32
      %dma_wait3A_71 = arith.constant 0 : i32
      %dma_wait3A_72 = arith.constant 0 : i32
      %dma_wait3A_73 = tpu.memref_slice %arg8[%dma_wait3A_70, %dma_wait3A_71, %dma_wait3A_72] : memref<2x4x4096xf32, #tpu.memory_space<vmem>> -> memref<1x4x4096xf32, #tpu.memory_space<vmem>>
      %dma_wait3A_74 = tpu.memref_squeeze %dma_wait3A_73 : memref<1x4x4096xf32, #tpu.memory_space<vmem>> -> memref<4x4096xf32, #tpu.memory_space<vmem>>
      %dma_wait3A_75 = arith.constant 0 : i32
      %dma_wait3A_76 = tpu.memref_slice %arg2[%mul3A_2, %dma_wait3A_75] : memref<2048x4096xf32, #tpu.memory_space<hbm>> -> memref<4x4096xf32, #tpu.memory_space<hbm>>
      %dma_wait3A_77 = arith.constant 0 : i32
      %dma_wait3A_78 = arith.constant 0 : i32
      %dma_wait3A_79 = tpu.memref_slice %arg8[%dma_wait3A_70, %dma_wait3A_77, %dma_wait3A_78] : memref<2x4x4096xf32, #tpu.memory_space<vmem>> -> memref<1x4x4096xf32, #tpu.memory_space<vmem>>
      %dma_wait3A_80 = tpu.memref_squeeze %dma_wait3A_79 : memref<1x4x4096xf32, #tpu.memory_space<vmem>> -> memref<4x4096xf32, #tpu.memory_space<vmem>>
      %dma_wait3A_81 = arith.constant 0 : i32
      %dma_wait3A_82 = tpu.memref_slice %arg2[%mul3A_2, %dma_wait3A_81] : memref<2048x4096xf32, #tpu.memory_space<hbm>> -> memref<4x4096xf32, #tpu.memory_space<hbm>>
      tpu.wait_dma2 semaphore(%arg10 : memref<!tpu.dma_semaphore, #tpu.memory_space<semaphore_mem>>) src(%dma_wait3A_82 : memref<4x4096xf32, #tpu.memory_space<hbm>>) dst(%dma_wait3A_80 : memref<4x4096xf32, #tpu.memory_space<vmem>>)
      %ge3A = arith.constant 2 : i32
      %ge3A_83 = arith.cmpi sge, %add3A_69, %ge3A : i32
      %convert_element_type3A = arith.extui %ge3A_83 : i1 to i32
      %cond3A = arith.constant 0 : i32
      %cond3A_84 = arith.cmpi ne, %convert_element_type3A, %cond3A : i32
      scf.if %cond3A_84 {
        %dma_wait3A_176 = arith.constant 0 : i32
        %dma_wait3A_177 = arith.constant 0 : i32
        %dma_wait3A_178 = arith.constant 0 : i32
        %dma_wait3A_179 = tpu.memref_slice %arg9[%dma_wait3A_176, %dma_wait3A_177, %dma_wait3A_178] : memref<2x4x4096xf32, #tpu.memory_space<vmem>> -> memref<1x4x4096xf32, #tpu.memory_space<vmem>>
        %dma_wait3A_180 = tpu.memref_squeeze %dma_wait3A_179 : memref<1x4x4096xf32, #tpu.memory_space<vmem>> -> memref<4x4096xf32, #tpu.memory_space<vmem>>
        %dma_wait3A_181 = arith.constant 0 : i32
        %dma_wait3A_182 = tpu.memref_slice %arg5[%mul3A_2, %dma_wait3A_181] : memref<2048x4096xf32, #tpu.memory_space<hbm>> -> memref<4x4096xf32, #tpu.memory_space<hbm>>
        %dma_wait3A_183 = arith.constant 0 : i32
        %dma_wait3A_184 = tpu.memref_slice %arg5[%mul3A_2, %dma_wait3A_183] : memref<2048x4096xf32, #tpu.memory_space<hbm>> -> memref<4x4096xf32, #tpu.memory_space<hbm>>
        %dma_wait3A_185 = arith.constant 0 : i32
        %dma_wait3A_186 = arith.constant 0 : i32
        %dma_wait3A_187 = tpu.memref_slice %arg9[%dma_wait3A_176, %dma_wait3A_185, %dma_wait3A_186] : memref<2x4x4096xf32, #tpu.memory_space<vmem>> -> memref<1x4x4096xf32, #tpu.memory_space<vmem>>
        %dma_wait3A_188 = tpu.memref_squeeze %dma_wait3A_187 : memref<1x4x4096xf32, #tpu.memory_space<vmem>> -> memref<4x4096xf32, #tpu.memory_space<vmem>>
        tpu.wait_dma2 semaphore(%arg12 : memref<!tpu.dma_semaphore, #tpu.memory_space<semaphore_mem>>) src(%dma_wait3A_188 : memref<4x4096xf32, #tpu.memory_space<vmem>>) dst(%dma_wait3A_184 : memref<4x4096xf32, #tpu.memory_space<hbm>>)
      } else {
      }
      %broadcast_in_dim3A = arith.constant 0 : i32
      %broadcast_in_dim3A_85 = vector.broadcast %broadcast_in_dim3A : i32 to vector<16xi32>
      %broadcast_in_dim3A_86 = arith.constant 0 : i32
      %broadcast_in_dim3A_87 = vector.broadcast %broadcast_in_dim3A_86 : i32 to vector<16xi32>
      %broadcast_in_dim3A_88 = arith.constant 1 : i32
      %broadcast_in_dim3A_89 = vector.broadcast %broadcast_in_dim3A_88 : i32 to vector<16xi32>
      %broadcast_in_dim3A_90 = arith.constant 2 : i32
      %broadcast_in_dim3A_91 = vector.broadcast %broadcast_in_dim3A_90 : i32 to vector<16xi32>
      %broadcast_in_dim3A_92 = arith.constant 3 : i32
      %broadcast_in_dim3A_93 = vector.broadcast %broadcast_in_dim3A_92 : i32 to vector<16xi32>
      %parallel_loop3A = arith.constant 0 : i32
      %parallel_loop3A_94 = arith.constant 256 : i32
      %parallel_loop3A_95 = arith.constant 1 : i32
      scf.for %parallel_loop3A_176 = %parallel_loop3A to %parallel_loop3A_94 step %parallel_loop3A_95  : i32 {
        %parallel_loop3A_177 = arith.constant 16 : i32
        %parallel_loop3A_178 = arith.muli %parallel_loop3A_176, %parallel_loop3A_177 : i32
        %parallel_loop3A_179 = arith.constant 0 : i32
        %parallel_loop3A_180 = arith.index_cast %parallel_loop3A_179 : i32 to index
        %parallel_loop3A_181 = arith.index_cast %parallel_loop3A_178 : i32 to index
        %parallel_loop3A_182 = tpu.vector_load %arg6[%parallel_loop3A_180, %parallel_loop3A_181] {strides = array<i32>} : memref<4x4096xi32, #tpu.memory_space<vmem>>, vector<16xi32>,
        %parallel_loop3A_183 = arith.constant 1 : i32
        %parallel_loop3A_184 = arith.index_cast %parallel_loop3A_183 : i32 to index
        %parallel_loop3A_185 = arith.index_cast %parallel_loop3A_178 : i32 to index
        %parallel_loop3A_186 = tpu.vector_load %arg6[%parallel_loop3A_184, %parallel_loop3A_185] {strides = array<i32>} : memref<4x4096xi32, #tpu.memory_space<vmem>>, vector<16xi32>,
        %parallel_loop3A_187 = arith.constant 2 : i32
        %parallel_loop3A_188 = arith.index_cast %parallel_loop3A_187 : i32 to index
        %parallel_loop3A_189 = arith.index_cast %parallel_loop3A_178 : i32 to index
        %parallel_loop3A_190 = tpu.vector_load %arg6[%parallel_loop3A_188, %parallel_loop3A_189] {strides = array<i32>} : memref<4x4096xi32, #tpu.memory_space<vmem>>, vector<16xi32>,
        %parallel_loop3A_191 = arith.constant 3 : i32
        %parallel_loop3A_192 = arith.index_cast %parallel_loop3A_191 : i32 to index
        %parallel_loop3A_193 = arith.index_cast %parallel_loop3A_178 : i32 to index
        %parallel_loop3A_194 = tpu.vector_load %arg6[%parallel_loop3A_192, %parallel_loop3A_193] {strides = array<i32>} : memref<4x4096xi32, #tpu.memory_space<vmem>>, vector<16xi32>,
        %parallel_loop3A_195 = arith.constant 0 : i32
        %parallel_loop3A_196 = arith.index_cast %parallel_loop3A_195 : i32 to index
        %parallel_loop3A_197 = arith.index_cast %parallel_loop3A_178 : i32 to index
        %parallel_loop3A_198 = tpu.vector_load %arg7[%parallel_loop3A_196, %parallel_loop3A_197] {strides = array<i32>} : memref<4x4096xf32, #tpu.memory_space<vmem>>, vector<16xf32>,
        %parallel_loop3A_199 = arith.constant 1 : i32
        %parallel_loop3A_200 = arith.index_cast %parallel_loop3A_199 : i32 to index
        %parallel_loop3A_201 = arith.index_cast %parallel_loop3A_178 : i32 to index
        %parallel_loop3A_202 = tpu.vector_load %arg7[%parallel_loop3A_200, %parallel_loop3A_201] {strides = array<i32>} : memref<4x4096xf32, #tpu.memory_space<vmem>>, vector<16xf32>,
        %parallel_loop3A_203 = arith.constant 2 : i32
        %parallel_loop3A_204 = arith.index_cast %parallel_loop3A_203 : i32 to index
        %parallel_loop3A_205 = arith.index_cast %parallel_loop3A_178 : i32 to index
        %parallel_loop3A_206 = tpu.vector_load %arg7[%parallel_loop3A_204, %parallel_loop3A_205] {strides = array<i32>} : memref<4x4096xf32, #tpu.memory_space<vmem>>, vector<16xf32>,
        %parallel_loop3A_207 = arith.constant 3 : i32
        %parallel_loop3A_208 = arith.index_cast %parallel_loop3A_207 : i32 to index
        %parallel_loop3A_209 = arith.index_cast %parallel_loop3A_178 : i32 to index
        %parallel_loop3A_210 = tpu.vector_load %arg7[%parallel_loop3A_208, %parallel_loop3A_209] {strides = array<i32>} : memref<4x4096xf32, #tpu.memory_space<vmem>>, vector<16xf32>,
        %parallel_loop3A_211 = tpu.vector_load_idx %arg8[%broadcast_in_dim3A_85, %broadcast_in_dim3A_87, %parallel_loop3A_182] : memref<2x4x4096xf32, #tpu.memory_space<vmem>>[vector<16xi32>, vector<16xi32>, vector<16xi32>], vector<16xf32>,
        %parallel_loop3A_212 = tpu.vector_load_idx %arg8[%broadcast_in_dim3A_85, %broadcast_in_dim3A_87, %parallel_loop3A_186] : memref<2x4x4096xf32, #tpu.memory_space<vmem>>[vector<16xi32>, vector<16xi32>, vector<16xi32>], vector<16xf32>,
        %parallel_loop3A_213 = tpu.vector_load_idx %arg8[%broadcast_in_dim3A_85, %broadcast_in_dim3A_87, %parallel_loop3A_190] : memref<2x4x4096xf32, #tpu.memory_space<vmem>>[vector<16xi32>, vector<16xi32>, vector<16xi32>], vector<16xf32>,
        %parallel_loop3A_214 = tpu.vector_load_idx %arg8[%broadcast_in_dim3A_85, %broadcast_in_dim3A_87, %parallel_loop3A_194] : memref<2x4x4096xf32, #tpu.memory_space<vmem>>[vector<16xi32>, vector<16xi32>, vector<16xi32>], vector<16xf32>,
        %parallel_loop3A_215 = arith.mulf %parallel_loop3A_198, %parallel_loop3A_211 : vector<16xf32>
        %parallel_loop3A_216 = arith.mulf %parallel_loop3A_202, %parallel_loop3A_212 : vector<16xf32>
        %parallel_loop3A_217 = arith.addf %parallel_loop3A_215, %parallel_loop3A_216 : vector<16xf32>
        %parallel_loop3A_218 = arith.mulf %parallel_loop3A_206, %parallel_loop3A_213 : vector<16xf32>
        %parallel_loop3A_219 = arith.addf %parallel_loop3A_217, %parallel_loop3A_218 : vector<16xf32>
        %parallel_loop3A_220 = arith.mulf %parallel_loop3A_210, %parallel_loop3A_214 : vector<16xf32>
        %parallel_loop3A_221 = arith.addf %parallel_loop3A_219, %parallel_loop3A_220 : vector<16xf32>
        %parallel_loop3A_222 = arith.constant 0 : i32
        %parallel_loop3A_223 = arith.constant 0 : i32
        %parallel_loop3A_224 = arith.index_cast %parallel_loop3A_222 : i32 to index
        %parallel_loop3A_225 = arith.index_cast %parallel_loop3A_223 : i32 to index
        %parallel_loop3A_226 = arith.index_cast %parallel_loop3A_178 : i32 to index
        %parallel_loop3A_227 = tpu.vector_load %arg9[%parallel_loop3A_224, %parallel_loop3A_225, %parallel_loop3A_226] {strides = array<i32>} : memref<2x4x4096xf32, #tpu.memory_space<vmem>>, vector<16xf32>,
        tpu.vector_store %arg9[%parallel_loop3A_224, %parallel_loop3A_225, %parallel_loop3A_226], %parallel_loop3A_221 {strides = array<i32>} : memref<2x4x4096xf32, #tpu.memory_space<vmem>>, vector<16xf32>,
        %parallel_loop3A_228 = tpu.vector_load_idx %arg8[%broadcast_in_dim3A_85, %broadcast_in_dim3A_89, %parallel_loop3A_182] : memref<2x4x4096xf32, #tpu.memory_space<vmem>>[vector<16xi32>, vector<16xi32>, vector<16xi32>], vector<16xf32>,
        %parallel_loop3A_229 = tpu.vector_load_idx %arg8[%broadcast_in_dim3A_85, %broadcast_in_dim3A_89, %parallel_loop3A_186] : memref<2x4x4096xf32, #tpu.memory_space<vmem>>[vector<16xi32>, vector<16xi32>, vector<16xi32>], vector<16xf32>,
        %parallel_loop3A_230 = tpu.vector_load_idx %arg8[%broadcast_in_dim3A_85, %broadcast_in_dim3A_89, %parallel_loop3A_190] : memref<2x4x4096xf32, #tpu.memory_space<vmem>>[vector<16xi32>, vector<16xi32>, vector<16xi32>], vector<16xf32>,
        %parallel_loop3A_231 = tpu.vector_load_idx %arg8[%broadcast_in_dim3A_85, %broadcast_in_dim3A_89, %parallel_loop3A_194] : memref<2x4x4096xf32, #tpu.memory_space<vmem>>[vector<16xi32>, vector<16xi32>, vector<16xi32>], vector<16xf32>,
        %parallel_loop3A_232 = arith.mulf %parallel_loop3A_198, %parallel_loop3A_228 : vector<16xf32>
        %parallel_loop3A_233 = arith.mulf %parallel_loop3A_202, %parallel_loop3A_229 : vector<16xf32>
        %parallel_loop3A_234 = arith.addf %parallel_loop3A_232, %parallel_loop3A_233 : vector<16xf32>
        %parallel_loop3A_235 = arith.mulf %parallel_loop3A_206, %parallel_loop3A_230 : vector<16xf32>
        %parallel_loop3A_236 = arith.addf %parallel_loop3A_234, %parallel_loop3A_235 : vector<16xf32>
        %parallel_loop3A_237 = arith.mulf %parallel_loop3A_210, %parallel_loop3A_231 : vector<16xf32>
        %parallel_loop3A_238 = arith.addf %parallel_loop3A_236, %parallel_loop3A_237 : vector<16xf32>
        %parallel_loop3A_239 = arith.constant 0 : i32
        %parallel_loop3A_240 = arith.constant 1 : i32
        %parallel_loop3A_241 = arith.index_cast %parallel_loop3A_239 : i32 to index
        %parallel_loop3A_242 = arith.index_cast %parallel_loop3A_240 : i32 to index
        %parallel_loop3A_243 = arith.index_cast %parallel_loop3A_178 : i32 to index
        %parallel_loop3A_244 = tpu.vector_load %arg9[%parallel_loop3A_241, %parallel_loop3A_242, %parallel_loop3A_243] {strides = array<i32>} : memref<2x4x4096xf32, #tpu.memory_space<vmem>>, vector<16xf32>,
        tpu.vector_store %arg9[%parallel_loop3A_241, %parallel_loop3A_242, %parallel_loop3A_243], %parallel_loop3A_238 {strides = array<i32>} : memref<2x4x4096xf32, #tpu.memory_space<vmem>>, vector<16xf32>,
        %parallel_loop3A_245 = tpu.vector_load_idx %arg8[%broadcast_in_dim3A_85, %broadcast_in_dim3A_91, %parallel_loop3A_182] : memref<2x4x4096xf32, #tpu.memory_space<vmem>>[vector<16xi32>, vector<16xi32>, vector<16xi32>], vector<16xf32>,
        %parallel_loop3A_246 = tpu.vector_load_idx %arg8[%broadcast_in_dim3A_85, %broadcast_in_dim3A_91, %parallel_loop3A_186] : memref<2x4x4096xf32, #tpu.memory_space<vmem>>[vector<16xi32>, vector<16xi32>, vector<16xi32>], vector<16xf32>,
        %parallel_loop3A_247 = tpu.vector_load_idx %arg8[%broadcast_in_dim3A_85, %broadcast_in_dim3A_91, %parallel_loop3A_190] : memref<2x4x4096xf32, #tpu.memory_space<vmem>>[vector<16xi32>, vector<16xi32>, vector<16xi32>], vector<16xf32>,
        %parallel_loop3A_248 = tpu.vector_load_idx %arg8[%broadcast_in_dim3A_85, %broadcast_in_dim3A_91, %parallel_loop3A_194] : memref<2x4x4096xf32, #tpu.memory_space<vmem>>[vector<16xi32>, vector<16xi32>, vector<16xi32>], vector<16xf32>,
        %parallel_loop3A_249 = arith.mulf %parallel_loop3A_198, %parallel_loop3A_245 : vector<16xf32>
        %parallel_loop3A_250 = arith.mulf %parallel_loop3A_202, %parallel_loop3A_246 : vector<16xf32>
        %parallel_loop3A_251 = arith.addf %parallel_loop3A_249, %parallel_loop3A_250 : vector<16xf32>
        %parallel_loop3A_252 = arith.mulf %parallel_loop3A_206, %parallel_loop3A_247 : vector<16xf32>
        %parallel_loop3A_253 = arith.addf %parallel_loop3A_251, %parallel_loop3A_252 : vector<16xf32>
        %parallel_loop3A_254 = arith.mulf %parallel_loop3A_210, %parallel_loop3A_248 : vector<16xf32>
        %parallel_loop3A_255 = arith.addf %parallel_loop3A_253, %parallel_loop3A_254 : vector<16xf32>
        %parallel_loop3A_256 = arith.constant 0 : i32
        %parallel_loop3A_257 = arith.constant 2 : i32
        %parallel_loop3A_258 = arith.index_cast %parallel_loop3A_256 : i32 to index
        %parallel_loop3A_259 = arith.index_cast %parallel_loop3A_257 : i32 to index
        %parallel_loop3A_260 = arith.index_cast %parallel_loop3A_178 : i32 to index
        %parallel_loop3A_261 = tpu.vector_load %arg9[%parallel_loop3A_258, %parallel_loop3A_259, %parallel_loop3A_260] {strides = array<i32>} : memref<2x4x4096xf32, #tpu.memory_space<vmem>>, vector<16xf32>,
        tpu.vector_store %arg9[%parallel_loop3A_258, %parallel_loop3A_259, %parallel_loop3A_260], %parallel_loop3A_255 {strides = array<i32>} : memref<2x4x4096xf32, #tpu.memory_space<vmem>>, vector<16xf32>,
        %parallel_loop3A_262 = tpu.vector_load_idx %arg8[%broadcast_in_dim3A_85, %broadcast_in_dim3A_93, %parallel_loop3A_182] : memref<2x4x4096xf32, #tpu.memory_space<vmem>>[vector<16xi32>, vector<16xi32>, vector<16xi32>], vector<16xf32>,
        %parallel_loop3A_263 = tpu.vector_load_idx %arg8[%broadcast_in_dim3A_85, %broadcast_in_dim3A_93, %parallel_loop3A_186] : memref<2x4x4096xf32, #tpu.memory_space<vmem>>[vector<16xi32>, vector<16xi32>, vector<16xi32>], vector<16xf32>,
        %parallel_loop3A_264 = tpu.vector_load_idx %arg8[%broadcast_in_dim3A_85, %broadcast_in_dim3A_93, %parallel_loop3A_190] : memref<2x4x4096xf32, #tpu.memory_space<vmem>>[vector<16xi32>, vector<16xi32>, vector<16xi32>], vector<16xf32>,
        %parallel_loop3A_265 = tpu.vector_load_idx %arg8[%broadcast_in_dim3A_85, %broadcast_in_dim3A_93, %parallel_loop3A_194] : memref<2x4x4096xf32, #tpu.memory_space<vmem>>[vector<16xi32>, vector<16xi32>, vector<16xi32>], vector<16xf32>,
        %parallel_loop3A_266 = arith.mulf %parallel_loop3A_198, %parallel_loop3A_262 : vector<16xf32>
        %parallel_loop3A_267 = arith.mulf %parallel_loop3A_202, %parallel_loop3A_263 : vector<16xf32>
        %parallel_loop3A_268 = arith.addf %parallel_loop3A_266, %parallel_loop3A_267 : vector<16xf32>
        %parallel_loop3A_269 = arith.mulf %parallel_loop3A_206, %parallel_loop3A_264 : vector<16xf32>
        %parallel_loop3A_270 = arith.addf %parallel_loop3A_268, %parallel_loop3A_269 : vector<16xf32>
        %parallel_loop3A_271 = arith.mulf %parallel_loop3A_210, %parallel_loop3A_265 : vector<16xf32>
        %parallel_loop3A_272 = arith.addf %parallel_loop3A_270, %parallel_loop3A_271 : vector<16xf32>
        %parallel_loop3A_273 = arith.constant 0 : i32
        %parallel_loop3A_274 = arith.constant 3 : i32
        %parallel_loop3A_275 = arith.index_cast %parallel_loop3A_273 : i32 to index
        %parallel_loop3A_276 = arith.index_cast %parallel_loop3A_274 : i32 to index
        %parallel_loop3A_277 = arith.index_cast %parallel_loop3A_178 : i32 to index
        %parallel_loop3A_278 = tpu.vector_load %arg9[%parallel_loop3A_275, %parallel_loop3A_276, %parallel_loop3A_277] {strides = array<i32>} : memref<2x4x4096xf32, #tpu.memory_space<vmem>>, vector<16xf32>,
        tpu.vector_store %arg9[%parallel_loop3A_275, %parallel_loop3A_276, %parallel_loop3A_277], %parallel_loop3A_272 {strides = array<i32>} : memref<2x4x4096xf32, #tpu.memory_space<vmem>>, vector<16xf32>,
      } {sc.loop_unroll_factor = 2 : i64, sc.parallel_access}
      %mul3A_96 = arith.constant 4 : i32
      %mul3A_97 = arith.muli %add3A_69, %mul3A_96 : i32
      %add3A_98 = arith.addi %mul3A_2, %mul3A_97 : i32
      %dma_start3A_99 = arith.constant 0 : i32
      %dma_start3A_100 = arith.constant 0 : i32
      %dma_start3A_101 = arith.constant 0 : i32
      %dma_start3A_102 = tpu.memref_slice %arg9[%dma_start3A_99, %dma_start3A_100, %dma_start3A_101] : memref<2x4x4096xf32, #tpu.memory_space<vmem>> -> memref<1x4x4096xf32, #tpu.memory_space<vmem>>
      %dma_start3A_103 = tpu.memref_squeeze %dma_start3A_102 : memref<1x4x4096xf32, #tpu.memory_space<vmem>> -> memref<4x4096xf32, #tpu.memory_space<vmem>>
      %dma_start3A_104 = arith.constant 0 : i32
      %dma_start3A_105 = tpu.memref_slice %arg5[%add3A_98, %dma_start3A_104] : memref<2048x4096xf32, #tpu.memory_space<hbm>> -> memref<4x4096xf32, #tpu.memory_space<hbm>>
      %dma_start3A_106 = arith.constant 0 : i32
      %dma_start3A_107 = tpu.memref_slice %arg5[%add3A_98, %dma_start3A_106] : memref<2048x4096xf32, #tpu.memory_space<hbm>> -> memref<4x4096xf32, #tpu.memory_space<hbm>>
      %dma_start3A_108 = arith.constant 0 : i32
      %dma_start3A_109 = arith.constant 0 : i32
      %dma_start3A_110 = tpu.memref_slice %arg9[%dma_start3A_99, %dma_start3A_108, %dma_start3A_109] : memref<2x4x4096xf32, #tpu.memory_space<vmem>> -> memref<1x4x4096xf32, #tpu.memory_space<vmem>>
      %dma_start3A_111 = tpu.memref_squeeze %dma_start3A_110 : memref<1x4x4096xf32, #tpu.memory_space<vmem>> -> memref<4x4096xf32, #tpu.memory_space<vmem>>
      tpu.enqueue_dma source(%dma_start3A_111 : memref<4x4096xf32, #tpu.memory_space<vmem>>) target(%dma_start3A_107 : memref<4x4096xf32, #tpu.memory_space<hbm>>) target_semaphore(%arg12 : memref<!tpu.dma_semaphore, #tpu.memory_space<semaphore_mem>>)
      %add3A_112 = arith.constant 2 : i32
      %add3A_113 = arith.addi %add3A_69, %add3A_112 : i32
      %lt3A = arith.constant 16 : i32
      %lt3A_114 = arith.cmpi slt, %add3A_113, %lt3A : i32
      %convert_element_type3A_115 = arith.extui %lt3A_114 : i1 to i32
      %cond3A_116 = arith.constant 0 : i32
      %cond3A_117 = arith.cmpi ne, %convert_element_type3A_115, %cond3A_116 : i32
      scf.if %cond3A_117 {
        %add3A_176 = arith.constant 2 : i32
        %add3A_177 = arith.addi %add3A_69, %add3A_176 : i32
        %mul3A_178 = arith.constant 4 : i32
        %mul3A_179 = arith.muli %add3A_177, %mul3A_178 : i32
        %add3A_180 = arith.addi %mul3A_2, %mul3A_179 : i32
        %dma_start3A_181 = arith.constant 0 : i32
        %dma_start3A_182 = arith.constant 0 : i32
        %dma_start3A_183 = arith.constant 0 : i32
        %dma_start3A_184 = tpu.memref_slice %arg8[%dma_start3A_181, %dma_start3A_182, %dma_start3A_183] : memref<2x4x4096xf32, #tpu.memory_space<vmem>> -> memref<1x4x4096xf32, #tpu.memory_space<vmem>>
        %dma_start3A_185 = tpu.memref_squeeze %dma_start3A_184 : memref<1x4x4096xf32, #tpu.memory_space<vmem>> -> memref<4x4096xf32, #tpu.memory_space<vmem>>
        %dma_start3A_186 = arith.constant 0 : i32
        %dma_start3A_187 = tpu.memref_slice %arg2[%add3A_180, %dma_start3A_186] : memref<2048x4096xf32, #tpu.memory_space<hbm>> -> memref<4x4096xf32, #tpu.memory_space<hbm>>
        %dma_start3A_188 = arith.constant 0 : i32
        %dma_start3A_189 = arith.constant 0 : i32
        %dma_start3A_190 = tpu.memref_slice %arg8[%dma_start3A_181, %dma_start3A_188, %dma_start3A_189] : memref<2x4x4096xf32, #tpu.memory_space<vmem>> -> memref<1x4x4096xf32, #tpu.memory_space<vmem>>
        %dma_start3A_191 = tpu.memref_squeeze %dma_start3A_190 : memref<1x4x4096xf32, #tpu.memory_space<vmem>> -> memref<4x4096xf32, #tpu.memory_space<vmem>>
        %dma_start3A_192 = arith.constant 0 : i32
        %dma_start3A_193 = tpu.memref_slice %arg2[%add3A_180, %dma_start3A_192] : memref<2048x4096xf32, #tpu.memory_space<hbm>> -> memref<4x4096xf32, #tpu.memory_space<hbm>>
        tpu.enqueue_dma source(%dma_start3A_193 : memref<4x4096xf32, #tpu.memory_space<hbm>>) target(%dma_start3A_191 : memref<4x4096xf32, #tpu.memory_space<vmem>>) target_semaphore(%arg10 : memref<!tpu.dma_semaphore, #tpu.memory_space<semaphore_mem>>)
      } else {
      }
      %mul3A_118 = arith.constant 2 : i32
      %mul3A_119 = arith.muli %mul3A_118, %add3A_65 : i32
      %add3A_120 = arith.constant 1 : i32
      %add3A_121 = arith.addi %mul3A_119, %add3A_120 : i32
      %dma_wait3A_122 = arith.constant 1 : i32
      %dma_wait3A_123 = arith.constant 0 : i32
      %dma_wait3A_124 = arith.constant 0 : i32
      %dma_wait3A_125 = tpu.memref_slice %arg8[%dma_wait3A_122, %dma_wait3A_123, %dma_wait3A_124] : memref<2x4x4096xf32, #tpu.memory_space<vmem>> -> memref<1x4x4096xf32, #tpu.memory_space<vmem>>
      %dma_wait3A_126 = tpu.memref_squeeze %dma_wait3A_125 : memref<1x4x4096xf32, #tpu.memory_space<vmem>> -> memref<4x4096xf32, #tpu.memory_space<vmem>>
      %dma_wait3A_127 = arith.constant 0 : i32
      %dma_wait3A_128 = tpu.memref_slice %arg2[%mul3A_2, %dma_wait3A_127] : memref<2048x4096xf32, #tpu.memory_space<hbm>> -> memref<4x4096xf32, #tpu.memory_space<hbm>>
      %dma_wait3A_129 = arith.constant 0 : i32
      %dma_wait3A_130 = arith.constant 0 : i32
      %dma_wait3A_131 = tpu.memref_slice %arg8[%dma_wait3A_122, %dma_wait3A_129, %dma_wait3A_130] : memref<2x4x4096xf32, #tpu.memory_space<vmem>> -> memref<1x4x4096xf32, #tpu.memory_space<vmem>>
      %dma_wait3A_132 = tpu.memref_squeeze %dma_wait3A_131 : memref<1x4x4096xf32, #tpu.memory_space<vmem>> -> memref<4x4096xf32, #tpu.memory_space<vmem>>
      %dma_wait3A_133 = arith.constant 0 : i32
      %dma_wait3A_134 = tpu.memref_slice %arg2[%mul3A_2, %dma_wait3A_133] : memref<2048x4096xf32, #tpu.memory_space<hbm>> -> memref<4x4096xf32, #tpu.memory_space<hbm>>
      tpu.wait_dma2 semaphore(%arg11 : memref<!tpu.dma_semaphore, #tpu.memory_space<semaphore_mem>>) src(%dma_wait3A_134 : memref<4x4096xf32, #tpu.memory_space<hbm>>) dst(%dma_wait3A_132 : memref<4x4096xf32, #tpu.memory_space<vmem>>)
      %ge3A_135 = arith.constant 2 : i32
      %ge3A_136 = arith.cmpi sge, %add3A_121, %ge3A_135 : i32
      %convert_element_type3A_137 = arith.extui %ge3A_136 : i1 to i32
      %cond3A_138 = arith.constant 0 : i32
      %cond3A_139 = arith.cmpi ne, %convert_element_type3A_137, %cond3A_138 : i32
      scf.if %cond3A_139 {
        %dma_wait3A_176 = arith.constant 1 : i32
        %dma_wait3A_177 = arith.constant 0 : i32
        %dma_wait3A_178 = arith.constant 0 : i32
        %dma_wait3A_179 = tpu.memref_slice %arg9[%dma_wait3A_176, %dma_wait3A_177, %dma_wait3A_178] : memref<2x4x4096xf32, #tpu.memory_space<vmem>> -> memref<1x4x4096xf32, #tpu.memory_space<vmem>>
        %dma_wait3A_180 = tpu.memref_squeeze %dma_wait3A_179 : memref<1x4x4096xf32, #tpu.memory_space<vmem>> -> memref<4x4096xf32, #tpu.memory_space<vmem>>
        %dma_wait3A_181 = arith.constant 0 : i32
        %dma_wait3A_182 = tpu.memref_slice %arg5[%mul3A_2, %dma_wait3A_181] : memref<2048x4096xf32, #tpu.memory_space<hbm>> -> memref<4x4096xf32, #tpu.memory_space<hbm>>
        %dma_wait3A_183 = arith.constant 0 : i32
        %dma_wait3A_184 = tpu.memref_slice %arg5[%mul3A_2, %dma_wait3A_183] : memref<2048x4096xf32, #tpu.memory_space<hbm>> -> memref<4x4096xf32, #tpu.memory_space<hbm>>
        %dma_wait3A_185 = arith.constant 0 : i32
        %dma_wait3A_186 = arith.constant 0 : i32
        %dma_wait3A_187 = tpu.memref_slice %arg9[%dma_wait3A_176, %dma_wait3A_185, %dma_wait3A_186] : memref<2x4x4096xf32, #tpu.memory_space<vmem>> -> memref<1x4x4096xf32, #tpu.memory_space<vmem>>
        %dma_wait3A_188 = tpu.memref_squeeze %dma_wait3A_187 : memref<1x4x4096xf32, #tpu.memory_space<vmem>> -> memref<4x4096xf32, #tpu.memory_space<vmem>>
        tpu.wait_dma2 semaphore(%arg13 : memref<!tpu.dma_semaphore, #tpu.memory_space<semaphore_mem>>) src(%dma_wait3A_188 : memref<4x4096xf32, #tpu.memory_space<vmem>>) dst(%dma_wait3A_184 : memref<4x4096xf32, #tpu.memory_space<hbm>>)
      } else {
      }
      %broadcast_in_dim3A_140 = arith.constant 1 : i32
      %broadcast_in_dim3A_141 = vector.broadcast %broadcast_in_dim3A_140 : i32 to vector<16xi32>
      %broadcast_in_dim3A_142 = arith.constant 0 : i32
      %broadcast_in_dim3A_143 = vector.broadcast %broadcast_in_dim3A_142 : i32 to vector<16xi32>
      %broadcast_in_dim3A_144 = arith.constant 1 : i32
      %broadcast_in_dim3A_145 = vector.broadcast %broadcast_in_dim3A_144 : i32 to vector<16xi32>
      %broadcast_in_dim3A_146 = arith.constant 2 : i32
      %broadcast_in_dim3A_147 = vector.broadcast %broadcast_in_dim3A_146 : i32 to vector<16xi32>
      %broadcast_in_dim3A_148 = arith.constant 3 : i32
      %broadcast_in_dim3A_149 = vector.broadcast %broadcast_in_dim3A_148 : i32 to vector<16xi32>
      %parallel_loop3A_150 = arith.constant 0 : i32
      %parallel_loop3A_151 = arith.constant 256 : i32
      %parallel_loop3A_152 = arith.constant 1 : i32
      scf.for %parallel_loop3A_176 = %parallel_loop3A_150 to %parallel_loop3A_151 step %parallel_loop3A_152  : i32 {
        %parallel_loop3A_177 = arith.constant 16 : i32
        %parallel_loop3A_178 = arith.muli %parallel_loop3A_176, %parallel_loop3A_177 : i32
        %parallel_loop3A_179 = arith.constant 0 : i32
        %parallel_loop3A_180 = arith.index_cast %parallel_loop3A_179 : i32 to index
        %parallel_loop3A_181 = arith.index_cast %parallel_loop3A_178 : i32 to index
        %parallel_loop3A_182 = tpu.vector_load %arg6[%parallel_loop3A_180, %parallel_loop3A_181] {strides = array<i32>} : memref<4x4096xi32, #tpu.memory_space<vmem>>, vector<16xi32>,
        %parallel_loop3A_183 = arith.constant 1 : i32
        %parallel_loop3A_184 = arith.index_cast %parallel_loop3A_183 : i32 to index
        %parallel_loop3A_185 = arith.index_cast %parallel_loop3A_178 : i32 to index
        %parallel_loop3A_186 = tpu.vector_load %arg6[%parallel_loop3A_184, %parallel_loop3A_185] {strides = array<i32>} : memref<4x4096xi32, #tpu.memory_space<vmem>>, vector<16xi32>,
        %parallel_loop3A_187 = arith.constant 2 : i32
        %parallel_loop3A_188 = arith.index_cast %parallel_loop3A_187 : i32 to index
        %parallel_loop3A_189 = arith.index_cast %parallel_loop3A_178 : i32 to index
        %parallel_loop3A_190 = tpu.vector_load %arg6[%parallel_loop3A_188, %parallel_loop3A_189] {strides = array<i32>} : memref<4x4096xi32, #tpu.memory_space<vmem>>, vector<16xi32>,
        %parallel_loop3A_191 = arith.constant 3 : i32
        %parallel_loop3A_192 = arith.index_cast %parallel_loop3A_191 : i32 to index
        %parallel_loop3A_193 = arith.index_cast %parallel_loop3A_178 : i32 to index
        %parallel_loop3A_194 = tpu.vector_load %arg6[%parallel_loop3A_192, %parallel_loop3A_193] {strides = array<i32>} : memref<4x4096xi32, #tpu.memory_space<vmem>>, vector<16xi32>,
        %parallel_loop3A_195 = arith.constant 0 : i32
        %parallel_loop3A_196 = arith.index_cast %parallel_loop3A_195 : i32 to index
        %parallel_loop3A_197 = arith.index_cast %parallel_loop3A_178 : i32 to index
        %parallel_loop3A_198 = tpu.vector_load %arg7[%parallel_loop3A_196, %parallel_loop3A_197] {strides = array<i32>} : memref<4x4096xf32, #tpu.memory_space<vmem>>, vector<16xf32>,
        %parallel_loop3A_199 = arith.constant 1 : i32
        %parallel_loop3A_200 = arith.index_cast %parallel_loop3A_199 : i32 to index
        %parallel_loop3A_201 = arith.index_cast %parallel_loop3A_178 : i32 to index
        %parallel_loop3A_202 = tpu.vector_load %arg7[%parallel_loop3A_200, %parallel_loop3A_201] {strides = array<i32>} : memref<4x4096xf32, #tpu.memory_space<vmem>>, vector<16xf32>,
        %parallel_loop3A_203 = arith.constant 2 : i32
        %parallel_loop3A_204 = arith.index_cast %parallel_loop3A_203 : i32 to index
        %parallel_loop3A_205 = arith.index_cast %parallel_loop3A_178 : i32 to index
        %parallel_loop3A_206 = tpu.vector_load %arg7[%parallel_loop3A_204, %parallel_loop3A_205] {strides = array<i32>} : memref<4x4096xf32, #tpu.memory_space<vmem>>, vector<16xf32>,
        %parallel_loop3A_207 = arith.constant 3 : i32
        %parallel_loop3A_208 = arith.index_cast %parallel_loop3A_207 : i32 to index
        %parallel_loop3A_209 = arith.index_cast %parallel_loop3A_178 : i32 to index
        %parallel_loop3A_210 = tpu.vector_load %arg7[%parallel_loop3A_208, %parallel_loop3A_209] {strides = array<i32>} : memref<4x4096xf32, #tpu.memory_space<vmem>>, vector<16xf32>,
        %parallel_loop3A_211 = tpu.vector_load_idx %arg8[%broadcast_in_dim3A_141, %broadcast_in_dim3A_143, %parallel_loop3A_182] : memref<2x4x4096xf32, #tpu.memory_space<vmem>>[vector<16xi32>, vector<16xi32>, vector<16xi32>], vector<16xf32>,
        %parallel_loop3A_212 = tpu.vector_load_idx %arg8[%broadcast_in_dim3A_141, %broadcast_in_dim3A_143, %parallel_loop3A_186] : memref<2x4x4096xf32, #tpu.memory_space<vmem>>[vector<16xi32>, vector<16xi32>, vector<16xi32>], vector<16xf32>,
        %parallel_loop3A_213 = tpu.vector_load_idx %arg8[%broadcast_in_dim3A_141, %broadcast_in_dim3A_143, %parallel_loop3A_190] : memref<2x4x4096xf32, #tpu.memory_space<vmem>>[vector<16xi32>, vector<16xi32>, vector<16xi32>], vector<16xf32>,
        %parallel_loop3A_214 = tpu.vector_load_idx %arg8[%broadcast_in_dim3A_141, %broadcast_in_dim3A_143, %parallel_loop3A_194] : memref<2x4x4096xf32, #tpu.memory_space<vmem>>[vector<16xi32>, vector<16xi32>, vector<16xi32>], vector<16xf32>,
        %parallel_loop3A_215 = arith.mulf %parallel_loop3A_198, %parallel_loop3A_211 : vector<16xf32>
        %parallel_loop3A_216 = arith.mulf %parallel_loop3A_202, %parallel_loop3A_212 : vector<16xf32>
        %parallel_loop3A_217 = arith.addf %parallel_loop3A_215, %parallel_loop3A_216 : vector<16xf32>
        %parallel_loop3A_218 = arith.mulf %parallel_loop3A_206, %parallel_loop3A_213 : vector<16xf32>
        %parallel_loop3A_219 = arith.addf %parallel_loop3A_217, %parallel_loop3A_218 : vector<16xf32>
        %parallel_loop3A_220 = arith.mulf %parallel_loop3A_210, %parallel_loop3A_214 : vector<16xf32>
        %parallel_loop3A_221 = arith.addf %parallel_loop3A_219, %parallel_loop3A_220 : vector<16xf32>
        %parallel_loop3A_222 = arith.constant 1 : i32
        %parallel_loop3A_223 = arith.constant 0 : i32
        %parallel_loop3A_224 = arith.index_cast %parallel_loop3A_222 : i32 to index
        %parallel_loop3A_225 = arith.index_cast %parallel_loop3A_223 : i32 to index
        %parallel_loop3A_226 = arith.index_cast %parallel_loop3A_178 : i32 to index
        %parallel_loop3A_227 = tpu.vector_load %arg9[%parallel_loop3A_224, %parallel_loop3A_225, %parallel_loop3A_226] {strides = array<i32>} : memref<2x4x4096xf32, #tpu.memory_space<vmem>>, vector<16xf32>,
        tpu.vector_store %arg9[%parallel_loop3A_224, %parallel_loop3A_225, %parallel_loop3A_226], %parallel_loop3A_221 {strides = array<i32>} : memref<2x4x4096xf32, #tpu.memory_space<vmem>>, vector<16xf32>,
        %parallel_loop3A_228 = tpu.vector_load_idx %arg8[%broadcast_in_dim3A_141, %broadcast_in_dim3A_145, %parallel_loop3A_182] : memref<2x4x4096xf32, #tpu.memory_space<vmem>>[vector<16xi32>, vector<16xi32>, vector<16xi32>], vector<16xf32>,
        %parallel_loop3A_229 = tpu.vector_load_idx %arg8[%broadcast_in_dim3A_141, %broadcast_in_dim3A_145, %parallel_loop3A_186] : memref<2x4x4096xf32, #tpu.memory_space<vmem>>[vector<16xi32>, vector<16xi32>, vector<16xi32>], vector<16xf32>,
        %parallel_loop3A_230 = tpu.vector_load_idx %arg8[%broadcast_in_dim3A_141, %broadcast_in_dim3A_145, %parallel_loop3A_190] : memref<2x4x4096xf32, #tpu.memory_space<vmem>>[vector<16xi32>, vector<16xi32>, vector<16xi32>], vector<16xf32>,
        %parallel_loop3A_231 = tpu.vector_load_idx %arg8[%broadcast_in_dim3A_141, %broadcast_in_dim3A_145, %parallel_loop3A_194] : memref<2x4x4096xf32, #tpu.memory_space<vmem>>[vector<16xi32>, vector<16xi32>, vector<16xi32>], vector<16xf32>,
        %parallel_loop3A_232 = arith.mulf %parallel_loop3A_198, %parallel_loop3A_228 : vector<16xf32>
        %parallel_loop3A_233 = arith.mulf %parallel_loop3A_202, %parallel_loop3A_229 : vector<16xf32>
        %parallel_loop3A_234 = arith.addf %parallel_loop3A_232, %parallel_loop3A_233 : vector<16xf32>
        %parallel_loop3A_235 = arith.mulf %parallel_loop3A_206, %parallel_loop3A_230 : vector<16xf32>
        %parallel_loop3A_236 = arith.addf %parallel_loop3A_234, %parallel_loop3A_235 : vector<16xf32>
        %parallel_loop3A_237 = arith.mulf %parallel_loop3A_210, %parallel_loop3A_231 : vector<16xf32>
        %parallel_loop3A_238 = arith.addf %parallel_loop3A_236, %parallel_loop3A_237 : vector<16xf32>
        %parallel_loop3A_239 = arith.constant 1 : i32
        %parallel_loop3A_240 = arith.constant 1 : i32
        %parallel_loop3A_241 = arith.index_cast %parallel_loop3A_239 : i32 to index
        %parallel_loop3A_242 = arith.index_cast %parallel_loop3A_240 : i32 to index
        %parallel_loop3A_243 = arith.index_cast %parallel_loop3A_178 : i32 to index
        %parallel_loop3A_244 = tpu.vector_load %arg9[%parallel_loop3A_241, %parallel_loop3A_242, %parallel_loop3A_243] {strides = array<i32>} : memref<2x4x4096xf32, #tpu.memory_space<vmem>>, vector<16xf32>,
        tpu.vector_store %arg9[%parallel_loop3A_241, %parallel_loop3A_242, %parallel_loop3A_243], %parallel_loop3A_238 {strides = array<i32>} : memref<2x4x4096xf32, #tpu.memory_space<vmem>>, vector<16xf32>,
        %parallel_loop3A_245 = tpu.vector_load_idx %arg8[%broadcast_in_dim3A_141, %broadcast_in_dim3A_147, %parallel_loop3A_182] : memref<2x4x4096xf32, #tpu.memory_space<vmem>>[vector<16xi32>, vector<16xi32>, vector<16xi32>], vector<16xf32>,
        %parallel_loop3A_246 = tpu.vector_load_idx %arg8[%broadcast_in_dim3A_141, %broadcast_in_dim3A_147, %parallel_loop3A_186] : memref<2x4x4096xf32, #tpu.memory_space<vmem>>[vector<16xi32>, vector<16xi32>, vector<16xi32>], vector<16xf32>,
        %parallel_loop3A_247 = tpu.vector_load_idx %arg8[%broadcast_in_dim3A_141, %broadcast_in_dim3A_147, %parallel_loop3A_190] : memref<2x4x4096xf32, #tpu.memory_space<vmem>>[vector<16xi32>, vector<16xi32>, vector<16xi32>], vector<16xf32>,
        %parallel_loop3A_248 = tpu.vector_load_idx %arg8[%broadcast_in_dim3A_141, %broadcast_in_dim3A_147, %parallel_loop3A_194] : memref<2x4x4096xf32, #tpu.memory_space<vmem>>[vector<16xi32>, vector<16xi32>, vector<16xi32>], vector<16xf32>,
        %parallel_loop3A_249 = arith.mulf %parallel_loop3A_198, %parallel_loop3A_245 : vector<16xf32>
        %parallel_loop3A_250 = arith.mulf %parallel_loop3A_202, %parallel_loop3A_246 : vector<16xf32>
        %parallel_loop3A_251 = arith.addf %parallel_loop3A_249, %parallel_loop3A_250 : vector<16xf32>
        %parallel_loop3A_252 = arith.mulf %parallel_loop3A_206, %parallel_loop3A_247 : vector<16xf32>
        %parallel_loop3A_253 = arith.addf %parallel_loop3A_251, %parallel_loop3A_252 : vector<16xf32>
        %parallel_loop3A_254 = arith.mulf %parallel_loop3A_210, %parallel_loop3A_248 : vector<16xf32>
        %parallel_loop3A_255 = arith.addf %parallel_loop3A_253, %parallel_loop3A_254 : vector<16xf32>
        %parallel_loop3A_256 = arith.constant 1 : i32
        %parallel_loop3A_257 = arith.constant 2 : i32
        %parallel_loop3A_258 = arith.index_cast %parallel_loop3A_256 : i32 to index
        %parallel_loop3A_259 = arith.index_cast %parallel_loop3A_257 : i32 to index
        %parallel_loop3A_260 = arith.index_cast %parallel_loop3A_178 : i32 to index
        %parallel_loop3A_261 = tpu.vector_load %arg9[%parallel_loop3A_258, %parallel_loop3A_259, %parallel_loop3A_260] {strides = array<i32>} : memref<2x4x4096xf32, #tpu.memory_space<vmem>>, vector<16xf32>,
        tpu.vector_store %arg9[%parallel_loop3A_258, %parallel_loop3A_259, %parallel_loop3A_260], %parallel_loop3A_255 {strides = array<i32>} : memref<2x4x4096xf32, #tpu.memory_space<vmem>>, vector<16xf32>,
        %parallel_loop3A_262 = tpu.vector_load_idx %arg8[%broadcast_in_dim3A_141, %broadcast_in_dim3A_149, %parallel_loop3A_182] : memref<2x4x4096xf32, #tpu.memory_space<vmem>>[vector<16xi32>, vector<16xi32>, vector<16xi32>], vector<16xf32>,
        %parallel_loop3A_263 = tpu.vector_load_idx %arg8[%broadcast_in_dim3A_141, %broadcast_in_dim3A_149, %parallel_loop3A_186] : memref<2x4x4096xf32, #tpu.memory_space<vmem>>[vector<16xi32>, vector<16xi32>, vector<16xi32>], vector<16xf32>,
        %parallel_loop3A_264 = tpu.vector_load_idx %arg8[%broadcast_in_dim3A_141, %broadcast_in_dim3A_149, %parallel_loop3A_190] : memref<2x4x4096xf32, #tpu.memory_space<vmem>>[vector<16xi32>, vector<16xi32>, vector<16xi32>], vector<16xf32>,
        %parallel_loop3A_265 = tpu.vector_load_idx %arg8[%broadcast_in_dim3A_141, %broadcast_in_dim3A_149, %parallel_loop3A_194] : memref<2x4x4096xf32, #tpu.memory_space<vmem>>[vector<16xi32>, vector<16xi32>, vector<16xi32>], vector<16xf32>,
        %parallel_loop3A_266 = arith.mulf %parallel_loop3A_198, %parallel_loop3A_262 : vector<16xf32>
        %parallel_loop3A_267 = arith.mulf %parallel_loop3A_202, %parallel_loop3A_263 : vector<16xf32>
        %parallel_loop3A_268 = arith.addf %parallel_loop3A_266, %parallel_loop3A_267 : vector<16xf32>
        %parallel_loop3A_269 = arith.mulf %parallel_loop3A_206, %parallel_loop3A_264 : vector<16xf32>
        %parallel_loop3A_270 = arith.addf %parallel_loop3A_268, %parallel_loop3A_269 : vector<16xf32>
        %parallel_loop3A_271 = arith.mulf %parallel_loop3A_210, %parallel_loop3A_265 : vector<16xf32>
        %parallel_loop3A_272 = arith.addf %parallel_loop3A_270, %parallel_loop3A_271 : vector<16xf32>
        %parallel_loop3A_273 = arith.constant 1 : i32
        %parallel_loop3A_274 = arith.constant 3 : i32
        %parallel_loop3A_275 = arith.index_cast %parallel_loop3A_273 : i32 to index
        %parallel_loop3A_276 = arith.index_cast %parallel_loop3A_274 : i32 to index
        %parallel_loop3A_277 = arith.index_cast %parallel_loop3A_178 : i32 to index
        %parallel_loop3A_278 = tpu.vector_load %arg9[%parallel_loop3A_275, %parallel_loop3A_276, %parallel_loop3A_277] {strides = array<i32>} : memref<2x4x4096xf32, #tpu.memory_space<vmem>>, vector<16xf32>,
        tpu.vector_store %arg9[%parallel_loop3A_275, %parallel_loop3A_276, %parallel_loop3A_277], %parallel_loop3A_272 {strides = array<i32>} : memref<2x4x4096xf32, #tpu.memory_space<vmem>>, vector<16xf32>,
      } {sc.loop_unroll_factor = 2 : i64, sc.parallel_access}
      %mul3A_153 = arith.constant 4 : i32
      %mul3A_154 = arith.muli %add3A_121, %mul3A_153 : i32
      %add3A_155 = arith.addi %mul3A_2, %mul3A_154 : i32
      %dma_start3A_156 = arith.constant 1 : i32
      %dma_start3A_157 = arith.constant 0 : i32
      %dma_start3A_158 = arith.constant 0 : i32
      %dma_start3A_159 = tpu.memref_slice %arg9[%dma_start3A_156, %dma_start3A_157, %dma_start3A_158] : memref<2x4x4096xf32, #tpu.memory_space<vmem>> -> memref<1x4x4096xf32, #tpu.memory_space<vmem>>
      %dma_start3A_160 = tpu.memref_squeeze %dma_start3A_159 : memref<1x4x4096xf32, #tpu.memory_space<vmem>> -> memref<4x4096xf32, #tpu.memory_space<vmem>>
      %dma_start3A_161 = arith.constant 0 : i32
      %dma_start3A_162 = tpu.memref_slice %arg5[%add3A_155, %dma_start3A_161] : memref<2048x4096xf32, #tpu.memory_space<hbm>> -> memref<4x4096xf32, #tpu.memory_space<hbm>>
      %dma_start3A_163 = arith.constant 0 : i32
      %dma_start3A_164 = tpu.memref_slice %arg5[%add3A_155, %dma_start3A_163] : memref<2048x4096xf32, #tpu.memory_space<hbm>> -> memref<4x4096xf32, #tpu.memory_space<hbm>>
      %dma_start3A_165 = arith.constant 0 : i32
      %dma_start3A_166 = arith.constant 0 : i32
      %dma_start3A_167 = tpu.memref_slice %arg9[%dma_start3A_156, %dma_start3A_165, %dma_start3A_166] : memref<2x4x4096xf32, #tpu.memory_space<vmem>> -> memref<1x4x4096xf32, #tpu.memory_space<vmem>>
      %dma_start3A_168 = tpu.memref_squeeze %dma_start3A_167 : memref<1x4x4096xf32, #tpu.memory_space<vmem>> -> memref<4x4096xf32, #tpu.memory_space<vmem>>
      tpu.enqueue_dma source(%dma_start3A_168 : memref<4x4096xf32, #tpu.memory_space<vmem>>) target(%dma_start3A_164 : memref<4x4096xf32, #tpu.memory_space<hbm>>) target_semaphore(%arg13 : memref<!tpu.dma_semaphore, #tpu.memory_space<semaphore_mem>>)
      %add3A_169 = arith.constant 2 : i32
      %add3A_170 = arith.addi %add3A_121, %add3A_169 : i32
      %lt3A_171 = arith.constant 16 : i32
      %lt3A_172 = arith.cmpi slt, %add3A_170, %lt3A_171 : i32
      %convert_element_type3A_173 = arith.extui %lt3A_172 : i1 to i32
      %cond3A_174 = arith.constant 0 : i32
      %cond3A_175 = arith.cmpi ne, %convert_element_type3A_173, %cond3A_174 : i32
      scf.if %cond3A_175 {
        %add3A_176 = arith.constant 2 : i32
        %add3A_177 = arith.addi %add3A_121, %add3A_176 : i32
        %mul3A_178 = arith.constant 4 : i32
        %mul3A_179 = arith.muli %add3A_177, %mul3A_178 : i32
        %add3A_180 = arith.addi %mul3A_2, %mul3A_179 : i32
        %dma_start3A_181 = arith.constant 1 : i32
        %dma_start3A_182 = arith.constant 0 : i32
        %dma_start3A_183 = arith.constant 0 : i32
        %dma_start3A_184 = tpu.memref_slice %arg8[%dma_start3A_181, %dma_start3A_182, %dma_start3A_183] : memref<2x4x4096xf32, #tpu.memory_space<vmem>> -> memref<1x4x4096xf32, #tpu.memory_space<vmem>>
        %dma_start3A_185 = tpu.memref_squeeze %dma_start3A_184 : memref<1x4x4096xf32, #tpu.memory_space<vmem>> -> memref<4x4096xf32, #tpu.memory_space<vmem>>
        %dma_start3A_186 = arith.constant 0 : i32
        %dma_start3A_187 = tpu.memref_slice %arg2[%add3A_180, %dma_start3A_186] : memref<2048x4096xf32, #tpu.memory_space<hbm>> -> memref<4x4096xf32, #tpu.memory_space<hbm>>
        %dma_start3A_188 = arith.constant 0 : i32
        %dma_start3A_189 = arith.constant 0 : i32
        %dma_start3A_190 = tpu.memref_slice %arg8[%dma_start3A_181, %dma_start3A_188, %dma_start3A_189] : memref<2x4x4096xf32, #tpu.memory_space<vmem>> -> memref<1x4x4096xf32, #tpu.memory_space<vmem>>
        %dma_start3A_191 = tpu.memref_squeeze %dma_start3A_190 : memref<1x4x4096xf32, #tpu.memory_space<vmem>> -> memref<4x4096xf32, #tpu.memory_space<vmem>>
        %dma_start3A_192 = arith.constant 0 : i32
        %dma_start3A_193 = tpu.memref_slice %arg2[%add3A_180, %dma_start3A_192] : memref<2048x4096xf32, #tpu.memory_space<hbm>> -> memref<4x4096xf32, #tpu.memory_space<hbm>>
        tpu.enqueue_dma source(%dma_start3A_193 : memref<4x4096xf32, #tpu.memory_space<hbm>>) target(%dma_start3A_191 : memref<4x4096xf32, #tpu.memory_space<vmem>>) target_semaphore(%arg11 : memref<!tpu.dma_semaphore, #tpu.memory_space<semaphore_mem>>)
      } else {
      }
    }
    %scan3A_35 = arith.constant 8 : i32
    %dma_wait3A = arith.constant 0 : i32
    %dma_wait3A_36 = arith.constant 0 : i32
    %dma_wait3A_37 = arith.constant 0 : i32
    %dma_wait3A_38 = tpu.memref_slice %arg9[%dma_wait3A, %dma_wait3A_36, %dma_wait3A_37] : memref<2x4x4096xf32, #tpu.memory_space<vmem>> -> memref<1x4x4096xf32, #tpu.memory_space<vmem>>
    %dma_wait3A_39 = tpu.memref_squeeze %dma_wait3A_38 : memref<1x4x4096xf32, #tpu.memory_space<vmem>> -> memref<4x4096xf32, #tpu.memory_space<vmem>>
    %dma_wait3A_40 = arith.constant 0 : i32
    %dma_wait3A_41 = tpu.memref_slice %arg5[%mul3A_2, %dma_wait3A_40] : memref<2048x4096xf32, #tpu.memory_space<hbm>> -> memref<4x4096xf32, #tpu.memory_space<hbm>>
    %dma_wait3A_42 = arith.constant 0 : i32
    %dma_wait3A_43 = tpu.memref_slice %arg5[%mul3A_2, %dma_wait3A_42] : memref<2048x4096xf32, #tpu.memory_space<hbm>> -> memref<4x4096xf32, #tpu.memory_space<hbm>>
    %dma_wait3A_44 = arith.constant 0 : i32
    %dma_wait3A_45 = arith.constant 0 : i32
    %dma_wait3A_46 = tpu.memref_slice %arg9[%dma_wait3A, %dma_wait3A_44, %dma_wait3A_45] : memref<2x4x4096xf32, #tpu.memory_space<vmem>> -> memref<1x4x4096xf32, #tpu.memory_space<vmem>>
    %dma_wait3A_47 = tpu.memref_squeeze %dma_wait3A_46 : memref<1x4x4096xf32, #tpu.memory_space<vmem>> -> memref<4x4096xf32, #tpu.memory_space<vmem>>
    tpu.wait_dma2 semaphore(%arg12 : memref<!tpu.dma_semaphore, #tpu.memory_space<semaphore_mem>>) src(%dma_wait3A_47 : memref<4x4096xf32, #tpu.memory_space<vmem>>) dst(%dma_wait3A_43 : memref<4x4096xf32, #tpu.memory_space<hbm>>)
    %dma_wait3A_48 = arith.constant 1 : i32
    %dma_wait3A_49 = arith.constant 0 : i32
    %dma_wait3A_50 = arith.constant 0 : i32
    %dma_wait3A_51 = tpu.memref_slice %arg9[%dma_wait3A_48, %dma_wait3A_49, %dma_wait3A_50] : memref<2x4x4096xf32, #tpu.memory_space<vmem>> -> memref<1x4x4096xf32, #tpu.memory_space<vmem>>
    %dma_wait3A_52 = tpu.memref_squeeze %dma_wait3A_51 : memref<1x4x4096xf32, #tpu.memory_space<vmem>> -> memref<4x4096xf32, #tpu.memory_space<vmem>>
    %dma_wait3A_53 = arith.constant 0 : i32
    %dma_wait3A_54 = tpu.memref_slice %arg5[%mul3A_2, %dma_wait3A_53] : memref<2048x4096xf32, #tpu.memory_space<hbm>> -> memref<4x4096xf32, #tpu.memory_space<hbm>>
    %dma_wait3A_55 = arith.constant 0 : i32
    %dma_wait3A_56 = tpu.memref_slice %arg5[%mul3A_2, %dma_wait3A_55] : memref<2048x4096xf32, #tpu.memory_space<hbm>> -> memref<4x4096xf32, #tpu.memory_space<hbm>>
    %dma_wait3A_57 = arith.constant 0 : i32
    %dma_wait3A_58 = arith.constant 0 : i32
    %dma_wait3A_59 = tpu.memref_slice %arg9[%dma_wait3A_48, %dma_wait3A_57, %dma_wait3A_58] : memref<2x4x4096xf32, #tpu.memory_space<vmem>> -> memref<1x4x4096xf32, #tpu.memory_space<vmem>>
    %dma_wait3A_60 = tpu.memref_squeeze %dma_wait3A_59 : memref<1x4x4096xf32, #tpu.memory_space<vmem>> -> memref<4x4096xf32, #tpu.memory_space<vmem>>
    tpu.wait_dma2 semaphore(%arg13 : memref<!tpu.dma_semaphore, #tpu.memory_space<semaphore_mem>>) src(%dma_wait3A_60 : memref<4x4096xf32, #tpu.memory_space<vmem>>) dst(%dma_wait3A_56 : memref<4x4096xf32, #tpu.memory_space<hbm>>)
    return
  }
}

#map = affine_map<(d0, d1) -> (0, 0)>
module attributes {stable_mosaic.version = 14 : i64} {
  func.func @_weights_body(%arg0: i32, %arg1: i32, %arg2: memref<4096x4096xf32, #tpu.memory_space<hbm>>, %arg3: memref<4x4096xi32, #tpu.memory_space<hbm>>, %arg4: memref<4x4096xf32, #tpu.memory_space<hbm>>, %arg5: memref<4x128xi32, #tpu.memory_space<vmem>>, %arg6: memref<512xf32, #tpu.memory_space<vmem>>, %arg7: memref<4x128xf32, #tpu.memory_space<vmem>>, %arg8: memref<2x8x4096xf32, #tpu.memory_space<vmem>>, %arg9: memref<!tpu.dma_semaphore, #tpu.memory_space<semaphore_mem>>, %arg10: memref<!tpu.dma_semaphore, #tpu.memory_space<semaphore_mem>>) attributes {dimension_semantics = [#tpu.dimension_semantics<core_parallel>, #tpu.dimension_semantics<subcore_parallel>], iteration_bounds = array<i64: 2, 16>, scalar_prefetch = 0 : i64, scratch_operands = 6 : i64, tpu.core_type = #tpu.core_type<sc_vector_subcore>, window_params = [{transform_indices = #map}, {transform_indices = #map}, {transform_indices = #map}]} {
    %mul3A = arith.constant 2 : i32
    %mul3A_0 = arith.muli %arg1, %mul3A : i32
    %add3A = arith.addi %mul3A_0, %arg0 : i32
    %mul3A_1 = arith.constant 128 : i32
    %mul3A_2 = arith.muli %add3A, %mul3A_1 : i32
    %iota3A = tpu.iota {dimensions = array<i32: 0>} : vector<16xi32>
    "tpu.region"() ({
      %run_scoped3A = tpu.sem_alloc : memref<!tpu.dma_semaphore, #tpu.memory_space<semaphore_mem>>
      %dma_start3A_549 = arith.constant 0 : i32
      %dma_start3A_550 = tpu.memref_slice %arg3[%dma_start3A_549, %mul3A_2] : memref<4x4096xi32, #tpu.memory_space<hbm>> -> memref<4x128xi32, #tpu.memory_space<hbm>>
      %dma_start3A_551 = arith.constant 0 : i32
      %dma_start3A_552 = tpu.memref_slice %arg3[%dma_start3A_551, %mul3A_2] : memref<4x4096xi32, #tpu.memory_space<hbm>> -> memref<4x128xi32, #tpu.memory_space<hbm>>
      tpu.enqueue_dma source(%dma_start3A_552 : memref<4x128xi32, #tpu.memory_space<hbm>>) target(%arg5 : memref<4x128xi32, #tpu.memory_space<vmem>>) target_semaphore(%run_scoped3A : memref<!tpu.dma_semaphore, #tpu.memory_space<semaphore_mem>>)
      %dma_wait3A = arith.constant 0 : i32
      %dma_wait3A_553 = tpu.memref_slice %arg3[%dma_wait3A, %mul3A_2] : memref<4x4096xi32, #tpu.memory_space<hbm>> -> memref<4x128xi32, #tpu.memory_space<hbm>>
      %dma_wait3A_554 = arith.constant 0 : i32
      %dma_wait3A_555 = tpu.memref_slice %arg3[%dma_wait3A_554, %mul3A_2] : memref<4x4096xi32, #tpu.memory_space<hbm>> -> memref<4x128xi32, #tpu.memory_space<hbm>>
      tpu.wait_dma2 semaphore(%run_scoped3A : memref<!tpu.dma_semaphore, #tpu.memory_space<semaphore_mem>>) src(%dma_wait3A_555 : memref<4x128xi32, #tpu.memory_space<hbm>>) dst(%arg5 : memref<4x128xi32, #tpu.memory_space<vmem>>)
      tpu.yield
    }) : () -> ()
    %add3A_3 = arith.constant 0 : i32
    %add3A_4 = arith.addi %mul3A_2, %add3A_3 : i32
    %dma_start3A = arith.constant 0 : i32
    %dma_start3A_5 = arith.constant 0 : i32
    %dma_start3A_6 = arith.constant 0 : i32
    %dma_start3A_7 = tpu.memref_slice %arg8[%dma_start3A, %dma_start3A_5, %dma_start3A_6] : memref<2x8x4096xf32, #tpu.memory_space<vmem>> -> memref<1x8x4096xf32, #tpu.memory_space<vmem>>
    %dma_start3A_8 = tpu.memref_squeeze %dma_start3A_7 : memref<1x8x4096xf32, #tpu.memory_space<vmem>> -> memref<8x4096xf32, #tpu.memory_space<vmem>>
    %dma_start3A_9 = arith.constant 0 : i32
    %dma_start3A_10 = tpu.memref_slice %arg2[%add3A_4, %dma_start3A_9] : memref<4096x4096xf32, #tpu.memory_space<hbm>> -> memref<8x4096xf32, #tpu.memory_space<hbm>>
    %dma_start3A_11 = arith.constant 0 : i32
    %dma_start3A_12 = arith.constant 0 : i32
    %dma_start3A_13 = tpu.memref_slice %arg8[%dma_start3A, %dma_start3A_11, %dma_start3A_12] : memref<2x8x4096xf32, #tpu.memory_space<vmem>> -> memref<1x8x4096xf32, #tpu.memory_space<vmem>>
    %dma_start3A_14 = tpu.memref_squeeze %dma_start3A_13 : memref<1x8x4096xf32, #tpu.memory_space<vmem>> -> memref<8x4096xf32, #tpu.memory_space<vmem>>
    %dma_start3A_15 = arith.constant 0 : i32
    %dma_start3A_16 = tpu.memref_slice %arg2[%add3A_4, %dma_start3A_15] : memref<4096x4096xf32, #tpu.memory_space<hbm>> -> memref<8x4096xf32, #tpu.memory_space<hbm>>
    tpu.enqueue_dma source(%dma_start3A_16 : memref<8x4096xf32, #tpu.memory_space<hbm>>) target(%dma_start3A_14 : memref<8x4096xf32, #tpu.memory_space<vmem>>) target_semaphore(%arg9 : memref<!tpu.dma_semaphore, #tpu.memory_space<semaphore_mem>>)
    %add3A_17 = arith.constant 8 : i32
    %add3A_18 = arith.addi %mul3A_2, %add3A_17 : i32
    %dma_start3A_19 = arith.constant 1 : i32
    %dma_start3A_20 = arith.constant 0 : i32
    %dma_start3A_21 = arith.constant 0 : i32
    %dma_start3A_22 = tpu.memref_slice %arg8[%dma_start3A_19, %dma_start3A_20, %dma_start3A_21] : memref<2x8x4096xf32, #tpu.memory_space<vmem>> -> memref<1x8x4096xf32, #tpu.memory_space<vmem>>
    %dma_start3A_23 = tpu.memref_squeeze %dma_start3A_22 : memref<1x8x4096xf32, #tpu.memory_space<vmem>> -> memref<8x4096xf32, #tpu.memory_space<vmem>>
    %dma_start3A_24 = arith.constant 0 : i32
    %dma_start3A_25 = tpu.memref_slice %arg2[%add3A_18, %dma_start3A_24] : memref<4096x4096xf32, #tpu.memory_space<hbm>> -> memref<8x4096xf32, #tpu.memory_space<hbm>>
    %dma_start3A_26 = arith.constant 0 : i32
    %dma_start3A_27 = arith.constant 0 : i32
    %dma_start3A_28 = tpu.memref_slice %arg8[%dma_start3A_19, %dma_start3A_26, %dma_start3A_27] : memref<2x8x4096xf32, #tpu.memory_space<vmem>> -> memref<1x8x4096xf32, #tpu.memory_space<vmem>>
    %dma_start3A_29 = tpu.memref_squeeze %dma_start3A_28 : memref<1x8x4096xf32, #tpu.memory_space<vmem>> -> memref<8x4096xf32, #tpu.memory_space<vmem>>
    %dma_start3A_30 = arith.constant 0 : i32
    %dma_start3A_31 = tpu.memref_slice %arg2[%add3A_18, %dma_start3A_30] : memref<4096x4096xf32, #tpu.memory_space<hbm>> -> memref<8x4096xf32, #tpu.memory_space<hbm>>
    tpu.enqueue_dma source(%dma_start3A_31 : memref<8x4096xf32, #tpu.memory_space<hbm>>) target(%dma_start3A_29 : memref<8x4096xf32, #tpu.memory_space<vmem>>) target_semaphore(%arg10 : memref<!tpu.dma_semaphore, #tpu.memory_space<semaphore_mem>>)
    %shift_right_arithmetic3A = arith.constant 2 : i32
    %shift_right_arithmetic3A_32 = vector.broadcast %shift_right_arithmetic3A : i32 to vector<16xi32>
    %shift_right_arithmetic3A_33 = arith.shrsi %iota3A, %shift_right_arithmetic3A_32 : vector<16xi32>
    %and3A = arith.constant 3 : i32
    %and3A_34 = vector.broadcast %and3A : i32 to vector<16xi32>
    %and3A_35 = arith.andi %iota3A, %and3A_34 : vector<16xi32>
    %scan3A = arith.constant 0 : i32
    %scan3A_36 = arith.constant 8 : i32
    %scan3A_37 = arith.addi %scan3A, %scan3A_36 : i32
    %scan3A_38 = arith.constant 1 : i32
    scf.for %scan3A_549 = %scan3A to %scan3A_37 step %scan3A_38  : i32 {
      %mul3A_550 = arith.constant 1 : i32
      %mul3A_551 = arith.muli %scan3A_549, %mul3A_550 : i32
      %add3A_552 = arith.constant 0 : i32
      %add3A_553 = arith.addi %add3A_552, %mul3A_551 : i32
      %mul3A_554 = arith.constant 2 : i32
      %mul3A_555 = arith.muli %mul3A_554, %add3A_553 : i32
      %add3A_556 = arith.constant 0 : i32
      %add3A_557 = arith.addi %mul3A_555, %add3A_556 : i32
      %dma_wait3A = arith.constant 0 : i32
      %dma_wait3A_558 = arith.constant 0 : i32
      %dma_wait3A_559 = arith.constant 0 : i32
      %dma_wait3A_560 = tpu.memref_slice %arg8[%dma_wait3A, %dma_wait3A_558, %dma_wait3A_559] : memref<2x8x4096xf32, #tpu.memory_space<vmem>> -> memref<1x8x4096xf32, #tpu.memory_space<vmem>>
      %dma_wait3A_561 = tpu.memref_squeeze %dma_wait3A_560 : memref<1x8x4096xf32, #tpu.memory_space<vmem>> -> memref<8x4096xf32, #tpu.memory_space<vmem>>
      %dma_wait3A_562 = arith.constant 0 : i32
      %dma_wait3A_563 = tpu.memref_slice %arg2[%mul3A_2, %dma_wait3A_562] : memref<4096x4096xf32, #tpu.memory_space<hbm>> -> memref<8x4096xf32, #tpu.memory_space<hbm>>
      %dma_wait3A_564 = arith.constant 0 : i32
      %dma_wait3A_565 = arith.constant 0 : i32
      %dma_wait3A_566 = tpu.memref_slice %arg8[%dma_wait3A, %dma_wait3A_564, %dma_wait3A_565] : memref<2x8x4096xf32, #tpu.memory_space<vmem>> -> memref<1x8x4096xf32, #tpu.memory_space<vmem>>
      %dma_wait3A_567 = tpu.memref_squeeze %dma_wait3A_566 : memref<1x8x4096xf32, #tpu.memory_space<vmem>> -> memref<8x4096xf32, #tpu.memory_space<vmem>>
      %dma_wait3A_568 = arith.constant 0 : i32
      %dma_wait3A_569 = tpu.memref_slice %arg2[%mul3A_2, %dma_wait3A_568] : memref<4096x4096xf32, #tpu.memory_space<hbm>> -> memref<8x4096xf32, #tpu.memory_space<hbm>>
      tpu.wait_dma2 semaphore(%arg9 : memref<!tpu.dma_semaphore, #tpu.memory_space<semaphore_mem>>) src(%dma_wait3A_569 : memref<8x4096xf32, #tpu.memory_space<hbm>>) dst(%dma_wait3A_567 : memref<8x4096xf32, #tpu.memory_space<vmem>>)
      %add3A_570 = arith.constant 0 : i32
      %add3A_571 = vector.broadcast %add3A_570 : i32 to vector<16xi32>
      %add3A_572 = arith.addi %add3A_571, %shift_right_arithmetic3A_33 : vector<16xi32>
      %mul3A_573 = arith.constant 8 : i32
      %mul3A_574 = arith.muli %add3A_557, %mul3A_573 : i32
      %add3A_575 = vector.broadcast %mul3A_574 : i32 to vector<16xi32>
      %add3A_576 = arith.addi %add3A_575, %add3A_572 : vector<16xi32>
      %gather3A_577 = tpu.vector_load_idx %arg5[%and3A_35, %add3A_576] : memref<4x128xi32, #tpu.memory_space<vmem>>[vector<16xi32>, vector<16xi32>], vector<16xi32>,
      %gather3A_578 = arith.constant 0 : i32
      %gather3A_579 = arith.constant 0 : i32
      %gather3A_580 = arith.constant 0 : i32
      %gather3A_581 = tpu.memref_slice %arg8[%gather3A_578, %gather3A_579, %gather3A_580] : memref<2x8x4096xf32, #tpu.memory_space<vmem>> -> memref<1x8x4096xf32, #tpu.memory_space<vmem>>
      %gather3A_582 = tpu.memref_squeeze %gather3A_581 : memref<1x8x4096xf32, #tpu.memory_space<vmem>> -> memref<8x4096xf32, #tpu.memory_space<vmem>>
      %gather3A_583 = tpu.vector_load_idx %gather3A_582[%add3A_572, %gather3A_577] : memref<8x4096xf32, #tpu.memory_space<vmem>>[vector<16xi32>, vector<16xi32>], vector<16xf32>,
      %mul3A_584 = arith.constant 2 : i32
      %mul3A_585 = arith.muli %add3A_557, %mul3A_584 : i32
      %add3A_586 = arith.constant 0 : i32
      %add3A_587 = arith.addi %mul3A_585, %add3A_586 : i32
      %mul3A_588 = arith.constant 16 : i32
      %mul3A_589 = arith.muli %add3A_587, %mul3A_588 : i32
      %swap3A_590 = arith.index_cast %mul3A_589 : i32 to index
      %swap3A_591 = tpu.vector_load %arg6[%swap3A_590] {strides = array<i32>} : memref<512xf32, #tpu.memory_space<vmem>>, vector<16xf32>,
      tpu.vector_store %arg6[%swap3A_590], %gather3A_583 {strides = array<i32>} : memref<512xf32, #tpu.memory_space<vmem>>, vector<16xf32>,
      %add3A_592 = arith.constant 4 : i32
      %add3A_593 = vector.broadcast %add3A_592 : i32 to vector<16xi32>
      %add3A_594 = arith.addi %add3A_593, %shift_right_arithmetic3A_33 : vector<16xi32>
      %mul3A_595 = arith.constant 8 : i32
      %mul3A_596 = arith.muli %add3A_557, %mul3A_595 : i32
      %add3A_597 = vector.broadcast %mul3A_596 : i32 to vector<16xi32>
      %add3A_598 = arith.addi %add3A_597, %add3A_594 : vector<16xi32>
      %gather3A_599 = tpu.vector_load_idx %arg5[%and3A_35, %add3A_598] : memref<4x128xi32, #tpu.memory_space<vmem>>[vector<16xi32>, vector<16xi32>], vector<16xi32>,
      %gather3A_600 = arith.constant 0 : i32
      %gather3A_601 = arith.constant 0 : i32
      %gather3A_602 = arith.constant 0 : i32
      %gather3A_603 = tpu.memref_slice %arg8[%gather3A_600, %gather3A_601, %gather3A_602] : memref<2x8x4096xf32, #tpu.memory_space<vmem>> -> memref<1x8x4096xf32, #tpu.memory_space<vmem>>
      %gather3A_604 = tpu.memref_squeeze %gather3A_603 : memref<1x8x4096xf32, #tpu.memory_space<vmem>> -> memref<8x4096xf32, #tpu.memory_space<vmem>>
      %gather3A_605 = tpu.vector_load_idx %gather3A_604[%add3A_594, %gather3A_599] : memref<8x4096xf32, #tpu.memory_space<vmem>>[vector<16xi32>, vector<16xi32>], vector<16xf32>,
      %mul3A_606 = arith.constant 2 : i32
      %mul3A_607 = arith.muli %add3A_557, %mul3A_606 : i32
      %add3A_608 = arith.constant 1 : i32
      %add3A_609 = arith.addi %mul3A_607, %add3A_608 : i32
      %mul3A_610 = arith.constant 16 : i32
      %mul3A_611 = arith.muli %add3A_609, %mul3A_610 : i32
      %swap3A_612 = arith.index_cast %mul3A_611 : i32 to index
      %swap3A_613 = tpu.vector_load %arg6[%swap3A_612] {strides = array<i32>} : memref<512xf32, #tpu.memory_space<vmem>>, vector<16xf32>,
      tpu.vector_store %arg6[%swap3A_612], %gather3A_605 {strides = array<i32>} : memref<512xf32, #tpu.memory_space<vmem>>, vector<16xf32>,
      %add3A_614 = arith.constant 2 : i32
      %add3A_615 = arith.addi %add3A_557, %add3A_614 : i32
      %lt3A = arith.constant 16 : i32
      %lt3A_616 = arith.cmpi slt, %add3A_615, %lt3A : i32
      %convert_element_type3A = arith.extui %lt3A_616 : i1 to i32
      %cond3A = arith.constant 0 : i32
      %cond3A_617 = arith.cmpi ne, %convert_element_type3A, %cond3A : i32
      scf.if %cond3A_617 {
        %add3A_686 = arith.constant 2 : i32
        %add3A_687 = arith.addi %add3A_557, %add3A_686 : i32
        %mul3A_688 = arith.constant 8 : i32
        %mul3A_689 = arith.muli %add3A_687, %mul3A_688 : i32
        %add3A_690 = arith.addi %mul3A_2, %mul3A_689 : i32
        %dma_start3A_691 = arith.constant 0 : i32
        %dma_start3A_692 = arith.constant 0 : i32
        %dma_start3A_693 = arith.constant 0 : i32
        %dma_start3A_694 = tpu.memref_slice %arg8[%dma_start3A_691, %dma_start3A_692, %dma_start3A_693] : memref<2x8x4096xf32, #tpu.memory_space<vmem>> -> memref<1x8x4096xf32, #tpu.memory_space<vmem>>
        %dma_start3A_695 = tpu.memref_squeeze %dma_start3A_694 : memref<1x8x4096xf32, #tpu.memory_space<vmem>> -> memref<8x4096xf32, #tpu.memory_space<vmem>>
        %dma_start3A_696 = arith.constant 0 : i32
        %dma_start3A_697 = tpu.memref_slice %arg2[%add3A_690, %dma_start3A_696] : memref<4096x4096xf32, #tpu.memory_space<hbm>> -> memref<8x4096xf32, #tpu.memory_space<hbm>>
        %dma_start3A_698 = arith.constant 0 : i32
        %dma_start3A_699 = arith.constant 0 : i32
        %dma_start3A_700 = tpu.memref_slice %arg8[%dma_start3A_691, %dma_start3A_698, %dma_start3A_699] : memref<2x8x4096xf32, #tpu.memory_space<vmem>> -> memref<1x8x4096xf32, #tpu.memory_space<vmem>>
        %dma_start3A_701 = tpu.memref_squeeze %dma_start3A_700 : memref<1x8x4096xf32, #tpu.memory_space<vmem>> -> memref<8x4096xf32, #tpu.memory_space<vmem>>
        %dma_start3A_702 = arith.constant 0 : i32
        %dma_start3A_703 = tpu.memref_slice %arg2[%add3A_690, %dma_start3A_702] : memref<4096x4096xf32, #tpu.memory_space<hbm>> -> memref<8x4096xf32, #tpu.memory_space<hbm>>
        tpu.enqueue_dma source(%dma_start3A_703 : memref<8x4096xf32, #tpu.memory_space<hbm>>) target(%dma_start3A_701 : memref<8x4096xf32, #tpu.memory_space<vmem>>) target_semaphore(%arg9 : memref<!tpu.dma_semaphore, #tpu.memory_space<semaphore_mem>>)
      } else {
      }
      %mul3A_618 = arith.constant 2 : i32
      %mul3A_619 = arith.muli %mul3A_618, %add3A_553 : i32
      %add3A_620 = arith.constant 1 : i32
      %add3A_621 = arith.addi %mul3A_619, %add3A_620 : i32
      %dma_wait3A_622 = arith.constant 1 : i32
      %dma_wait3A_623 = arith.constant 0 : i32
      %dma_wait3A_624 = arith.constant 0 : i32
      %dma_wait3A_625 = tpu.memref_slice %arg8[%dma_wait3A_622, %dma_wait3A_623, %dma_wait3A_624] : memref<2x8x4096xf32, #tpu.memory_space<vmem>> -> memref<1x8x4096xf32, #tpu.memory_space<vmem>>
      %dma_wait3A_626 = tpu.memref_squeeze %dma_wait3A_625 : memref<1x8x4096xf32, #tpu.memory_space<vmem>> -> memref<8x4096xf32, #tpu.memory_space<vmem>>
      %dma_wait3A_627 = arith.constant 0 : i32
      %dma_wait3A_628 = tpu.memref_slice %arg2[%mul3A_2, %dma_wait3A_627] : memref<4096x4096xf32, #tpu.memory_space<hbm>> -> memref<8x4096xf32, #tpu.memory_space<hbm>>
      %dma_wait3A_629 = arith.constant 0 : i32
      %dma_wait3A_630 = arith.constant 0 : i32
      %dma_wait3A_631 = tpu.memref_slice %arg8[%dma_wait3A_622, %dma_wait3A_629, %dma_wait3A_630] : memref<2x8x4096xf32, #tpu.memory_space<vmem>> -> memref<1x8x4096xf32, #tpu.memory_space<vmem>>
      %dma_wait3A_632 = tpu.memref_squeeze %dma_wait3A_631 : memref<1x8x4096xf32, #tpu.memory_space<vmem>> -> memref<8x4096xf32, #tpu.memory_space<vmem>>
      %dma_wait3A_633 = arith.constant 0 : i32
      %dma_wait3A_634 = tpu.memref_slice %arg2[%mul3A_2, %dma_wait3A_633] : memref<4096x4096xf32, #tpu.memory_space<hbm>> -> memref<8x4096xf32, #tpu.memory_space<hbm>>
      tpu.wait_dma2 semaphore(%arg10 : memref<!tpu.dma_semaphore, #tpu.memory_space<semaphore_mem>>) src(%dma_wait3A_634 : memref<8x4096xf32, #tpu.memory_space<hbm>>) dst(%dma_wait3A_632 : memref<8x4096xf32, #tpu.memory_space<vmem>>)
      %add3A_635 = arith.constant 0 : i32
      %add3A_636 = vector.broadcast %add3A_635 : i32 to vector<16xi32>
      %add3A_637 = arith.addi %add3A_636, %shift_right_arithmetic3A_33 : vector<16xi32>
      %mul3A_638 = arith.constant 8 : i32
      %mul3A_639 = arith.muli %add3A_621, %mul3A_638 : i32
      %add3A_640 = vector.broadcast %mul3A_639 : i32 to vector<16xi32>
      %add3A_641 = arith.addi %add3A_640, %add3A_637 : vector<16xi32>
      %gather3A_642 = tpu.vector_load_idx %arg5[%and3A_35, %add3A_641] : memref<4x128xi32, #tpu.memory_space<vmem>>[vector<16xi32>, vector<16xi32>], vector<16xi32>,
      %gather3A_643 = arith.constant 1 : i32
      %gather3A_644 = arith.constant 0 : i32
      %gather3A_645 = arith.constant 0 : i32
      %gather3A_646 = tpu.memref_slice %arg8[%gather3A_643, %gather3A_644, %gather3A_645] : memref<2x8x4096xf32, #tpu.memory_space<vmem>> -> memref<1x8x4096xf32, #tpu.memory_space<vmem>>
      %gather3A_647 = tpu.memref_squeeze %gather3A_646 : memref<1x8x4096xf32, #tpu.memory_space<vmem>> -> memref<8x4096xf32, #tpu.memory_space<vmem>>
      %gather3A_648 = tpu.vector_load_idx %gather3A_647[%add3A_637, %gather3A_642] : memref<8x4096xf32, #tpu.memory_space<vmem>>[vector<16xi32>, vector<16xi32>], vector<16xf32>,
      %mul3A_649 = arith.constant 2 : i32
      %mul3A_650 = arith.muli %add3A_621, %mul3A_649 : i32
      %add3A_651 = arith.constant 0 : i32
      %add3A_652 = arith.addi %mul3A_650, %add3A_651 : i32
      %mul3A_653 = arith.constant 16 : i32
      %mul3A_654 = arith.muli %add3A_652, %mul3A_653 : i32
      %swap3A_655 = arith.index_cast %mul3A_654 : i32 to index
      %swap3A_656 = tpu.vector_load %arg6[%swap3A_655] {strides = array<i32>} : memref<512xf32, #tpu.memory_space<vmem>>, vector<16xf32>,
      tpu.vector_store %arg6[%swap3A_655], %gather3A_648 {strides = array<i32>} : memref<512xf32, #tpu.memory_space<vmem>>, vector<16xf32>,
      %add3A_657 = arith.constant 4 : i32
      %add3A_658 = vector.broadcast %add3A_657 : i32 to vector<16xi32>
      %add3A_659 = arith.addi %add3A_658, %shift_right_arithmetic3A_33 : vector<16xi32>
      %mul3A_660 = arith.constant 8 : i32
      %mul3A_661 = arith.muli %add3A_621, %mul3A_660 : i32
      %add3A_662 = vector.broadcast %mul3A_661 : i32 to vector<16xi32>
      %add3A_663 = arith.addi %add3A_662, %add3A_659 : vector<16xi32>
      %gather3A_664 = tpu.vector_load_idx %arg5[%and3A_35, %add3A_663] : memref<4x128xi32, #tpu.memory_space<vmem>>[vector<16xi32>, vector<16xi32>], vector<16xi32>,
      %gather3A_665 = arith.constant 1 : i32
      %gather3A_666 = arith.constant 0 : i32
      %gather3A_667 = arith.constant 0 : i32
      %gather3A_668 = tpu.memref_slice %arg8[%gather3A_665, %gather3A_666, %gather3A_667] : memref<2x8x4096xf32, #tpu.memory_space<vmem>> -> memref<1x8x4096xf32, #tpu.memory_space<vmem>>
      %gather3A_669 = tpu.memref_squeeze %gather3A_668 : memref<1x8x4096xf32, #tpu.memory_space<vmem>> -> memref<8x4096xf32, #tpu.memory_space<vmem>>
      %gather3A_670 = tpu.vector_load_idx %gather3A_669[%add3A_659, %gather3A_664] : memref<8x4096xf32, #tpu.memory_space<vmem>>[vector<16xi32>, vector<16xi32>], vector<16xf32>,
      %mul3A_671 = arith.constant 2 : i32
      %mul3A_672 = arith.muli %add3A_621, %mul3A_671 : i32
      %add3A_673 = arith.constant 1 : i32
      %add3A_674 = arith.addi %mul3A_672, %add3A_673 : i32
      %mul3A_675 = arith.constant 16 : i32
      %mul3A_676 = arith.muli %add3A_674, %mul3A_675 : i32
      %swap3A_677 = arith.index_cast %mul3A_676 : i32 to index
      %swap3A_678 = tpu.vector_load %arg6[%swap3A_677] {strides = array<i32>} : memref<512xf32, #tpu.memory_space<vmem>>, vector<16xf32>,
      tpu.vector_store %arg6[%swap3A_677], %gather3A_670 {strides = array<i32>} : memref<512xf32, #tpu.memory_space<vmem>>, vector<16xf32>,
      %add3A_679 = arith.constant 2 : i32
      %add3A_680 = arith.addi %add3A_621, %add3A_679 : i32
      %lt3A_681 = arith.constant 16 : i32
      %lt3A_682 = arith.cmpi slt, %add3A_680, %lt3A_681 : i32
      %convert_element_type3A_683 = arith.extui %lt3A_682 : i1 to i32
      %cond3A_684 = arith.constant 0 : i32
      %cond3A_685 = arith.cmpi ne, %convert_element_type3A_683, %cond3A_684 : i32
      scf.if %cond3A_685 {
        %add3A_686 = arith.constant 2 : i32
        %add3A_687 = arith.addi %add3A_621, %add3A_686 : i32
        %mul3A_688 = arith.constant 8 : i32
        %mul3A_689 = arith.muli %add3A_687, %mul3A_688 : i32
        %add3A_690 = arith.addi %mul3A_2, %mul3A_689 : i32
        %dma_start3A_691 = arith.constant 1 : i32
        %dma_start3A_692 = arith.constant 0 : i32
        %dma_start3A_693 = arith.constant 0 : i32
        %dma_start3A_694 = tpu.memref_slice %arg8[%dma_start3A_691, %dma_start3A_692, %dma_start3A_693] : memref<2x8x4096xf32, #tpu.memory_space<vmem>> -> memref<1x8x4096xf32, #tpu.memory_space<vmem>>
        %dma_start3A_695 = tpu.memref_squeeze %dma_start3A_694 : memref<1x8x4096xf32, #tpu.memory_space<vmem>> -> memref<8x4096xf32, #tpu.memory_space<vmem>>
        %dma_start3A_696 = arith.constant 0 : i32
        %dma_start3A_697 = tpu.memref_slice %arg2[%add3A_690, %dma_start3A_696] : memref<4096x4096xf32, #tpu.memory_space<hbm>> -> memref<8x4096xf32, #tpu.memory_space<hbm>>
        %dma_start3A_698 = arith.constant 0 : i32
        %dma_start3A_699 = arith.constant 0 : i32
        %dma_start3A_700 = tpu.memref_slice %arg8[%dma_start3A_691, %dma_start3A_698, %dma_start3A_699] : memref<2x8x4096xf32, #tpu.memory_space<vmem>> -> memref<1x8x4096xf32, #tpu.memory_space<vmem>>
        %dma_start3A_701 = tpu.memref_squeeze %dma_start3A_700 : memref<1x8x4096xf32, #tpu.memory_space<vmem>> -> memref<8x4096xf32, #tpu.memory_space<vmem>>
        %dma_start3A_702 = arith.constant 0 : i32
        %dma_start3A_703 = tpu.memref_slice %arg2[%add3A_690, %dma_start3A_702] : memref<4096x4096xf32, #tpu.memory_space<hbm>> -> memref<8x4096xf32, #tpu.memory_space<hbm>>
        tpu.enqueue_dma source(%dma_start3A_703 : memref<8x4096xf32, #tpu.memory_space<hbm>>) target(%dma_start3A_701 : memref<8x4096xf32, #tpu.memory_space<vmem>>) target_semaphore(%arg10 : memref<!tpu.dma_semaphore, #tpu.memory_space<semaphore_mem>>)
      } else {
      }
    }
    %scan3A_39 = arith.constant 8 : i32
    %div3A = arith.constant 1.000000e+00 : f32
    %div3A_40 = arith.constant 2.000000e-01 : f32
    %div3A_41 = arith.divf %div3A, %div3A_40 : f32
    %add3A_42 = arith.constant 0 : i32
    %add3A_43 = vector.broadcast %add3A_42 : i32 to vector<16xi32>
    %add3A_44 = arith.addi %add3A_43, %iota3A : vector<16xi32>
    %mul3A_45 = arith.constant 4 : i32
    %mul3A_46 = vector.broadcast %mul3A_45 : i32 to vector<16xi32>
    %mul3A_47 = arith.muli %add3A_44, %mul3A_46 : vector<16xi32>
    %add3A_48 = arith.constant 0 : i32
    %add3A_49 = vector.broadcast %add3A_48 : i32 to vector<16xi32>
    %add3A_50 = arith.addi %mul3A_47, %add3A_49 : vector<16xi32>
    %gather3A = tpu.vector_load_idx %arg6[%add3A_50] : memref<512xf32, #tpu.memory_space<vmem>>[vector<16xi32>], vector<16xf32>,
    %mul3A_51 = vector.broadcast %div3A_41 : f32 to vector<16xf32>
    %mul3A_52 = arith.mulf %gather3A, %mul3A_51 : vector<16xf32>
    %add3A_53 = arith.constant 1 : i32
    %add3A_54 = vector.broadcast %add3A_53 : i32 to vector<16xi32>
    %add3A_55 = arith.addi %mul3A_47, %add3A_54 : vector<16xi32>
    %gather3A_56 = tpu.vector_load_idx %arg6[%add3A_55] : memref<512xf32, #tpu.memory_space<vmem>>[vector<16xi32>], vector<16xf32>,
    %mul3A_57 = vector.broadcast %div3A_41 : f32 to vector<16xf32>
    %mul3A_58 = arith.mulf %gather3A_56, %mul3A_57 : vector<16xf32>
    %add3A_59 = arith.constant 2 : i32
    %add3A_60 = vector.broadcast %add3A_59 : i32 to vector<16xi32>
    %add3A_61 = arith.addi %mul3A_47, %add3A_60 : vector<16xi32>
    %gather3A_62 = tpu.vector_load_idx %arg6[%add3A_61] : memref<512xf32, #tpu.memory_space<vmem>>[vector<16xi32>], vector<16xf32>,
    %mul3A_63 = vector.broadcast %div3A_41 : f32 to vector<16xf32>
    %mul3A_64 = arith.mulf %gather3A_62, %mul3A_63 : vector<16xf32>
    %add3A_65 = arith.constant 3 : i32
    %add3A_66 = vector.broadcast %add3A_65 : i32 to vector<16xi32>
    %add3A_67 = arith.addi %mul3A_47, %add3A_66 : vector<16xi32>
    %gather3A_68 = tpu.vector_load_idx %arg6[%add3A_67] : memref<512xf32, #tpu.memory_space<vmem>>[vector<16xi32>], vector<16xf32>,
    %mul3A_69 = vector.broadcast %div3A_41 : f32 to vector<16xf32>
    %mul3A_70 = arith.mulf %gather3A_68, %mul3A_69 : vector<16xf32>
    %max3A = arith.maximumf %mul3A_52, %mul3A_58 : vector<16xf32>
    %max3A_71 = arith.maximumf %mul3A_64, %mul3A_70 : vector<16xf32>
    %max3A_72 = arith.maximumf %max3A, %max3A_71 : vector<16xf32>
    %sub3A = arith.subf %mul3A_52, %max3A_72 : vector<16xf32>
    %exp3A = math.exp %sub3A : vector<16xf32>
    %sub3A_73 = arith.subf %mul3A_58, %max3A_72 : vector<16xf32>
    %exp3A_74 = math.exp %sub3A_73 : vector<16xf32>
    %sub3A_75 = arith.subf %mul3A_64, %max3A_72 : vector<16xf32>
    %exp3A_76 = math.exp %sub3A_75 : vector<16xf32>
    %sub3A_77 = arith.subf %mul3A_70, %max3A_72 : vector<16xf32>
    %exp3A_78 = math.exp %sub3A_77 : vector<16xf32>
    %add3A_79 = arith.addf %exp3A, %exp3A_74 : vector<16xf32>
    %add3A_80 = arith.addf %exp3A_76, %exp3A_78 : vector<16xf32>
    %add3A_81 = arith.addf %add3A_79, %add3A_80 : vector<16xf32>
    %div3A_82 = arith.divf %exp3A, %add3A_81 : vector<16xf32>
    %swap3A = arith.constant 0 : i32
    %swap3A_83 = arith.index_cast %swap3A : i32 to index
    %swap3A_84 = arith.constant 0 : index
    %swap3A_85 = tpu.vector_load %arg7[%swap3A_83, %swap3A_84] {strides = array<i32>} : memref<4x128xf32, #tpu.memory_space<vmem>>, vector<16xf32>,
    tpu.vector_store %arg7[%swap3A_83, %swap3A_84], %div3A_82 {strides = array<i32>} : memref<4x128xf32, #tpu.memory_space<vmem>>, vector<16xf32>,
    %div3A_86 = arith.divf %exp3A_74, %add3A_81 : vector<16xf32>
    %swap3A_87 = arith.constant 1 : i32
    %swap3A_88 = arith.index_cast %swap3A_87 : i32 to index
    %swap3A_89 = arith.constant 0 : index
    %swap3A_90 = tpu.vector_load %arg7[%swap3A_88, %swap3A_89] {strides = array<i32>} : memref<4x128xf32, #tpu.memory_space<vmem>>, vector<16xf32>,
    tpu.vector_store %arg7[%swap3A_88, %swap3A_89], %div3A_86 {strides = array<i32>} : memref<4x128xf32, #tpu.memory_space<vmem>>, vector<16xf32>,
    %div3A_91 = arith.divf %exp3A_76, %add3A_81 : vector<16xf32>
    %swap3A_92 = arith.constant 2 : i32
    %swap3A_93 = arith.index_cast %swap3A_92 : i32 to index
    %swap3A_94 = arith.constant 0 : index
    %swap3A_95 = tpu.vector_load %arg7[%swap3A_93, %swap3A_94] {strides = array<i32>} : memref<4x128xf32, #tpu.memory_space<vmem>>, vector<16xf32>,
    tpu.vector_store %arg7[%swap3A_93, %swap3A_94], %div3A_91 {strides = array<i32>} : memref<4x128xf32, #tpu.memory_space<vmem>>, vector<16xf32>,
    %div3A_96 = arith.divf %exp3A_78, %add3A_81 : vector<16xf32>
    %swap3A_97 = arith.constant 3 : i32
    %swap3A_98 = arith.index_cast %swap3A_97 : i32 to index
    %swap3A_99 = arith.constant 0 : index
    %swap3A_100 = tpu.vector_load %arg7[%swap3A_98, %swap3A_99] {strides = array<i32>} : memref<4x128xf32, #tpu.memory_space<vmem>>, vector<16xf32>,
    tpu.vector_store %arg7[%swap3A_98, %swap3A_99], %div3A_96 {strides = array<i32>} : memref<4x128xf32, #tpu.memory_space<vmem>>, vector<16xf32>,
    %add3A_101 = arith.constant 16 : i32
    %add3A_102 = vector.broadcast %add3A_101 : i32 to vector<16xi32>
    %add3A_103 = arith.addi %add3A_102, %iota3A : vector<16xi32>
    %mul3A_104 = arith.constant 4 : i32
    %mul3A_105 = vector.broadcast %mul3A_104 : i32 to vector<16xi32>
    %mul3A_106 = arith.muli %add3A_103, %mul3A_105 : vector<16xi32>
    %add3A_107 = arith.constant 0 : i32
    %add3A_108 = vector.broadcast %add3A_107 : i32 to vector<16xi32>
    %add3A_109 = arith.addi %mul3A_106, %add3A_108 : vector<16xi32>
    %gather3A_110 = tpu.vector_load_idx %arg6[%add3A_109] : memref<512xf32, #tpu.memory_space<vmem>>[vector<16xi32>], vector<16xf32>,
    %mul3A_111 = vector.broadcast %div3A_41 : f32 to vector<16xf32>
    %mul3A_112 = arith.mulf %gather3A_110, %mul3A_111 : vector<16xf32>
    %add3A_113 = arith.constant 1 : i32
    %add3A_114 = vector.broadcast %add3A_113 : i32 to vector<16xi32>
    %add3A_115 = arith.addi %mul3A_106, %add3A_114 : vector<16xi32>
    %gather3A_116 = tpu.vector_load_idx %arg6[%add3A_115] : memref<512xf32, #tpu.memory_space<vmem>>[vector<16xi32>], vector<16xf32>,
    %mul3A_117 = vector.broadcast %div3A_41 : f32 to vector<16xf32>
    %mul3A_118 = arith.mulf %gather3A_116, %mul3A_117 : vector<16xf32>
    %add3A_119 = arith.constant 2 : i32
    %add3A_120 = vector.broadcast %add3A_119 : i32 to vector<16xi32>
    %add3A_121 = arith.addi %mul3A_106, %add3A_120 : vector<16xi32>
    %gather3A_122 = tpu.vector_load_idx %arg6[%add3A_121] : memref<512xf32, #tpu.memory_space<vmem>>[vector<16xi32>], vector<16xf32>,
    %mul3A_123 = vector.broadcast %div3A_41 : f32 to vector<16xf32>
    %mul3A_124 = arith.mulf %gather3A_122, %mul3A_123 : vector<16xf32>
    %add3A_125 = arith.constant 3 : i32
    %add3A_126 = vector.broadcast %add3A_125 : i32 to vector<16xi32>
    %add3A_127 = arith.addi %mul3A_106, %add3A_126 : vector<16xi32>
    %gather3A_128 = tpu.vector_load_idx %arg6[%add3A_127] : memref<512xf32, #tpu.memory_space<vmem>>[vector<16xi32>], vector<16xf32>,
    %mul3A_129 = vector.broadcast %div3A_41 : f32 to vector<16xf32>
    %mul3A_130 = arith.mulf %gather3A_128, %mul3A_129 : vector<16xf32>
    %max3A_131 = arith.maximumf %mul3A_112, %mul3A_118 : vector<16xf32>
    %max3A_132 = arith.maximumf %mul3A_124, %mul3A_130 : vector<16xf32>
    %max3A_133 = arith.maximumf %max3A_131, %max3A_132 : vector<16xf32>
    %sub3A_134 = arith.subf %mul3A_112, %max3A_133 : vector<16xf32>
    %exp3A_135 = math.exp %sub3A_134 : vector<16xf32>
    %sub3A_136 = arith.subf %mul3A_118, %max3A_133 : vector<16xf32>
    %exp3A_137 = math.exp %sub3A_136 : vector<16xf32>
    %sub3A_138 = arith.subf %mul3A_124, %max3A_133 : vector<16xf32>
    %exp3A_139 = math.exp %sub3A_138 : vector<16xf32>
    %sub3A_140 = arith.subf %mul3A_130, %max3A_133 : vector<16xf32>
    %exp3A_141 = math.exp %sub3A_140 : vector<16xf32>
    %add3A_142 = arith.addf %exp3A_135, %exp3A_137 : vector<16xf32>
    %add3A_143 = arith.addf %exp3A_139, %exp3A_141 : vector<16xf32>
    %add3A_144 = arith.addf %add3A_142, %add3A_143 : vector<16xf32>
    %div3A_145 = arith.divf %exp3A_135, %add3A_144 : vector<16xf32>
    %swap3A_146 = arith.constant 0 : i32
    %swap3A_147 = arith.index_cast %swap3A_146 : i32 to index
    %swap3A_148 = arith.constant 16 : index
    %swap3A_149 = tpu.vector_load %arg7[%swap3A_147, %swap3A_148] {strides = array<i32>} : memref<4x128xf32, #tpu.memory_space<vmem>>, vector<16xf32>,
    tpu.vector_store %arg7[%swap3A_147, %swap3A_148], %div3A_145 {strides = array<i32>} : memref<4x128xf32, #tpu.memory_space<vmem>>, vector<16xf32>,
    %div3A_150 = arith.divf %exp3A_137, %add3A_144 : vector<16xf32>
    %swap3A_151 = arith.constant 1 : i32
    %swap3A_152 = arith.index_cast %swap3A_151 : i32 to index
    %swap3A_153 = arith.constant 16 : index
    %swap3A_154 = tpu.vector_load %arg7[%swap3A_152, %swap3A_153] {strides = array<i32>} : memref<4x128xf32, #tpu.memory_space<vmem>>, vector<16xf32>,
    tpu.vector_store %arg7[%swap3A_152, %swap3A_153], %div3A_150 {strides = array<i32>} : memref<4x128xf32, #tpu.memory_space<vmem>>, vector<16xf32>,
    %div3A_155 = arith.divf %exp3A_139, %add3A_144 : vector<16xf32>
    %swap3A_156 = arith.constant 2 : i32
    %swap3A_157 = arith.index_cast %swap3A_156 : i32 to index
    %swap3A_158 = arith.constant 16 : index
    %swap3A_159 = tpu.vector_load %arg7[%swap3A_157, %swap3A_158] {strides = array<i32>} : memref<4x128xf32, #tpu.memory_space<vmem>>, vector<16xf32>,
    tpu.vector_store %arg7[%swap3A_157, %swap3A_158], %div3A_155 {strides = array<i32>} : memref<4x128xf32, #tpu.memory_space<vmem>>, vector<16xf32>,
    %div3A_160 = arith.divf %exp3A_141, %add3A_144 : vector<16xf32>
    %swap3A_161 = arith.constant 3 : i32
    %swap3A_162 = arith.index_cast %swap3A_161 : i32 to index
    %swap3A_163 = arith.constant 16 : index
    %swap3A_164 = tpu.vector_load %arg7[%swap3A_162, %swap3A_163] {strides = array<i32>} : memref<4x128xf32, #tpu.memory_space<vmem>>, vector<16xf32>,
    tpu.vector_store %arg7[%swap3A_162, %swap3A_163], %div3A_160 {strides = array<i32>} : memref<4x128xf32, #tpu.memory_space<vmem>>, vector<16xf32>,
    %add3A_165 = arith.constant 32 : i32
    %add3A_166 = vector.broadcast %add3A_165 : i32 to vector<16xi32>
    %add3A_167 = arith.addi %add3A_166, %iota3A : vector<16xi32>
    %mul3A_168 = arith.constant 4 : i32
    %mul3A_169 = vector.broadcast %mul3A_168 : i32 to vector<16xi32>
    %mul3A_170 = arith.muli %add3A_167, %mul3A_169 : vector<16xi32>
    %add3A_171 = arith.constant 0 : i32
    %add3A_172 = vector.broadcast %add3A_171 : i32 to vector<16xi32>
    %add3A_173 = arith.addi %mul3A_170, %add3A_172 : vector<16xi32>
    %gather3A_174 = tpu.vector_load_idx %arg6[%add3A_173] : memref<512xf32, #tpu.memory_space<vmem>>[vector<16xi32>], vector<16xf32>,
    %mul3A_175 = vector.broadcast %div3A_41 : f32 to vector<16xf32>
    %mul3A_176 = arith.mulf %gather3A_174, %mul3A_175 : vector<16xf32>
    %add3A_177 = arith.constant 1 : i32
    %add3A_178 = vector.broadcast %add3A_177 : i32 to vector<16xi32>
    %add3A_179 = arith.addi %mul3A_170, %add3A_178 : vector<16xi32>
    %gather3A_180 = tpu.vector_load_idx %arg6[%add3A_179] : memref<512xf32, #tpu.memory_space<vmem>>[vector<16xi32>], vector<16xf32>,
    %mul3A_181 = vector.broadcast %div3A_41 : f32 to vector<16xf32>
    %mul3A_182 = arith.mulf %gather3A_180, %mul3A_181 : vector<16xf32>
    %add3A_183 = arith.constant 2 : i32
    %add3A_184 = vector.broadcast %add3A_183 : i32 to vector<16xi32>
    %add3A_185 = arith.addi %mul3A_170, %add3A_184 : vector<16xi32>
    %gather3A_186 = tpu.vector_load_idx %arg6[%add3A_185] : memref<512xf32, #tpu.memory_space<vmem>>[vector<16xi32>], vector<16xf32>,
    %mul3A_187 = vector.broadcast %div3A_41 : f32 to vector<16xf32>
    %mul3A_188 = arith.mulf %gather3A_186, %mul3A_187 : vector<16xf32>
    %add3A_189 = arith.constant 3 : i32
    %add3A_190 = vector.broadcast %add3A_189 : i32 to vector<16xi32>
    %add3A_191 = arith.addi %mul3A_170, %add3A_190 : vector<16xi32>
    %gather3A_192 = tpu.vector_load_idx %arg6[%add3A_191] : memref<512xf32, #tpu.memory_space<vmem>>[vector<16xi32>], vector<16xf32>,
    %mul3A_193 = vector.broadcast %div3A_41 : f32 to vector<16xf32>
    %mul3A_194 = arith.mulf %gather3A_192, %mul3A_193 : vector<16xf32>
    %max3A_195 = arith.maximumf %mul3A_176, %mul3A_182 : vector<16xf32>
    %max3A_196 = arith.maximumf %mul3A_188, %mul3A_194 : vector<16xf32>
    %max3A_197 = arith.maximumf %max3A_195, %max3A_196 : vector<16xf32>
    %sub3A_198 = arith.subf %mul3A_176, %max3A_197 : vector<16xf32>
    %exp3A_199 = math.exp %sub3A_198 : vector<16xf32>
    %sub3A_200 = arith.subf %mul3A_182, %max3A_197 : vector<16xf32>
    %exp3A_201 = math.exp %sub3A_200 : vector<16xf32>
    %sub3A_202 = arith.subf %mul3A_188, %max3A_197 : vector<16xf32>
    %exp3A_203 = math.exp %sub3A_202 : vector<16xf32>
    %sub3A_204 = arith.subf %mul3A_194, %max3A_197 : vector<16xf32>
    %exp3A_205 = math.exp %sub3A_204 : vector<16xf32>
    %add3A_206 = arith.addf %exp3A_199, %exp3A_201 : vector<16xf32>
    %add3A_207 = arith.addf %exp3A_203, %exp3A_205 : vector<16xf32>
    %add3A_208 = arith.addf %add3A_206, %add3A_207 : vector<16xf32>
    %div3A_209 = arith.divf %exp3A_199, %add3A_208 : vector<16xf32>
    %swap3A_210 = arith.constant 0 : i32
    %swap3A_211 = arith.index_cast %swap3A_210 : i32 to index
    %swap3A_212 = arith.constant 32 : index
    %swap3A_213 = tpu.vector_load %arg7[%swap3A_211, %swap3A_212] {strides = array<i32>} : memref<4x128xf32, #tpu.memory_space<vmem>>, vector<16xf32>,
    tpu.vector_store %arg7[%swap3A_211, %swap3A_212], %div3A_209 {strides = array<i32>} : memref<4x128xf32, #tpu.memory_space<vmem>>, vector<16xf32>,
    %div3A_214 = arith.divf %exp3A_201, %add3A_208 : vector<16xf32>
    %swap3A_215 = arith.constant 1 : i32
    %swap3A_216 = arith.index_cast %swap3A_215 : i32 to index
    %swap3A_217 = arith.constant 32 : index
    %swap3A_218 = tpu.vector_load %arg7[%swap3A_216, %swap3A_217] {strides = array<i32>} : memref<4x128xf32, #tpu.memory_space<vmem>>, vector<16xf32>,
    tpu.vector_store %arg7[%swap3A_216, %swap3A_217], %div3A_214 {strides = array<i32>} : memref<4x128xf32, #tpu.memory_space<vmem>>, vector<16xf32>,
    %div3A_219 = arith.divf %exp3A_203, %add3A_208 : vector<16xf32>
    %swap3A_220 = arith.constant 2 : i32
    %swap3A_221 = arith.index_cast %swap3A_220 : i32 to index
    %swap3A_222 = arith.constant 32 : index
    %swap3A_223 = tpu.vector_load %arg7[%swap3A_221, %swap3A_222] {strides = array<i32>} : memref<4x128xf32, #tpu.memory_space<vmem>>, vector<16xf32>,
    tpu.vector_store %arg7[%swap3A_221, %swap3A_222], %div3A_219 {strides = array<i32>} : memref<4x128xf32, #tpu.memory_space<vmem>>, vector<16xf32>,
    %div3A_224 = arith.divf %exp3A_205, %add3A_208 : vector<16xf32>
    %swap3A_225 = arith.constant 3 : i32
    %swap3A_226 = arith.index_cast %swap3A_225 : i32 to index
    %swap3A_227 = arith.constant 32 : index
    %swap3A_228 = tpu.vector_load %arg7[%swap3A_226, %swap3A_227] {strides = array<i32>} : memref<4x128xf32, #tpu.memory_space<vmem>>, vector<16xf32>,
    tpu.vector_store %arg7[%swap3A_226, %swap3A_227], %div3A_224 {strides = array<i32>} : memref<4x128xf32, #tpu.memory_space<vmem>>, vector<16xf32>,
    %add3A_229 = arith.constant 48 : i32
    %add3A_230 = vector.broadcast %add3A_229 : i32 to vector<16xi32>
    %add3A_231 = arith.addi %add3A_230, %iota3A : vector<16xi32>
    %mul3A_232 = arith.constant 4 : i32
    %mul3A_233 = vector.broadcast %mul3A_232 : i32 to vector<16xi32>
    %mul3A_234 = arith.muli %add3A_231, %mul3A_233 : vector<16xi32>
    %add3A_235 = arith.constant 0 : i32
    %add3A_236 = vector.broadcast %add3A_235 : i32 to vector<16xi32>
    %add3A_237 = arith.addi %mul3A_234, %add3A_236 : vector<16xi32>
    %gather3A_238 = tpu.vector_load_idx %arg6[%add3A_237] : memref<512xf32, #tpu.memory_space<vmem>>[vector<16xi32>], vector<16xf32>,
    %mul3A_239 = vector.broadcast %div3A_41 : f32 to vector<16xf32>
    %mul3A_240 = arith.mulf %gather3A_238, %mul3A_239 : vector<16xf32>
    %add3A_241 = arith.constant 1 : i32
    %add3A_242 = vector.broadcast %add3A_241 : i32 to vector<16xi32>
    %add3A_243 = arith.addi %mul3A_234, %add3A_242 : vector<16xi32>
    %gather3A_244 = tpu.vector_load_idx %arg6[%add3A_243] : memref<512xf32, #tpu.memory_space<vmem>>[vector<16xi32>], vector<16xf32>,
    %mul3A_245 = vector.broadcast %div3A_41 : f32 to vector<16xf32>
    %mul3A_246 = arith.mulf %gather3A_244, %mul3A_245 : vector<16xf32>
    %add3A_247 = arith.constant 2 : i32
    %add3A_248 = vector.broadcast %add3A_247 : i32 to vector<16xi32>
    %add3A_249 = arith.addi %mul3A_234, %add3A_248 : vector<16xi32>
    %gather3A_250 = tpu.vector_load_idx %arg6[%add3A_249] : memref<512xf32, #tpu.memory_space<vmem>>[vector<16xi32>], vector<16xf32>,
    %mul3A_251 = vector.broadcast %div3A_41 : f32 to vector<16xf32>
    %mul3A_252 = arith.mulf %gather3A_250, %mul3A_251 : vector<16xf32>
    %add3A_253 = arith.constant 3 : i32
    %add3A_254 = vector.broadcast %add3A_253 : i32 to vector<16xi32>
    %add3A_255 = arith.addi %mul3A_234, %add3A_254 : vector<16xi32>
    %gather3A_256 = tpu.vector_load_idx %arg6[%add3A_255] : memref<512xf32, #tpu.memory_space<vmem>>[vector<16xi32>], vector<16xf32>,
    %mul3A_257 = vector.broadcast %div3A_41 : f32 to vector<16xf32>
    %mul3A_258 = arith.mulf %gather3A_256, %mul3A_257 : vector<16xf32>
    %max3A_259 = arith.maximumf %mul3A_240, %mul3A_246 : vector<16xf32>
    %max3A_260 = arith.maximumf %mul3A_252, %mul3A_258 : vector<16xf32>
    %max3A_261 = arith.maximumf %max3A_259, %max3A_260 : vector<16xf32>
    %sub3A_262 = arith.subf %mul3A_240, %max3A_261 : vector<16xf32>
    %exp3A_263 = math.exp %sub3A_262 : vector<16xf32>
    %sub3A_264 = arith.subf %mul3A_246, %max3A_261 : vector<16xf32>
    %exp3A_265 = math.exp %sub3A_264 : vector<16xf32>
    %sub3A_266 = arith.subf %mul3A_252, %max3A_261 : vector<16xf32>
    %exp3A_267 = math.exp %sub3A_266 : vector<16xf32>
    %sub3A_268 = arith.subf %mul3A_258, %max3A_261 : vector<16xf32>
    %exp3A_269 = math.exp %sub3A_268 : vector<16xf32>
    %add3A_270 = arith.addf %exp3A_263, %exp3A_265 : vector<16xf32>
    %add3A_271 = arith.addf %exp3A_267, %exp3A_269 : vector<16xf32>
    %add3A_272 = arith.addf %add3A_270, %add3A_271 : vector<16xf32>
    %div3A_273 = arith.divf %exp3A_263, %add3A_272 : vector<16xf32>
    %swap3A_274 = arith.constant 0 : i32
    %swap3A_275 = arith.index_cast %swap3A_274 : i32 to index
    %swap3A_276 = arith.constant 48 : index
    %swap3A_277 = tpu.vector_load %arg7[%swap3A_275, %swap3A_276] {strides = array<i32>} : memref<4x128xf32, #tpu.memory_space<vmem>>, vector<16xf32>,
    tpu.vector_store %arg7[%swap3A_275, %swap3A_276], %div3A_273 {strides = array<i32>} : memref<4x128xf32, #tpu.memory_space<vmem>>, vector<16xf32>,
    %div3A_278 = arith.divf %exp3A_265, %add3A_272 : vector<16xf32>
    %swap3A_279 = arith.constant 1 : i32
    %swap3A_280 = arith.index_cast %swap3A_279 : i32 to index
    %swap3A_281 = arith.constant 48 : index
    %swap3A_282 = tpu.vector_load %arg7[%swap3A_280, %swap3A_281] {strides = array<i32>} : memref<4x128xf32, #tpu.memory_space<vmem>>, vector<16xf32>,
    tpu.vector_store %arg7[%swap3A_280, %swap3A_281], %div3A_278 {strides = array<i32>} : memref<4x128xf32, #tpu.memory_space<vmem>>, vector<16xf32>,
    %div3A_283 = arith.divf %exp3A_267, %add3A_272 : vector<16xf32>
    %swap3A_284 = arith.constant 2 : i32
    %swap3A_285 = arith.index_cast %swap3A_284 : i32 to index
    %swap3A_286 = arith.constant 48 : index
    %swap3A_287 = tpu.vector_load %arg7[%swap3A_285, %swap3A_286] {strides = array<i32>} : memref<4x128xf32, #tpu.memory_space<vmem>>, vector<16xf32>,
    tpu.vector_store %arg7[%swap3A_285, %swap3A_286], %div3A_283 {strides = array<i32>} : memref<4x128xf32, #tpu.memory_space<vmem>>, vector<16xf32>,
    %div3A_288 = arith.divf %exp3A_269, %add3A_272 : vector<16xf32>
    %swap3A_289 = arith.constant 3 : i32
    %swap3A_290 = arith.index_cast %swap3A_289 : i32 to index
    %swap3A_291 = arith.constant 48 : index
    %swap3A_292 = tpu.vector_load %arg7[%swap3A_290, %swap3A_291] {strides = array<i32>} : memref<4x128xf32, #tpu.memory_space<vmem>>, vector<16xf32>,
    tpu.vector_store %arg7[%swap3A_290, %swap3A_291], %div3A_288 {strides = array<i32>} : memref<4x128xf32, #tpu.memory_space<vmem>>, vector<16xf32>,
    %add3A_293 = arith.constant 64 : i32
    %add3A_294 = vector.broadcast %add3A_293 : i32 to vector<16xi32>
    %add3A_295 = arith.addi %add3A_294, %iota3A : vector<16xi32>
    %mul3A_296 = arith.constant 4 : i32
    %mul3A_297 = vector.broadcast %mul3A_296 : i32 to vector<16xi32>
    %mul3A_298 = arith.muli %add3A_295, %mul3A_297 : vector<16xi32>
    %add3A_299 = arith.constant 0 : i32
    %add3A_300 = vector.broadcast %add3A_299 : i32 to vector<16xi32>
    %add3A_301 = arith.addi %mul3A_298, %add3A_300 : vector<16xi32>
    %gather3A_302 = tpu.vector_load_idx %arg6[%add3A_301] : memref<512xf32, #tpu.memory_space<vmem>>[vector<16xi32>], vector<16xf32>,
    %mul3A_303 = vector.broadcast %div3A_41 : f32 to vector<16xf32>
    %mul3A_304 = arith.mulf %gather3A_302, %mul3A_303 : vector<16xf32>
    %add3A_305 = arith.constant 1 : i32
    %add3A_306 = vector.broadcast %add3A_305 : i32 to vector<16xi32>
    %add3A_307 = arith.addi %mul3A_298, %add3A_306 : vector<16xi32>
    %gather3A_308 = tpu.vector_load_idx %arg6[%add3A_307] : memref<512xf32, #tpu.memory_space<vmem>>[vector<16xi32>], vector<16xf32>,
    %mul3A_309 = vector.broadcast %div3A_41 : f32 to vector<16xf32>
    %mul3A_310 = arith.mulf %gather3A_308, %mul3A_309 : vector<16xf32>
    %add3A_311 = arith.constant 2 : i32
    %add3A_312 = vector.broadcast %add3A_311 : i32 to vector<16xi32>
    %add3A_313 = arith.addi %mul3A_298, %add3A_312 : vector<16xi32>
    %gather3A_314 = tpu.vector_load_idx %arg6[%add3A_313] : memref<512xf32, #tpu.memory_space<vmem>>[vector<16xi32>], vector<16xf32>,
    %mul3A_315 = vector.broadcast %div3A_41 : f32 to vector<16xf32>
    %mul3A_316 = arith.mulf %gather3A_314, %mul3A_315 : vector<16xf32>
    %add3A_317 = arith.constant 3 : i32
    %add3A_318 = vector.broadcast %add3A_317 : i32 to vector<16xi32>
    %add3A_319 = arith.addi %mul3A_298, %add3A_318 : vector<16xi32>
    %gather3A_320 = tpu.vector_load_idx %arg6[%add3A_319] : memref<512xf32, #tpu.memory_space<vmem>>[vector<16xi32>], vector<16xf32>,
    %mul3A_321 = vector.broadcast %div3A_41 : f32 to vector<16xf32>
    %mul3A_322 = arith.mulf %gather3A_320, %mul3A_321 : vector<16xf32>
    %max3A_323 = arith.maximumf %mul3A_304, %mul3A_310 : vector<16xf32>
    %max3A_324 = arith.maximumf %mul3A_316, %mul3A_322 : vector<16xf32>
    %max3A_325 = arith.maximumf %max3A_323, %max3A_324 : vector<16xf32>
    %sub3A_326 = arith.subf %mul3A_304, %max3A_325 : vector<16xf32>
    %exp3A_327 = math.exp %sub3A_326 : vector<16xf32>
    %sub3A_328 = arith.subf %mul3A_310, %max3A_325 : vector<16xf32>
    %exp3A_329 = math.exp %sub3A_328 : vector<16xf32>
    %sub3A_330 = arith.subf %mul3A_316, %max3A_325 : vector<16xf32>
    %exp3A_331 = math.exp %sub3A_330 : vector<16xf32>
    %sub3A_332 = arith.subf %mul3A_322, %max3A_325 : vector<16xf32>
    %exp3A_333 = math.exp %sub3A_332 : vector<16xf32>
    %add3A_334 = arith.addf %exp3A_327, %exp3A_329 : vector<16xf32>
    %add3A_335 = arith.addf %exp3A_331, %exp3A_333 : vector<16xf32>
    %add3A_336 = arith.addf %add3A_334, %add3A_335 : vector<16xf32>
    %div3A_337 = arith.divf %exp3A_327, %add3A_336 : vector<16xf32>
    %swap3A_338 = arith.constant 0 : i32
    %swap3A_339 = arith.index_cast %swap3A_338 : i32 to index
    %swap3A_340 = arith.constant 64 : index
    %swap3A_341 = tpu.vector_load %arg7[%swap3A_339, %swap3A_340] {strides = array<i32>} : memref<4x128xf32, #tpu.memory_space<vmem>>, vector<16xf32>,
    tpu.vector_store %arg7[%swap3A_339, %swap3A_340], %div3A_337 {strides = array<i32>} : memref<4x128xf32, #tpu.memory_space<vmem>>, vector<16xf32>,
    %div3A_342 = arith.divf %exp3A_329, %add3A_336 : vector<16xf32>
    %swap3A_343 = arith.constant 1 : i32
    %swap3A_344 = arith.index_cast %swap3A_343 : i32 to index
    %swap3A_345 = arith.constant 64 : index
    %swap3A_346 = tpu.vector_load %arg7[%swap3A_344, %swap3A_345] {strides = array<i32>} : memref<4x128xf32, #tpu.memory_space<vmem>>, vector<16xf32>,
    tpu.vector_store %arg7[%swap3A_344, %swap3A_345], %div3A_342 {strides = array<i32>} : memref<4x128xf32, #tpu.memory_space<vmem>>, vector<16xf32>,
    %div3A_347 = arith.divf %exp3A_331, %add3A_336 : vector<16xf32>
    %swap3A_348 = arith.constant 2 : i32
    %swap3A_349 = arith.index_cast %swap3A_348 : i32 to index
    %swap3A_350 = arith.constant 64 : index
    %swap3A_351 = tpu.vector_load %arg7[%swap3A_349, %swap3A_350] {strides = array<i32>} : memref<4x128xf32, #tpu.memory_space<vmem>>, vector<16xf32>,
    tpu.vector_store %arg7[%swap3A_349, %swap3A_350], %div3A_347 {strides = array<i32>} : memref<4x128xf32, #tpu.memory_space<vmem>>, vector<16xf32>,
    %div3A_352 = arith.divf %exp3A_333, %add3A_336 : vector<16xf32>
    %swap3A_353 = arith.constant 3 : i32
    %swap3A_354 = arith.index_cast %swap3A_353 : i32 to index
    %swap3A_355 = arith.constant 64 : index
    %swap3A_356 = tpu.vector_load %arg7[%swap3A_354, %swap3A_355] {strides = array<i32>} : memref<4x128xf32, #tpu.memory_space<vmem>>, vector<16xf32>,
    tpu.vector_store %arg7[%swap3A_354, %swap3A_355], %div3A_352 {strides = array<i32>} : memref<4x128xf32, #tpu.memory_space<vmem>>, vector<16xf32>,
    %add3A_357 = arith.constant 80 : i32
    %add3A_358 = vector.broadcast %add3A_357 : i32 to vector<16xi32>
    %add3A_359 = arith.addi %add3A_358, %iota3A : vector<16xi32>
    %mul3A_360 = arith.constant 4 : i32
    %mul3A_361 = vector.broadcast %mul3A_360 : i32 to vector<16xi32>
    %mul3A_362 = arith.muli %add3A_359, %mul3A_361 : vector<16xi32>
    %add3A_363 = arith.constant 0 : i32
    %add3A_364 = vector.broadcast %add3A_363 : i32 to vector<16xi32>
    %add3A_365 = arith.addi %mul3A_362, %add3A_364 : vector<16xi32>
    %gather3A_366 = tpu.vector_load_idx %arg6[%add3A_365] : memref<512xf32, #tpu.memory_space<vmem>>[vector<16xi32>], vector<16xf32>,
    %mul3A_367 = vector.broadcast %div3A_41 : f32 to vector<16xf32>
    %mul3A_368 = arith.mulf %gather3A_366, %mul3A_367 : vector<16xf32>
    %add3A_369 = arith.constant 1 : i32
    %add3A_370 = vector.broadcast %add3A_369 : i32 to vector<16xi32>
    %add3A_371 = arith.addi %mul3A_362, %add3A_370 : vector<16xi32>
    %gather3A_372 = tpu.vector_load_idx %arg6[%add3A_371] : memref<512xf32, #tpu.memory_space<vmem>>[vector<16xi32>], vector<16xf32>,
    %mul3A_373 = vector.broadcast %div3A_41 : f32 to vector<16xf32>
    %mul3A_374 = arith.mulf %gather3A_372, %mul3A_373 : vector<16xf32>
    %add3A_375 = arith.constant 2 : i32
    %add3A_376 = vector.broadcast %add3A_375 : i32 to vector<16xi32>
    %add3A_377 = arith.addi %mul3A_362, %add3A_376 : vector<16xi32>
    %gather3A_378 = tpu.vector_load_idx %arg6[%add3A_377] : memref<512xf32, #tpu.memory_space<vmem>>[vector<16xi32>], vector<16xf32>,
    %mul3A_379 = vector.broadcast %div3A_41 : f32 to vector<16xf32>
    %mul3A_380 = arith.mulf %gather3A_378, %mul3A_379 : vector<16xf32>
    %add3A_381 = arith.constant 3 : i32
    %add3A_382 = vector.broadcast %add3A_381 : i32 to vector<16xi32>
    %add3A_383 = arith.addi %mul3A_362, %add3A_382 : vector<16xi32>
    %gather3A_384 = tpu.vector_load_idx %arg6[%add3A_383] : memref<512xf32, #tpu.memory_space<vmem>>[vector<16xi32>], vector<16xf32>,
    %mul3A_385 = vector.broadcast %div3A_41 : f32 to vector<16xf32>
    %mul3A_386 = arith.mulf %gather3A_384, %mul3A_385 : vector<16xf32>
    %max3A_387 = arith.maximumf %mul3A_368, %mul3A_374 : vector<16xf32>
    %max3A_388 = arith.maximumf %mul3A_380, %mul3A_386 : vector<16xf32>
    %max3A_389 = arith.maximumf %max3A_387, %max3A_388 : vector<16xf32>
    %sub3A_390 = arith.subf %mul3A_368, %max3A_389 : vector<16xf32>
    %exp3A_391 = math.exp %sub3A_390 : vector<16xf32>
    %sub3A_392 = arith.subf %mul3A_374, %max3A_389 : vector<16xf32>
    %exp3A_393 = math.exp %sub3A_392 : vector<16xf32>
    %sub3A_394 = arith.subf %mul3A_380, %max3A_389 : vector<16xf32>
    %exp3A_395 = math.exp %sub3A_394 : vector<16xf32>
    %sub3A_396 = arith.subf %mul3A_386, %max3A_389 : vector<16xf32>
    %exp3A_397 = math.exp %sub3A_396 : vector<16xf32>
    %add3A_398 = arith.addf %exp3A_391, %exp3A_393 : vector<16xf32>
    %add3A_399 = arith.addf %exp3A_395, %exp3A_397 : vector<16xf32>
    %add3A_400 = arith.addf %add3A_398, %add3A_399 : vector<16xf32>
    %div3A_401 = arith.divf %exp3A_391, %add3A_400 : vector<16xf32>
    %swap3A_402 = arith.constant 0 : i32
    %swap3A_403 = arith.index_cast %swap3A_402 : i32 to index
    %swap3A_404 = arith.constant 80 : index
    %swap3A_405 = tpu.vector_load %arg7[%swap3A_403, %swap3A_404] {strides = array<i32>} : memref<4x128xf32, #tpu.memory_space<vmem>>, vector<16xf32>,
    tpu.vector_store %arg7[%swap3A_403, %swap3A_404], %div3A_401 {strides = array<i32>} : memref<4x128xf32, #tpu.memory_space<vmem>>, vector<16xf32>,
    %div3A_406 = arith.divf %exp3A_393, %add3A_400 : vector<16xf32>
    %swap3A_407 = arith.constant 1 : i32
    %swap3A_408 = arith.index_cast %swap3A_407 : i32 to index
    %swap3A_409 = arith.constant 80 : index
    %swap3A_410 = tpu.vector_load %arg7[%swap3A_408, %swap3A_409] {strides = array<i32>} : memref<4x128xf32, #tpu.memory_space<vmem>>, vector<16xf32>,
    tpu.vector_store %arg7[%swap3A_408, %swap3A_409], %div3A_406 {strides = array<i32>} : memref<4x128xf32, #tpu.memory_space<vmem>>, vector<16xf32>,
    %div3A_411 = arith.divf %exp3A_395, %add3A_400 : vector<16xf32>
    %swap3A_412 = arith.constant 2 : i32
    %swap3A_413 = arith.index_cast %swap3A_412 : i32 to index
    %swap3A_414 = arith.constant 80 : index
    %swap3A_415 = tpu.vector_load %arg7[%swap3A_413, %swap3A_414] {strides = array<i32>} : memref<4x128xf32, #tpu.memory_space<vmem>>, vector<16xf32>,
    tpu.vector_store %arg7[%swap3A_413, %swap3A_414], %div3A_411 {strides = array<i32>} : memref<4x128xf32, #tpu.memory_space<vmem>>, vector<16xf32>,
    %div3A_416 = arith.divf %exp3A_397, %add3A_400 : vector<16xf32>
    %swap3A_417 = arith.constant 3 : i32
    %swap3A_418 = arith.index_cast %swap3A_417 : i32 to index
    %swap3A_419 = arith.constant 80 : index
    %swap3A_420 = tpu.vector_load %arg7[%swap3A_418, %swap3A_419] {strides = array<i32>} : memref<4x128xf32, #tpu.memory_space<vmem>>, vector<16xf32>,
    tpu.vector_store %arg7[%swap3A_418, %swap3A_419], %div3A_416 {strides = array<i32>} : memref<4x128xf32, #tpu.memory_space<vmem>>, vector<16xf32>,
    %add3A_421 = arith.constant 96 : i32
    %add3A_422 = vector.broadcast %add3A_421 : i32 to vector<16xi32>
    %add3A_423 = arith.addi %add3A_422, %iota3A : vector<16xi32>
    %mul3A_424 = arith.constant 4 : i32
    %mul3A_425 = vector.broadcast %mul3A_424 : i32 to vector<16xi32>
    %mul3A_426 = arith.muli %add3A_423, %mul3A_425 : vector<16xi32>
    %add3A_427 = arith.constant 0 : i32
    %add3A_428 = vector.broadcast %add3A_427 : i32 to vector<16xi32>
    %add3A_429 = arith.addi %mul3A_426, %add3A_428 : vector<16xi32>
    %gather3A_430 = tpu.vector_load_idx %arg6[%add3A_429] : memref<512xf32, #tpu.memory_space<vmem>>[vector<16xi32>], vector<16xf32>,
    %mul3A_431 = vector.broadcast %div3A_41 : f32 to vector<16xf32>
    %mul3A_432 = arith.mulf %gather3A_430, %mul3A_431 : vector<16xf32>
    %add3A_433 = arith.constant 1 : i32
    %add3A_434 = vector.broadcast %add3A_433 : i32 to vector<16xi32>
    %add3A_435 = arith.addi %mul3A_426, %add3A_434 : vector<16xi32>
    %gather3A_436 = tpu.vector_load_idx %arg6[%add3A_435] : memref<512xf32, #tpu.memory_space<vmem>>[vector<16xi32>], vector<16xf32>,
    %mul3A_437 = vector.broadcast %div3A_41 : f32 to vector<16xf32>
    %mul3A_438 = arith.mulf %gather3A_436, %mul3A_437 : vector<16xf32>
    %add3A_439 = arith.constant 2 : i32
    %add3A_440 = vector.broadcast %add3A_439 : i32 to vector<16xi32>
    %add3A_441 = arith.addi %mul3A_426, %add3A_440 : vector<16xi32>
    %gather3A_442 = tpu.vector_load_idx %arg6[%add3A_441] : memref<512xf32, #tpu.memory_space<vmem>>[vector<16xi32>], vector<16xf32>,
    %mul3A_443 = vector.broadcast %div3A_41 : f32 to vector<16xf32>
    %mul3A_444 = arith.mulf %gather3A_442, %mul3A_443 : vector<16xf32>
    %add3A_445 = arith.constant 3 : i32
    %add3A_446 = vector.broadcast %add3A_445 : i32 to vector<16xi32>
    %add3A_447 = arith.addi %mul3A_426, %add3A_446 : vector<16xi32>
    %gather3A_448 = tpu.vector_load_idx %arg6[%add3A_447] : memref<512xf32, #tpu.memory_space<vmem>>[vector<16xi32>], vector<16xf32>,
    %mul3A_449 = vector.broadcast %div3A_41 : f32 to vector<16xf32>
    %mul3A_450 = arith.mulf %gather3A_448, %mul3A_449 : vector<16xf32>
    %max3A_451 = arith.maximumf %mul3A_432, %mul3A_438 : vector<16xf32>
    %max3A_452 = arith.maximumf %mul3A_444, %mul3A_450 : vector<16xf32>
    %max3A_453 = arith.maximumf %max3A_451, %max3A_452 : vector<16xf32>
    %sub3A_454 = arith.subf %mul3A_432, %max3A_453 : vector<16xf32>
    %exp3A_455 = math.exp %sub3A_454 : vector<16xf32>
    %sub3A_456 = arith.subf %mul3A_438, %max3A_453 : vector<16xf32>
    %exp3A_457 = math.exp %sub3A_456 : vector<16xf32>
    %sub3A_458 = arith.subf %mul3A_444, %max3A_453 : vector<16xf32>
    %exp3A_459 = math.exp %sub3A_458 : vector<16xf32>
    %sub3A_460 = arith.subf %mul3A_450, %max3A_453 : vector<16xf32>
    %exp3A_461 = math.exp %sub3A_460 : vector<16xf32>
    %add3A_462 = arith.addf %exp3A_455, %exp3A_457 : vector<16xf32>
    %add3A_463 = arith.addf %exp3A_459, %exp3A_461 : vector<16xf32>
    %add3A_464 = arith.addf %add3A_462, %add3A_463 : vector<16xf32>
    %div3A_465 = arith.divf %exp3A_455, %add3A_464 : vector<16xf32>
    %swap3A_466 = arith.constant 0 : i32
    %swap3A_467 = arith.index_cast %swap3A_466 : i32 to index
    %swap3A_468 = arith.constant 96 : index
    %swap3A_469 = tpu.vector_load %arg7[%swap3A_467, %swap3A_468] {strides = array<i32>} : memref<4x128xf32, #tpu.memory_space<vmem>>, vector<16xf32>,
    tpu.vector_store %arg7[%swap3A_467, %swap3A_468], %div3A_465 {strides = array<i32>} : memref<4x128xf32, #tpu.memory_space<vmem>>, vector<16xf32>,
    %div3A_470 = arith.divf %exp3A_457, %add3A_464 : vector<16xf32>
    %swap3A_471 = arith.constant 1 : i32
    %swap3A_472 = arith.index_cast %swap3A_471 : i32 to index
    %swap3A_473 = arith.constant 96 : index
    %swap3A_474 = tpu.vector_load %arg7[%swap3A_472, %swap3A_473] {strides = array<i32>} : memref<4x128xf32, #tpu.memory_space<vmem>>, vector<16xf32>,
    tpu.vector_store %arg7[%swap3A_472, %swap3A_473], %div3A_470 {strides = array<i32>} : memref<4x128xf32, #tpu.memory_space<vmem>>, vector<16xf32>,
    %div3A_475 = arith.divf %exp3A_459, %add3A_464 : vector<16xf32>
    %swap3A_476 = arith.constant 2 : i32
    %swap3A_477 = arith.index_cast %swap3A_476 : i32 to index
    %swap3A_478 = arith.constant 96 : index
    %swap3A_479 = tpu.vector_load %arg7[%swap3A_477, %swap3A_478] {strides = array<i32>} : memref<4x128xf32, #tpu.memory_space<vmem>>, vector<16xf32>,
    tpu.vector_store %arg7[%swap3A_477, %swap3A_478], %div3A_475 {strides = array<i32>} : memref<4x128xf32, #tpu.memory_space<vmem>>, vector<16xf32>,
    %div3A_480 = arith.divf %exp3A_461, %add3A_464 : vector<16xf32>
    %swap3A_481 = arith.constant 3 : i32
    %swap3A_482 = arith.index_cast %swap3A_481 : i32 to index
    %swap3A_483 = arith.constant 96 : index
    %swap3A_484 = tpu.vector_load %arg7[%swap3A_482, %swap3A_483] {strides = array<i32>} : memref<4x128xf32, #tpu.memory_space<vmem>>, vector<16xf32>,
    tpu.vector_store %arg7[%swap3A_482, %swap3A_483], %div3A_480 {strides = array<i32>} : memref<4x128xf32, #tpu.memory_space<vmem>>, vector<16xf32>,
    %add3A_485 = arith.constant 112 : i32
    %add3A_486 = vector.broadcast %add3A_485 : i32 to vector<16xi32>
    %add3A_487 = arith.addi %add3A_486, %iota3A : vector<16xi32>
    %mul3A_488 = arith.constant 4 : i32
    %mul3A_489 = vector.broadcast %mul3A_488 : i32 to vector<16xi32>
    %mul3A_490 = arith.muli %add3A_487, %mul3A_489 : vector<16xi32>
    %add3A_491 = arith.constant 0 : i32
    %add3A_492 = vector.broadcast %add3A_491 : i32 to vector<16xi32>
    %add3A_493 = arith.addi %mul3A_490, %add3A_492 : vector<16xi32>
    %gather3A_494 = tpu.vector_load_idx %arg6[%add3A_493] : memref<512xf32, #tpu.memory_space<vmem>>[vector<16xi32>], vector<16xf32>,
    %mul3A_495 = vector.broadcast %div3A_41 : f32 to vector<16xf32>
    %mul3A_496 = arith.mulf %gather3A_494, %mul3A_495 : vector<16xf32>
    %add3A_497 = arith.constant 1 : i32
    %add3A_498 = vector.broadcast %add3A_497 : i32 to vector<16xi32>
    %add3A_499 = arith.addi %mul3A_490, %add3A_498 : vector<16xi32>
    %gather3A_500 = tpu.vector_load_idx %arg6[%add3A_499] : memref<512xf32, #tpu.memory_space<vmem>>[vector<16xi32>], vector<16xf32>,
    %mul3A_501 = vector.broadcast %div3A_41 : f32 to vector<16xf32>
    %mul3A_502 = arith.mulf %gather3A_500, %mul3A_501 : vector<16xf32>
    %add3A_503 = arith.constant 2 : i32
    %add3A_504 = vector.broadcast %add3A_503 : i32 to vector<16xi32>
    %add3A_505 = arith.addi %mul3A_490, %add3A_504 : vector<16xi32>
    %gather3A_506 = tpu.vector_load_idx %arg6[%add3A_505] : memref<512xf32, #tpu.memory_space<vmem>>[vector<16xi32>], vector<16xf32>,
    %mul3A_507 = vector.broadcast %div3A_41 : f32 to vector<16xf32>
    %mul3A_508 = arith.mulf %gather3A_506, %mul3A_507 : vector<16xf32>
    %add3A_509 = arith.constant 3 : i32
    %add3A_510 = vector.broadcast %add3A_509 : i32 to vector<16xi32>
    %add3A_511 = arith.addi %mul3A_490, %add3A_510 : vector<16xi32>
    %gather3A_512 = tpu.vector_load_idx %arg6[%add3A_511] : memref<512xf32, #tpu.memory_space<vmem>>[vector<16xi32>], vector<16xf32>,
    %mul3A_513 = vector.broadcast %div3A_41 : f32 to vector<16xf32>
    %mul3A_514 = arith.mulf %gather3A_512, %mul3A_513 : vector<16xf32>
    %max3A_515 = arith.maximumf %mul3A_496, %mul3A_502 : vector<16xf32>
    %max3A_516 = arith.maximumf %mul3A_508, %mul3A_514 : vector<16xf32>
    %max3A_517 = arith.maximumf %max3A_515, %max3A_516 : vector<16xf32>
    %sub3A_518 = arith.subf %mul3A_496, %max3A_517 : vector<16xf32>
    %exp3A_519 = math.exp %sub3A_518 : vector<16xf32>
    %sub3A_520 = arith.subf %mul3A_502, %max3A_517 : vector<16xf32>
    %exp3A_521 = math.exp %sub3A_520 : vector<16xf32>
    %sub3A_522 = arith.subf %mul3A_508, %max3A_517 : vector<16xf32>
    %exp3A_523 = math.exp %sub3A_522 : vector<16xf32>
    %sub3A_524 = arith.subf %mul3A_514, %max3A_517 : vector<16xf32>
    %exp3A_525 = math.exp %sub3A_524 : vector<16xf32>
    %add3A_526 = arith.addf %exp3A_519, %exp3A_521 : vector<16xf32>
    %add3A_527 = arith.addf %exp3A_523, %exp3A_525 : vector<16xf32>
    %add3A_528 = arith.addf %add3A_526, %add3A_527 : vector<16xf32>
    %div3A_529 = arith.divf %exp3A_519, %add3A_528 : vector<16xf32>
    %swap3A_530 = arith.constant 0 : i32
    %swap3A_531 = arith.index_cast %swap3A_530 : i32 to index
    %swap3A_532 = arith.constant 112 : index
    %swap3A_533 = tpu.vector_load %arg7[%swap3A_531, %swap3A_532] {strides = array<i32>} : memref<4x128xf32, #tpu.memory_space<vmem>>, vector<16xf32>,
    tpu.vector_store %arg7[%swap3A_531, %swap3A_532], %div3A_529 {strides = array<i32>} : memref<4x128xf32, #tpu.memory_space<vmem>>, vector<16xf32>,
    %div3A_534 = arith.divf %exp3A_521, %add3A_528 : vector<16xf32>
    %swap3A_535 = arith.constant 1 : i32
    %swap3A_536 = arith.index_cast %swap3A_535 : i32 to index
    %swap3A_537 = arith.constant 112 : index
    %swap3A_538 = tpu.vector_load %arg7[%swap3A_536, %swap3A_537] {strides = array<i32>} : memref<4x128xf32, #tpu.memory_space<vmem>>, vector<16xf32>,
    tpu.vector_store %arg7[%swap3A_536, %swap3A_537], %div3A_534 {strides = array<i32>} : memref<4x128xf32, #tpu.memory_space<vmem>>, vector<16xf32>,
    %div3A_539 = arith.divf %exp3A_523, %add3A_528 : vector<16xf32>
    %swap3A_540 = arith.constant 2 : i32
    %swap3A_541 = arith.index_cast %swap3A_540 : i32 to index
    %swap3A_542 = arith.constant 112 : index
    %swap3A_543 = tpu.vector_load %arg7[%swap3A_541, %swap3A_542] {strides = array<i32>} : memref<4x128xf32, #tpu.memory_space<vmem>>, vector<16xf32>,
    tpu.vector_store %arg7[%swap3A_541, %swap3A_542], %div3A_539 {strides = array<i32>} : memref<4x128xf32, #tpu.memory_space<vmem>>, vector<16xf32>,
    %div3A_544 = arith.divf %exp3A_525, %add3A_528 : vector<16xf32>
    %swap3A_545 = arith.constant 3 : i32
    %swap3A_546 = arith.index_cast %swap3A_545 : i32 to index
    %swap3A_547 = arith.constant 112 : index
    %swap3A_548 = tpu.vector_load %arg7[%swap3A_546, %swap3A_547] {strides = array<i32>} : memref<4x128xf32, #tpu.memory_space<vmem>>, vector<16xf32>,
    tpu.vector_store %arg7[%swap3A_546, %swap3A_547], %div3A_544 {strides = array<i32>} : memref<4x128xf32, #tpu.memory_space<vmem>>, vector<16xf32>,
    "tpu.region"() ({
      %run_scoped3A = tpu.sem_alloc : memref<!tpu.dma_semaphore, #tpu.memory_space<semaphore_mem>>
      %dma_start3A_549 = arith.constant 0 : i32
      %dma_start3A_550 = tpu.memref_slice %arg4[%dma_start3A_549, %mul3A_2] : memref<4x4096xf32, #tpu.memory_space<hbm>> -> memref<4x128xf32, #tpu.memory_space<hbm>>
      %dma_start3A_551 = arith.constant 0 : i32
      %dma_start3A_552 = tpu.memref_slice %arg4[%dma_start3A_551, %mul3A_2] : memref<4x4096xf32, #tpu.memory_space<hbm>> -> memref<4x128xf32, #tpu.memory_space<hbm>>
      tpu.enqueue_dma source(%arg7 : memref<4x128xf32, #tpu.memory_space<vmem>>) target(%dma_start3A_552 : memref<4x128xf32, #tpu.memory_space<hbm>>) target_semaphore(%run_scoped3A : memref<!tpu.dma_semaphore, #tpu.memory_space<semaphore_mem>>)
      %dma_wait3A = arith.constant 0 : i32
      %dma_wait3A_553 = tpu.memref_slice %arg4[%dma_wait3A, %mul3A_2] : memref<4x4096xf32, #tpu.memory_space<hbm>> -> memref<4x128xf32, #tpu.memory_space<hbm>>
      %dma_wait3A_554 = arith.constant 0 : i32
      %dma_wait3A_555 = tpu.memref_slice %arg4[%dma_wait3A_554, %mul3A_2] : memref<4x4096xf32, #tpu.memory_space<hbm>> -> memref<4x128xf32, #tpu.memory_space<hbm>>
      tpu.wait_dma2 semaphore(%run_scoped3A : memref<!tpu.dma_semaphore, #tpu.memory_space<semaphore_mem>>) src(%arg7 : memref<4x128xf32, #tpu.memory_space<vmem>>) dst(%dma_wait3A_555 : memref<4x128xf32, #tpu.memory_space<hbm>>)
      tpu.yield
    }) : () -> ()
    return
  }
}

</mosaic_0001>

<sc_bundles>
// kernel: kernel.4.cloned.1.call-start
scs
__scs_entry_jumppad:
0x0: {  	(pc) =	sbr.rel $0x88, $3  }
0x1: {  	(tag) =	ssettag $0x0;
	lr =	simm.s32 $0x1  }
0x2: {  	[smem:$0x3F9E] =	sst lr;
	_ =	strace $0xD0000000  }
0x3: {  	_ = 	snop  }
0x4: {  	_ = 	snop  }
0x5: {  	_ = 	snop  }
0x6: {  	_ = 	snop  }
0x7: {  	_ = 	snop  }
__scs_overlays_trampoline_lowered:
0x8: {  	[smem:$0x3FAD] =	sst s0  }
0x9: {  	[smem:$0x3FAE] =	sst s1  }
0xa: {  	[smem:$0x3FAF] =	sst s2  }
0xb: {  	[smem:$0x3FB0] =	sst s3  }
0xc: {  	[smem:$0x3FB1] =	sst s4  }
0xd: {  	[smem:$0x3FB2] =	sst s5  }
0xe: {  	[smem:$0x3FB3] =	sst s6  }
0xf: {  	[smem:$0x3FB4] =	sst s7  }
0x10: {  	[smem:$0x3FB5] =	sst s8  }
0x11: {  	[smem:$0x3FB6] =	sst s9;
	s0 =	simm.s32 @!p0 $0x0  }
0x12: {  	s1 =	sld [smem:$0x3F9C];
	s0 =	simm.s32 @p0 $0x1  }
0x13: {  	[smem:$0x3FB7] =	sst s0;
	s0 =	simm.s32 @!p1 $0x0  }
0x14: {  	s2 =	sld [smem:$0x3F9B];
	s0 =	simm.s32 @p1 $0x1  }
0x15: {  	[smem:$0x3FB8] =	sst s0;
	s0 =	simm.s32 @!p2 $0x0  }
0x16: {  	s3 =	sld [smem:$0x3FDB];
	s0 =	simm.s32 @p2 $0x1  }
0x17: {  	s4 =	simm.s32 $0x1BF5;
	[smem:$0x3FBA] =	sst s0  }
0x18: {  	s0 =	sld [smem:$0x3F9D];
	_ =	swait.ge [sflag:s4], $0x0  }
0x19: {  	s7 =	sld [smem:$0x3F9E]  }
0x1a: {  	s8 =	sadd.s32 $0xFFFFE003, lr  }
0x1b: {  	s9 =	sadd.s32 $0xFFFFFEF7, lr;
	s5 =	simm.s32 $0xFFFFFFFF;
	p2 =	slt.u32 s8, $0xFFFFF086  }
0x1c: {  	p1 =	slt.u32 s9, $0xF7A;
	s5 =	simm.s32 @!p2 $0x0  }
0x1d: {  	s5 =	simm.s32 @p1 $0x1;
	p0 =	seq.s32 s7, s2  }
0x1e: {  	s7 =	smul.u32 @!p0 $0xF7A, s2;
	p2 =	seq.s32 @!p0 s5, $0x0  }
0x1f: {  	s9 =	smul.u32 $0xF7A, s1;
	s8 =	simm.s32 @!p0 $0x1BF5;
	p2 =	por !p2, p0  }
0x20: {  	[sflag:s8] =	ssyncset.s32 @!p0 $0xFFFFF086;
	s6 =	sadd.s32 @!p0 s3, s7;
	s7 =	simm.s32 @!p0 $0x108  }
0x21: {  	s3 =	sadd.s32 s3, s9;
	s6 =	sadd.s32 @!p0 $0x88, s6;
	s7 =	simm.s32 @p2 $0x1082  }
0x22: {  	[simem:s7], [sflag:s8] =	dma.local @!p0 [hbm:s6], $0xF7A  }
0x23: {  	s9 =	sor.u32 $0xD0000000, s2;
	s6 =	simm.s32 $0x108;
	_ =	swait.ge @!p0 [sflag:s8], $0x0  }
0x24: {  	s3 =	sadd.s32 $0x88, s3;
	s6 =	simm.s32 @!p1 $0x1082;
	[sflag:s4] =	ssyncset.s32 $0xFFFFF086  }
0x25: {  	[simem:s6], [sflag:s4] =	dma.local [hbm:s3], $0xF7A  }
0x26: {  	[smem:$0x3F9E] =	sst s1;
	(tag) =	ssettag s2;
	_ =	strace s9  }
0x27: {  	s1 =	sld [smem:$0x3FAE]  }
0x28: {  	s2 =	sld [smem:$0x3FAF]  }
0x29: {  	s4 =	sld [smem:$0x3FB1]  }
0x2a: {  	p0 =	seq.s32 s5, $0x0;
	s5 =	sld [smem:$0x3FB2]  }
0x2b: {  	s6 =	sld [smem:$0x3FB3]  }
0x2c: {  	s7 =	sld [smem:$0x3FB4]  }
0x2d: {  	s3 =	simm.s32 $0x108;
	s8 =	sld [smem:$0x3FB5]  }
0x2e: {  	s3 =	simm.s32 @!p0 $0x1082;
	s9 =	sld [smem:$0x3FB6]  }
0x2f: {  	lr =	sadd.s32 s0, s3;
	s0 =	sld [smem:$0x3FAD]  }
0x30: {  	s3 =	sld [smem:$0x3FB0]  }
0x31: {  	[smem:$0x3FB9] =	sst s10  }
0x32: {  	s10 =	sld [smem:$0x3FB7];
	_ =	sdelay $0x3  }
0x33: {  	p0 =	seq.s32 s10, $0x1;
	s10 =	sld [smem:$0x3FB9];
	_ =	sdelay $0x3  }
0x34: {  	[smem:$0x3FB9] =	sst s10  }
0x35: {  	s10 =	sld [smem:$0x3FB8];
	_ =	sdelay $0x3  }
0x36: {  	p1 =	seq.s32 s10, $0x1;
	s10 =	sld [smem:$0x3FB9];
	_ =	sdelay $0x3  }
0x37: {  	[smem:$0x3FB9] =	sst s10  }
0x38: {  	s10 =	sld [smem:$0x3FBA]  }
0x39: {  	_ = 	snop;
	(pc) =	sbr.ind lr, $3  }
0x3a: {  	_ = 	snop  }
0x3b: {  	_ = 	snop  }
0x3c: {  	p2 =	seq.s32 s10, $0x1;
	s10 =	sld [smem:$0x3FB9]  }
0x3d: {  	_ =	shalt  }
0x3e: {  	_ =	shalt  }
0x3f: {  	_ =	shalt  }
0x40: {  	_ =	shalt  }
0x41: {  	_ =	shalt  }
0x42: {  	_ =	shalt  }
0x43: {  	_ =	shalt  }
0x44: {  	_ =	shalt  }
0x45: {  	_ =	shalt  }
0x46: {  	_ =	shalt  }
0x47: {  	_ =	shalt  }
0x48: {  	_ =	shalt  }
0x49: {  	_ =	shalt  }
0x4a: {  	_ =	shalt  }
0x4b: {  	_ =	shalt  }
0x4c: {  	_ =	shalt  }
0x4d: {  	_ =	shalt  }
0x4e: {  	_ =	shalt  }
0x4f: {  	_ =	shalt  }
0x50: {  	_ =	shalt  }
0x51: {  	_ =	shalt  }
0x52: {  	_ =	shalt  }
0x53: {  	_ =	shalt  }
0x54: {  	_ =	shalt  }
0x55: {  	_ =	shalt  }
0x56: {  	_ =	shalt  }
0x57: {  	_ =	shalt  }
0x58: {  	_ =	shalt  }
0x59: {  	_ =	shalt  }
0x5a: {  	_ =	shalt  }
0x5b: {  	_ =	shalt  }
0x5c: {  	_ =	shalt  }
0x5d: {  	_ =	shalt  }
0x5e: {  	_ =	shalt  }
0x5f: {  	_ =	shalt  }
0x60: {  	_ =	shalt  }
0x61: {  	_ =	shalt  }
0x62: {  	_ =	shalt  }
0x63: {  	_ =	shalt  }
0x64: {  	_ =	shalt  }
0x65: {  	_ =	shalt  }
0x66: {  	_ =	shalt  }
0x67: {  	_ =	shalt  }
0x68: {  	_ =	shalt  }
0x69: {  	_ =	shalt  }
0x6a: {  	_ =	shalt  }
0x6b: {  	_ =	shalt  }
0x6c: {  	_ =	shalt  }
0x6d: {  	_ =	shalt  }
0x6e: {  	_ =	shalt  }
0x6f: {  	_ =	shalt  }
0x70: {  	_ =	shalt  }
0x71: {  	_ =	shalt  }
0x72: {  	_ =	shalt  }
0x73: {  	_ =	shalt  }
0x74: {  	_ =	shalt  }
0x75: {  	_ =	shalt  }
0x76: {  	_ =	shalt  }
0x77: {  	_ =	shalt  }
0x78: {  	_ =	shalt  }
0x79: {  	_ =	shalt  }
0x7a: {  	_ =	shalt  }
0x7b: {  	_ =	shalt  }
0x7c: {  	_ =	shalt  }
0x7d: {  	_ =	shalt  }
0x7e: {  	_ =	shalt  }
0x7f: {  	_ =	shalt  }
0x80: {  	_ =	shalt  }
0x81: {  	_ =	shalt  }
0x82: {  	_ =	shalt  }
0x83: {  	_ =	shalt  }
0x84: {  	_ =	shalt  }
0x85: {  	_ =	shalt  }
0x86: {  	_ =	shalt  }
0x87: {  	_ =	shalt  }
.Lfunc_end0:
.L_simem_size_0:
called_computation_lowered:
.L_overlay_start_0:
0x88: {  	s2 =	sld [smem:$0x3FD9]  }
0x89: {  	s3 =	sld [smem:$0x3FFE];
	_ =	sdelay $0x1  }
0x8a: {  	s1 =	srdreg.scid  }
0x8b: {  	s0 =	sand.u32 $0x1, s1  }
0x8c: {  	s15 =	sshll.u32 s0, $0xA;
	s2 =	sadd.s32 s3, s2  }
0x8d: {  	s2 =	sadd.s32 s2, s15  }
0x8e: {  	[smem:$0x3FC5] =	sst s2  }
0x8f: {  	_ = 	snop  }
0x90: {  	s2 =	sld [smem:$0x3FD0];
	_ =	sdelay $0x1  }
0x91: {  	s16 =	sld [smem:$0x3FC9]  }
0x92: {  	s5 =	simm.s32 $0xA;
	s6 =	simm.s32 $0x10;
	s4 =	sld [smem:$0x3FC7]  }
0x93: {  	[smem:s6], [sflag:s5] =	dma.local [hbm:s2], $0x1  }
0x94: {  	_ =	swait.eq [sflag:s5], $0x1  }
0x95: {  	[sflag:s5] =	ssyncset.done $0x0  }
0x96: {  	[sflag:s5] =	ssyncadd.s32 $0xFFFFFFFF  }
0x97: {  	s17 =	sld [smem:$0x10];
	(tm) =	ssettm $0x1  }
0x98: {  	s18 =	sld [smem:$0x3FFB];
	_ =	sdelay $0x3  }
0x99: {  	_ =	strace s18  }
0x9a: {  	s5 =	sld [smem:$0x3FFC];
	_ =	sdelay $0x3  }
0x9b: {  	_ =	strace s5  }
0x9c: {  	s5 =	sld [smem:$0x3FFD];
	_ =	sdelay $0x3  }
0x9d: {  	_ =	strace s5  }
0x9e: {  	_ =	strace $0x8FFFFFFF  }
0x9f: {  	s19 =	sld [smem:$0x3FDB];
	_ =	sdelay $0x1  }
0xa0: {  	s20 =	simm.s32 $_scs_section_size  }
0xa1: {  	s7 =	simm.s32 $_size__tile_overlayer_lowered;
	s8 =	simm.s32 $_tile_overlayer_lowered  }
0xa2: {  	s23 =	simm.s32 $0x1BFF;
	s22 =	sshll.u32 s8, $0x1;
	s5 =	sadd.s32 s20, s19  }
0xa3: {  	s9 =	simm.s32 $0x0;
	s21 =	sshll.u32 s7, $0x1;
	s7 =	sadd.s32 s22, s5  }
0xa4: {  	[timem:s9], [sflag:s23] =	dma.local [hbm:s7], s21  }
0xa5: {  	_ =	swait.ge [sflag:s23], s21  }
0xa6: {  	s6 =	ssub.s32 $0x0, s21;
	[sflag:s23] =	ssyncset.done $0x0  }
0xa7: {  	[sflag:s23] =	ssyncadd.s32 s6;
	_ =	sdelay $0x1  }
0xa8: {  	s24 =	simm.s32 $0x1B8B  }
0xa9: {  	_ =	swait.ge [sflag:s24], $0x1  }
0xaa: {  	[sflag:s24] =	ssyncset.done $0x0  }
0xab: {  	s25 =	simm.s32 $0x1B8E;
	[sflag:s24] =	ssyncadd.s32 $0xFFFFFFFF  }
0xac: {  	s26 =	simm.s32 $execute0_lowered;
	[smem:$0x3FD2] =	sst s25  }
0xad: {  	s6 =	sshll.u32 s26, $0x1;
	_ =	strace $0x80000046;
	[dreg:$0x1] =	wrdreg $0xFFFFFFFF  }
0xae: {  	s28 =	simm.s32 $_size_execute0_lowered;
	s5 =	sadd.s32 s5, s6;
	[dreg:$0x0] =	wrdreg $0x0  }
0xaf: {  	s6 =	sshll.u32 s28, $0x1;
	[dreg:$0x2] =	wrdreg s5  }
0xb0: {  	[dreg:$0x3] =	wrdreg s6  }
0xb1: {  	[dreg:$0x4] =	wrdreg $0xC0  }
0xb2: {  	_ =	task [dreg:s9], $0x5FFFF  }
0xb3: {  	[dreg:$0x1] =	wrdreg $0xFFFFFFFF  }
0xb4: {  	[dreg:$0x0] =	wrdreg $0x60  }
0xb5: {  	[dreg:$0x2] =	wrdreg s16  }
0xb6: {  	[dreg:$0x3] =	wrdreg s4  }
0xb7: {  	[dreg:$0x4] =	wrdreg s17  }
0xb8: {  	[dreg:$0x5] =	wrdreg $0x9  }
0xb9: {  	_ =	task.clear_ibuf [dreg:s9], $0x6FFFF;
	_ =	strace $0x90000046  }
0xba: {  	s29 =	simm.s32 $0x9;
	_ =	strace $0x80000048  }
0xbb: {  	_ =	swait.ge [sflag:s29], $0x1  }
0xbc: {  	[sflag:s29] =	ssyncadd.s32 $0xFFFFFFFF  }
0xbd: {  	_ =	strace $0x90000048  }
0xbe: {  	_ =	sfence  }
0xbf: {  	s30 =	sld [smem:$0x0];
	_ =	sdelay $0x2  }
0xc0: {  	s31 =	sshll.u32 s1, $0xD;
	s1 =	sshrl.u32 s1, $0x2  }
0xc1: {  	s3 =	sand.u32 $0x4000, s31;
	s1 =	sadd.s32 s1, s30  }
0xc2: {  	s0 =	sor.u32 s3, s0;
	s1 =	sshll.u32 s1, $0x11  }
0xc3: {  	s0 =	sor.u32 s1, s0  }
0xc4: {  	s0 =	sadd.s32 $0x8F2B, s0  }
0xc5: {  	[sflag:s0] =	ssyncadd.remote.s32 $0x1  }
0xc6: {  	_ =	sfence.sel $0xFFFF  }
0xc7: {  	[dreg:$0x0] =	wrdreg $0xFFFFFFFF;
	(pc) =	sbr.abs _section_cstart, $3  }
0xc8: {  	[dreg:$0x1] =	wrdreg $0xFFFFFFFF  }
0xc9: {  	_ =	task.clear_ibuf [dreg:s9], $0x2FFFF;
	_ =	strace $0x9FFFFFFF  }
0xca: {  	(tm) =	ssettm $0x7FFFFFFF  }
0xcb: {  	_ =	shalt  }
tec
execute0_lowered:
.L_overlay_start_1:
0x0: {  	(tag) =	ssettag $0x1  }
0x1: {  	v0 =	vimm.s32 $0x183;
	vm0 =	vcmask $0x300  }
0x2: {  	vm1 =	vcmask $0x704;
	v0 =	vsel vm0, $0x0, v0  }
0x3: {  	vm2 =	vcmask $0xB08;
	v0 =	vsel vm1, $0x80, v0  }
0x4: {  	vm3 =	vcmask $0xF0C;
	v1 =	vimm.s32 $0x187;
	v0 =	vsel vm2, $0x100, v0  }
0x5: {  	vm4 =	vcmask $0x1310;
	v1 =	vsel vm0, $0x4, v1;
	v0 =	vsel vm3, $0x180, v0  }
0x6: {  	vm14 =	vcmask $0x1714;
	v1 =	vsel vm1, $0x84, v1;
	v0 =	vsel vm4, $0x1, v0  }
0x7: {  	vm15 =	vcmask $0x1B18;
	v1 =	vsel vm2, $0x104, v1;
	v0 =	vsel vm14, $0x81, v0  }
0x8: {  	vm8 =	vcmask $0x1F1C;
	v1 =	vsel vm3, $0x184, v1;
	v0 =	vsel vm15, $0x101, v0  }
0x9: {  	vm9 =	vcmask $0x2320;
	v1 =	vsel vm4, $0x5, v1;
	v0 =	vsel vm8, $0x181, v0  }
0xa: {  	vm10 =	vcmask $0x2724;
	v1 =	vsel vm14, $0x85, v1;
	v0 =	vsel vm9, $0x2, v0  }
0xb: {  	vm11 =	vcmask $0x2B28;
	v1 =	vsel vm15, $0x105, v1;
	v0 =	vsel vm10, $0x82, v0  }
0xc: {  	vm12 =	vcmask $0x2F2C;
	v1 =	vsel vm8, $0x185, v1;
	v0 =	vsel vm11, $0x102, v0  }
0xd: {  	vm13 =	vcmask $0x3330;
	v1 =	vsel vm9, $0x6, v1;
	v0 =	vsel vm12, $0x182, v0  }
0xe: {  	vm14 =	vcmask $0x3734;
	v1 =	vsel vm10, $0x86, v1;
	v0 =	vsel vm13, $0x3, v0  }
0xf: {  	v3 =	vlaneseq.u32;
	v2 =	vsel vm14, $0x83, v0;
	v0 =	vsel vm11, $0x106, v1  }
0x10: {  	vm15 =	vcmask $0x3B38;
	v1 =	vshrl.u32 v3, $0x2;
	v4 =	vsel vm12, $0x186, v0  }
0x11: {  	s3 =	rddreg [dreg:$0x0];
	v0 =	vmul.u32 $0x80, v1;
	v1 =	vmul.u32 $0x4, v3;
	v4 =	vsel vm13, $0x7, v4  }
0x12: {  	s4 =	rddreg [dreg:$0x1];
	v2 =	vsel vm15, $0x103, v2;
	v3 =	vsel vm14, $0x87, v4  }
0x13: {  	s6 =	rddreg [dreg:$0x2];
	s2 =	srdreg.scid;
	v4 =	vor.u32 $0x200, v0;
	v5 =	vor.u32 $0x1, v1;
	v6 =	vor.u32 $0x2, v1  }
0x14: {  	s0 =	rddreg [dreg:$0x3];
	s1 =	stileid.u32;
	s10 =	simm.s32 $0x3;
	v7 =	vor.u32 $0x3, v1;
	v8 =	vor.u32 $0x40, v1;
	v9 =	vor.u32 $0x41, v1  }
0x15: {  	s11 =	simm.s32 $0x600;
	s12 =	simm.s32 $0x8600;
	s13 =	simm.s32 $0x1;
	v10 =	vor.u32 $0x42, v1;
	v11 =	vor.u32 $0x43, v1;
	v12 =	vor.u32 $0x80, v1  }
0x16: {  	s14 =	simm.s32 $0x2;
	s15 =	simm.s32 $0x200;
	s16 =	simm.s32 $0x400;
	v13 =	vor.u32 $0x81, v1;
	v14 =	vor.u32 $0x82, v1;
	v15 =	vor.u32 $0x83, v1  }
0x17: {  	s17 =	simm.s32 $0x0;
	s5 =	sand.u32 $0x1, s2;
	s2 =	simm.s32 $0x0;
	v16 =	vor.u32 $0xC0, v1;
	v17 =	vor.u32 $0xC1, v1;
	v18 =	vor.u32 $0xC2, v1  }
0x18: {  	s7 =	sshll.u32 s1, $0x8;
	s8 =	sshll.u32 s5, $0x7;
	[smem:$0x7FF] =	sst s2;
	v19 =	vor.u32 $0xC3, v1;
	v20 =	vor.u32 $0x100, v1;
	v21 =	vor.u32 $0x101, v1  }
.Ltmp0:
0x19: {  	s5 =	ssub.s32 $0x2, s5;
	s7 =	sor.u32 s8, s7;
	v22 =	vor.u32 $0x102, v1;
	v23 =	vor.u32 $0x103, v1;
	v24 =	vor.u32 $0x140, v1;
	(pc) =	sbr.rel .LBB2_1-.Ltmp0, $4  }
0x1a: {  	_ =	strace $0x80000047;
	s9 =	sshrl.u32 s5, $0x1;
	s8 =	sshll.u32 s7, $0x9;
	v25 =	vor.u32 $0x141, v1;
	v26 =	vor.u32 $0x142, v1;
	v27 =	vor.u32 $0x143, v1  }
0x1b: {  	s7 =	sshrl.u32 s7, $0x1;
	s31 =	ssub.s32 s5, s9;
	s3 =	sadd.s32 s8, s3;
	v28 =	vor.u32 $0x180, v1;
	v29 =	vor.u32 $0x181, v1;
	v30 =	vor.u32 $0x182, v1  }
0x1c: {  	s4 =	sadd.s32 s4, s7;
	s6 =	sadd.s32 s6, s7;
	s7 =	smax.u32 s31, $0x1;
	v31 =	vor.u32 $0x183, v1;
	v32 =	vor.u32 $0x1C0, v1;
	v33 =	vor.u32 $0x1C1, v1  }
0x1d: {  	s5 =	sadd.s32 $0x1000, s3;
	s8 =	sadd.s32 $0x3000, s3;
	s9 =	sadd.s32 $0x2000, s3;
	v34 =	vor.u32 $0x1C2, v1;
	v35 =	vor.u32 $0x1C3, v1;
	v3 =	vsel vm15, $0x107, v3  }
.LBB2_4:
0x1e: {  	_ =	sdelay $0x3  }
0x1f: {  	v36 =	vld.idx.msk [tilespmem:v1+s15+$0x0], $0xffff  }
0x20: {  	v37 =	vld.idx.msk [tilespmem:v5+s15+$0x0], $0xffff  }
0x21: {  	v38 =	vld.idx.msk [tilespmem:v6+s15+$0x0], $0xffff  }
0x22: {  	v39 =	vld.idx.msk [tilespmem:v7+s15+$0x0], $0xffff;
	_ =	sdelay $0x3  }
0x23: {  	v36 =	vmul.f32 $5.000000000e+00, v36;
	v37 =	vmul.f32 $5.000000000e+00, v37  }
0x24: {  	v38 =	vmul.f32 $5.000000000e+00, v38;
	v39 =	vmul.f32 $5.000000000e+00, v39;
	_ =	sdelay $0x1  }
0x25: {  	v40 =	vmax.f32 v36, v37;
	v41 =	vmax.f32 v38, v39  }
0x26: {  	v40 =	vmax.f32 v40, v41  }
0x27: {  	v36 =	vsub.f32 v36, v40  }
0x28: {  	v37 =	vsub.f32 v37, v40  }
0x29: {  	v38 =	vsub.f32 v38, v40;
	v36 =	vmul.f32 $1.442695020e+00, v36  }
0x2a: {  	v39 =	vsub.f32 v39, v40;
	v37 =	vmul.f32 $1.442695020e+00, v37  }
0x2b: {  	v42 =	vmul.f32 $1.442695020e+00, v38;
	(erf) = vpow2.f32 v36  }
0x2c: {  	v43 =	vmul.f32 $1.442695020e+00, v39;
	(erf) = vpow2.f32 v37  }
0x2d: {  	(erf) = vpow2.f32 v42  }
0x2e: {  	(erf) = vpow2.f32 v43;
	_ =	sdelay $0x5  }
0x2f: {  	v44 =	vpop (erf)  }
0x30: {  	v45 =	vpop (erf)  }
0x31: {  	v46 =	vpop (erf)  }
0x32: {  	v47 =	vpop (erf)  }
0x33: {  	v48 =	vadd.f32 v45, v44;
	v49 =	vadd.f32 v47, v46;
	_ =	sdelay $0x1  }
0x34: {  	v40 =	vadd.f32 v49, v48;
	_ =	sdelay $0x1  }
0x35: {  	(erf) = vrcp.f32 v40;
	_ =	sdelay $0x8  }
0x36: {  	v40 =	vpop (erf)  }
0x37: {  	v36 =	vmul.f32 v40, v44  }
0x38: {  	v37 =	vmul.f32 v40, v45  }
0x39: {  	v50 =	vmul.f32 v40, v46;
	[tilespmem:$0x400] =	vst v36  }
0x3a: {  	v51 =	vmul.f32 v40, v47;
	[tilespmem:$0x480] =	vst v37  }
0x3b: {  	[tilespmem:$0x500] =	vst v50  }
0x3c: {  	[tilespmem:$0x580] =	vst v51  }
0x3d: {  	v36 =	vld.idx.msk [tilespmem:v8+s15+$0x0], $0xffff  }
0x3e: {  	v37 =	vld.idx.msk [tilespmem:v9+s15+$0x0], $0xffff  }
0x3f: {  	v52 =	vld.idx.msk [tilespmem:v10+s15+$0x0], $0xffff  }
0x40: {  	v53 =	vld.idx.msk [tilespmem:v11+s15+$0x0], $0xffff;
	_ =	sdelay $0x3  }
0x41: {  	v36 =	vmul.f32 $5.000000000e+00, v36;
	v37 =	vmul.f32 $5.000000000e+00, v37  }
0x42: {  	v38 =	vmul.f32 $5.000000000e+00, v52;
	v39 =	vmul.f32 $5.000000000e+00, v53;
	_ =	sdelay $0x1  }
0x43: {  	v54 =	vmax.f32 v36, v37;
	v55 =	vmax.f32 v38, v39  }
0x44: {  	v40 =	vmax.f32 v54, v55  }
0x45: {  	v36 =	vsub.f32 v36, v40  }
0x46: {  	v37 =	vsub.f32 v37, v40  }
0x47: {  	v38 =	vsub.f32 v38, v40;
	v36 =	vmul.f32 $1.442695020e+00, v36  }
0x48: {  	v39 =	vsub.f32 v39, v40;
	v37 =	vmul.f32 $1.442695020e+00, v37  }
0x49: {  	v56 =	vmul.f32 $1.442695020e+00, v38;
	(erf) = vpow2.f32 v36  }
0x4a: {  	v57 =	vmul.f32 $1.442695020e+00, v39;
	(erf) = vpow2.f32 v37  }
0x4b: {  	(erf) = vpow2.f32 v56  }
0x4c: {  	(erf) = vpow2.f32 v57;
	_ =	sdelay $0x5  }
0x4d: {  	v58 =	vpop (erf)  }
0x4e: {  	v59 =	vpop (erf)  }
0x4f: {  	v60 =	vpop (erf)  }
0x50: {  	v61 =	vpop (erf)  }
0x51: {  	v62 =	vadd.f32 v59, v58;
	v63 =	vadd.f32 v61, v60;
	_ =	sdelay $0x1  }
0x52: {  	v40 =	vadd.f32 v63, v62;
	_ =	sdelay $0x1  }
0x53: {  	(erf) = vrcp.f32 v40;
	_ =	sdelay $0x8  }
0x54: {  	v40 =	vpop (erf)  }
0x55: {  	v36 =	vmul.f32 v40, v58  }
0x56: {  	v37 =	vmul.f32 v40, v59  }
0x57: {  	v41 =	vmul.f32 v40, v60;
	[tilespmem:$0x410] =	vst v36  }
0x58: {  	v42 =	vmul.f32 v40, v61;
	[tilespmem:$0x490] =	vst v37  }
0x59: {  	[tilespmem:$0x510] =	vst v41  }
0x5a: {  	[tilespmem:$0x590] =	vst v42  }
0x5b: {  	v36 =	vld.idx.msk [tilespmem:v12+s15+$0x0], $0xffff  }
0x5c: {  	v37 =	vld.idx.msk [tilespmem:v13+s15+$0x0], $0xffff  }
0x5d: {  	v43 =	vld.idx.msk [tilespmem:v14+s15+$0x0], $0xffff  }
0x5e: {  	v44 =	vld.idx.msk [tilespmem:v15+s15+$0x0], $0xffff;
	_ =	sdelay $0x3  }
0x5f: {  	v36 =	vmul.f32 $5.000000000e+00, v36;
	v37 =	vmul.f32 $5.000000000e+00, v37  }
0x60: {  	v38 =	vmul.f32 $5.000000000e+00, v43;
	v39 =	vmul.f32 $5.000000000e+00, v44;
	_ =	sdelay $0x1  }
0x61: {  	v45 =	vmax.f32 v36, v37;
	v46 =	vmax.f32 v38, v39  }
0x62: {  	v40 =	vmax.f32 v45, v46  }
0x63: {  	v36 =	vsub.f32 v36, v40  }
0x64: {  	v37 =	vsub.f32 v37, v40  }
0x65: {  	v38 =	vsub.f32 v38, v40;
	v36 =	vmul.f32 $1.442695020e+00, v36  }
0x66: {  	v39 =	vsub.f32 v39, v40;
	v37 =	vmul.f32 $1.442695020e+00, v37  }
0x67: {  	v47 =	vmul.f32 $1.442695020e+00, v38;
	(erf) = vpow2.f32 v36  }
0x68: {  	v48 =	vmul.f32 $1.442695020e+00, v39;
	(erf) = vpow2.f32 v37  }
0x69: {  	(erf) = vpow2.f32 v47  }
0x6a: {  	(erf) = vpow2.f32 v48;
	_ =	sdelay $0x5  }
0x6b: {  	v49 =	vpop (erf)  }
0x6c: {  	v50 =	vpop (erf)  }
0x6d: {  	v51 =	vpop (erf)  }
0x6e: {  	v52 =	vpop (erf)  }
0x6f: {  	v53 =	vadd.f32 v50, v49;
	v54 =	vadd.f32 v52, v51;
	_ =	sdelay $0x1  }
0x70: {  	v40 =	vadd.f32 v54, v53;
	_ =	sdelay $0x1  }
0x71: {  	(erf) = vrcp.f32 v40;
	_ =	sdelay $0x8  }
0x72: {  	v40 =	vpop (erf)  }
0x73: {  	v36 =	vmul.f32 v40, v49  }
0x74: {  	v37 =	vmul.f32 v40, v50  }
0x75: {  	v55 =	vmul.f32 v40, v51;
	[tilespmem:$0x420] =	vst v36  }
0x76: {  	v56 =	vmul.f32 v40, v52;
	[tilespmem:$0x4A0] =	vst v37  }
0x77: {  	[tilespmem:$0x520] =	vst v55  }
0x78: {  	[tilespmem:$0x5A0] =	vst v56  }
0x79: {  	v36 =	vld.idx.msk [tilespmem:v16+s15+$0x0], $0xffff  }
0x7a: {  	v37 =	vld.idx.msk [tilespmem:v17+s15+$0x0], $0xffff  }
0x7b: {  	v57 =	vld.idx.msk [tilespmem:v18+s15+$0x0], $0xffff  }
0x7c: {  	v58 =	vld.idx.msk [tilespmem:v19+s15+$0x0], $0xffff;
	_ =	sdelay $0x3  }
0x7d: {  	v36 =	vmul.f32 $5.000000000e+00, v36;
	v37 =	vmul.f32 $5.000000000e+00, v37  }
0x7e: {  	v38 =	vmul.f32 $5.000000000e+00, v57;
	v39 =	vmul.f32 $5.000000000e+00, v58;
	_ =	sdelay $0x1  }
0x7f: {  	v59 =	vmax.f32 v36, v37;
	v60 =	vmax.f32 v38, v39  }
0x80: {  	v40 =	vmax.f32 v59, v60  }
0x81: {  	v36 =	vsub.f32 v36, v40  }
0x82: {  	v37 =	vsub.f32 v37, v40  }
0x83: {  	v38 =	vsub.f32 v38, v40;
	v36 =	vmul.f32 $1.442695020e+00, v36  }
0x84: {  	v39 =	vsub.f32 v39, v40;
	v37 =	vmul.f32 $1.442695020e+00, v37  }
0x85: {  	v61 =	vmul.f32 $1.442695020e+00, v38;
	(erf) = vpow2.f32 v36  }
0x86: {  	v62 =	vmul.f32 $1.442695020e+00, v39;
	(erf) = vpow2.f32 v37  }
0x87: {  	(erf) = vpow2.f32 v61  }
0x88: {  	(erf) = vpow2.f32 v62;
	_ =	sdelay $0x5  }
0x89: {  	v63 =	vpop (erf)  }
0x8a: {  	v44 =	vpop (erf)  }
0x8b: {  	v45 =	vpop (erf)  }
0x8c: {  	v46 =	vpop (erf)  }
0x8d: {  	v47 =	vadd.f32 v44, v63;
	v48 =	vadd.f32 v46, v45;
	_ =	sdelay $0x1  }
0x8e: {  	v40 =	vadd.f32 v48, v47;
	_ =	sdelay $0x1  }
0x8f: {  	(erf) = vrcp.f32 v40;
	_ =	sdelay $0x8  }
0x90: {  	v40 =	vpop (erf)  }
0x91: {  	v36 =	vmul.f32 v40, v63  }
0x92: {  	v37 =	vmul.f32 v40, v44  }
0x93: {  	v49 =	vmul.f32 v40, v45;
	[tilespmem:$0x430] =	vst v36  }
0x94: {  	v50 =	vmul.f32 v40, v46;
	[tilespmem:$0x4B0] =	vst v37  }
0x95: {  	[tilespmem:$0x530] =	vst v49  }
0x96: {  	[tilespmem:$0x5B0] =	vst v50  }
0x97: {  	v36 =	vld.idx.msk [tilespmem:v20+s15+$0x0], $0xffff  }
0x98: {  	v37 =	vld.idx.msk [tilespmem:v21+s15+$0x0], $0xffff  }
0x99: {  	v51 =	vld.idx.msk [tilespmem:v22+s15+$0x0], $0xffff  }
0x9a: {  	v52 =	vld.idx.msk [tilespmem:v23+s15+$0x0], $0xffff;
	_ =	sdelay $0x3  }
0x9b: {  	v36 =	vmul.f32 $5.000000000e+00, v36;
	v37 =	vmul.f32 $5.000000000e+00, v37  }
0x9c: {  	v38 =	vmul.f32 $5.000000000e+00, v51;
	v39 =	vmul.f32 $5.000000000e+00, v52;
	_ =	sdelay $0x1  }
0x9d: {  	v53 =	vmax.f32 v36, v37;
	v54 =	vmax.f32 v38, v39  }
0x9e: {  	v40 =	vmax.f32 v53, v54  }
0x9f: {  	v36 =	vsub.f32 v36, v40  }
0xa0: {  	v37 =	vsub.f32 v37, v40  }
0xa1: {  	v38 =	vsub.f32 v38, v40;
	v36 =	vmul.f32 $1.442695020e+00, v36  }
0xa2: {  	v39 =	vsub.f32 v39, v40;
	v37 =	vmul.f32 $1.442695020e+00, v37  }
0xa3: {  	v55 =	vmul.f32 $1.442695020e+00, v38;
	(erf) = vpow2.f32 v36  }
0xa4: {  	v56 =	vmul.f32 $1.442695020e+00, v39;
	(erf) = vpow2.f32 v37  }
0xa5: {  	(erf) = vpow2.f32 v55  }
0xa6: {  	(erf) = vpow2.f32 v56;
	_ =	sdelay $0x5  }
0xa7: {  	v57 =	vpop (erf)  }
0xa8: {  	v58 =	vpop (erf)  }
0xa9: {  	v59 =	vpop (erf)  }
0xaa: {  	v60 =	vpop (erf)  }
0xab: {  	v61 =	vadd.f32 v58, v57;
	v62 =	vadd.f32 v60, v59;
	_ =	sdelay $0x1  }
0xac: {  	v40 =	vadd.f32 v62, v61;
	_ =	sdelay $0x1  }
0xad: {  	(erf) = vrcp.f32 v40;
	_ =	sdelay $0x8  }
0xae: {  	v40 =	vpop (erf)  }
0xaf: {  	v36 =	vmul.f32 v40, v57  }
0xb0: {  	v37 =	vmul.f32 v40, v58  }
0xb1: {  	v63 =	vmul.f32 v40, v59;
	[tilespmem:$0x440] =	vst v36  }
0xb2: {  	v41 =	vmul.f32 v40, v60;
	[tilespmem:$0x4C0] =	vst v37  }
0xb3: {  	[tilespmem:$0x540] =	vst v63  }
0xb4: {  	[tilespmem:$0x5C0] =	vst v41  }
0xb5: {  	v36 =	vld.idx.msk [tilespmem:v24+s15+$0x0], $0xffff  }
0xb6: {  	v37 =	vld.idx.msk [tilespmem:v25+s15+$0x0], $0xffff  }
0xb7: {  	v42 =	vld.idx.msk [tilespmem:v26+s15+$0x0], $0xffff  }
0xb8: {  	v43 =	vld.idx.msk [tilespmem:v27+s15+$0x0], $0xffff;
	_ =	sdelay $0x3  }
0xb9: {  	v36 =	vmul.f32 $5.000000000e+00, v36;
	v37 =	vmul.f32 $5.000000000e+00, v37  }
0xba: {  	v38 =	vmul.f32 $5.000000000e+00, v42;
	v39 =	vmul.f32 $5.000000000e+00, v43;
	_ =	sdelay $0x1  }
0xbb: {  	v44 =	vmax.f32 v36, v37;
	v45 =	vmax.f32 v38, v39  }
0xbc: {  	v40 =	vmax.f32 v44, v45  }
0xbd: {  	v36 =	vsub.f32 v36, v40  }
0xbe: {  	v37 =	vsub.f32 v37, v40  }
0xbf: {  	v38 =	vsub.f32 v38, v40;
	v36 =	vmul.f32 $1.442695020e+00, v36  }
0xc0: {  	v39 =	vsub.f32 v39, v40;
	v37 =	vmul.f32 $1.442695020e+00, v37  }
0xc1: {  	v46 =	vmul.f32 $1.442695020e+00, v38;
	(erf) = vpow2.f32 v36  }
0xc2: {  	v47 =	vmul.f32 $1.442695020e+00, v39;
	(erf) = vpow2.f32 v37  }
0xc3: {  	(erf) = vpow2.f32 v46  }
0xc4: {  	(erf) = vpow2.f32 v47;
	_ =	sdelay $0x5  }
0xc5: {  	v48 =	vpop (erf)  }
0xc6: {  	v49 =	vpop (erf)  }
0xc7: {  	v50 =	vpop (erf)  }
0xc8: {  	v51 =	vpop (erf)  }
0xc9: {  	v52 =	vadd.f32 v49, v48;
	v53 =	vadd.f32 v51, v50;
	_ =	sdelay $0x1  }
0xca: {  	v40 =	vadd.f32 v53, v52;
	_ =	sdelay $0x1  }
0xcb: {  	(erf) = vrcp.f32 v40;
	_ =	sdelay $0x8  }
0xcc: {  	v40 =	vpop (erf)  }
0xcd: {  	v36 =	vmul.f32 v40, v48  }
0xce: {  	v37 =	vmul.f32 v40, v49  }
0xcf: {  	v54 =	vmul.f32 v40, v50;
	[tilespmem:$0x450] =	vst v36  }
0xd0: {  	v55 =	vmul.f32 v40, v51;
	[tilespmem:$0x4D0] =	vst v37  }
0xd1: {  	[tilespmem:$0x550] =	vst v54  }
0xd2: {  	[tilespmem:$0x5D0] =	vst v55  }
0xd3: {  	v36 =	vld.idx.msk [tilespmem:v28+s15+$0x0], $0xffff  }
0xd4: {  	v37 =	vld.idx.msk [tilespmem:v29+s15+$0x0], $0xffff  }
0xd5: {  	v56 =	vld.idx.msk [tilespmem:v30+s15+$0x0], $0xffff  }
0xd6: {  	v57 =	vld.idx.msk [tilespmem:v31+s15+$0x0], $0xffff;
	_ =	sdelay $0x3  }
0xd7: {  	v36 =	vmul.f32 $5.000000000e+00, v36;
	v37 =	vmul.f32 $5.000000000e+00, v37  }
0xd8: {  	v38 =	vmul.f32 $5.000000000e+00, v56;
	v39 =	vmul.f32 $5.000000000e+00, v57;
	_ =	sdelay $0x1  }
0xd9: {  	v58 =	vmax.f32 v36, v37;
	v59 =	vmax.f32 v38, v39  }
0xda: {  	v40 =	vmax.f32 v58, v59  }
0xdb: {  	v36 =	vsub.f32 v36, v40  }
0xdc: {  	v37 =	vsub.f32 v37, v40  }
0xdd: {  	v38 =	vsub.f32 v38, v40;
	v36 =	vmul.f32 $1.442695020e+00, v36  }
0xde: {  	v39 =	vsub.f32 v39, v40;
	v37 =	vmul.f32 $1.442695020e+00, v37  }
0xdf: {  	v60 =	vmul.f32 $1.442695020e+00, v38;
	(erf) = vpow2.f32 v36  }
0xe0: {  	v61 =	vmul.f32 $1.442695020e+00, v39;
	(erf) = vpow2.f32 v37  }
0xe1: {  	(erf) = vpow2.f32 v60  }
0xe2: {  	(erf) = vpow2.f32 v61;
	_ =	sdelay $0x5  }
0xe3: {  	v62 =	vpop (erf)  }
0xe4: {  	v63 =	vpop (erf)  }
0xe5: {  	v44 =	vpop (erf)  }
0xe6: {  	v45 =	vpop (erf)  }
0xe7: {  	v46 =	vadd.f32 v63, v62;
	v47 =	vadd.f32 v45, v44;
	_ =	sdelay $0x1  }
0xe8: {  	v40 =	vadd.f32 v47, v46;
	_ =	sdelay $0x1  }
0xe9: {  	(erf) = vrcp.f32 v40;
	_ =	sdelay $0x8  }
0xea: {  	v40 =	vpop (erf)  }
0xeb: {  	v36 =	vmul.f32 v40, v62  }
0xec: {  	v37 =	vmul.f32 v40, v63  }
0xed: {  	v48 =	vmul.f32 v40, v44;
	[tilespmem:$0x460] =	vst v36  }
0xee: {  	v49 =	vmul.f32 v40, v45;
	[tilespmem:$0x4E0] =	vst v37  }
0xef: {  	[tilespmem:$0x560] =	vst v48  }
0xf0: {  	[tilespmem:$0x5E0] =	vst v49  }
0xf1: {  	v36 =	vld.idx.msk [tilespmem:v32+s15+$0x0], $0xffff  }
0xf2: {  	v37 =	vld.idx.msk [tilespmem:v33+s15+$0x0], $0xffff  }
0xf3: {  	v50 =	vld.idx.msk [tilespmem:v34+s15+$0x0], $0xffff  }
0xf4: {  	v51 =	vld.idx.msk [tilespmem:v35+s15+$0x0], $0xffff;
	_ =	sdelay $0x3  }
0xf5: {  	v36 =	vmul.f32 $5.000000000e+00, v36;
	v37 =	vmul.f32 $5.000000000e+00, v37  }
0xf6: {  	v38 =	vmul.f32 $5.000000000e+00, v50;
	v39 =	vmul.f32 $5.000000000e+00, v51;
	_ =	sdelay $0x1  }
0xf7: {  	v52 =	vmax.f32 v36, v37;
	v53 =	vmax.f32 v38, v39  }
0xf8: {  	v40 =	vmax.f32 v52, v53  }
0xf9: {  	v36 =	vsub.f32 v36, v40  }
0xfa: {  	v37 =	vsub.f32 v37, v40  }
0xfb: {  	v38 =	vsub.f32 v38, v40;
	v36 =	vmul.f32 $1.442695020e+00, v36  }
0xfc: {  	v39 =	vsub.f32 v39, v40;
	v37 =	vmul.f32 $1.442695020e+00, v37  }
0xfd: {  	v54 =	vmul.f32 $1.442695020e+00, v38;
	(erf) = vpow2.f32 v36  }
0xfe: {  	v55 =	vmul.f32 $1.442695020e+00, v39;
	(erf) = vpow2.f32 v37  }
0xff: {  	(erf) = vpow2.f32 v54  }
0x100: {  	(erf) = vpow2.f32 v55;
	_ =	sdelay $0x5  }
0x101: {  	v56 =	vpop (erf)  }
0x102: {  	v57 =	vpop (erf)  }
0x103: {  	v58 =	vpop (erf)  }
0x104: {  	v59 =	vpop (erf)  }
0x105: {  	v60 =	vadd.f32 v57, v56;
	v61 =	vadd.f32 v59, v58;
	_ =	sdelay $0x1  }
0x106: {  	v40 =	vadd.f32 v61, v60;
	_ =	sdelay $0x1  }
0x107: {  	(erf) = vrcp.f32 v40;
	_ =	sdelay $0x8  }
0x108: {  	v40 =	vpop (erf)  }
0x109: {  	v36 =	vmul.f32 v40, v56  }
0x10a: {  	v37 =	vmul.f32 v40, v57  }
0x10b: {  	v62 =	vmul.f32 v40, v58;
	[tilespmem:$0x470] =	vst v36  }
0x10c: {  	s17 =	sadd.s32 $0x1, s17;
	v63 =	vmul.f32 v40, v59;
	[tilespmem:$0x4F0] =	vst v37  }
0x10d: {  	p0 =	sne.s32 s17, s7;
	[tilespmem:$0x570] =	vst v62  }
.Ltmp1:
0x10e: {  	[tilespmem:$0x5F0] =	vst v63;
	(pc) =	sbr.rel @!p0 .LBB2_5-.Ltmp1, $4  }
0x10f: {  	[hbm4b:s6+s2] =	stream.linear.scatter [tilespmem:s16], [sflag:$0x3], $0x200, $0x38;
	[tilespmem:$0x10600] =	vst v63  }
0x110: {  	_ =	swait.ge [sflag:s10], $0x200  }
0x111: {  	[sflag:s10] =	ssyncset.done $0x0  }
0x112: {  	[sflag:s10] =	ssyncadd.s32 $0xFFFFFE00  }
.LBB2_1:
0x113: {  	[tilespmem:s2], [sflag:$0x3] =	stream.linear.gather [hbm4b:s4+s2], $0x200, $0x38;
	[tilespmem:$0x10600] =	vst v63  }
0x114: {  	_ =	swait.ge [sflag:s10], $0x200  }
0x115: {  	[sflag:s10] =	ssyncset.done $0x0  }
0x116: {  	s18 =	simm.s32 $0x8;
	[sflag:s10] =	ssyncadd.s32 $0xFFFFFE00  }
0x117: {  	[tilespmem:s11], [sflag:$0x1] =	stream.linear.gather [hbm4b:s3+s2], $0x8000, $0x38;
	[tilespmem:$0x10600] =	vst v63  }
0x118: {  	s19 =	simm.s32 $0x220;
	s20 =	smov.u32 s9;
	s21 =	smov.u32 s8  }
0x119: {  	[tilespmem:s12], [sflag:$0x2] =	stream.linear.gather [hbm4b:s5+s2], $0x8000, $0x38;
	[tilespmem:$0x10600] =	vst v63  }
.LBB2_2:
0x11a: {  	s22 =	sadd.s32 $0xFFFFFFF8, s18  }
0x11b: {  	v36 =	vor.u32 s22, v2;
	_ =	sdelay $0x1  }
0x11c: {  	_ =	swait.ge [sflag:s13], $0x8000  }
0x11d: {  	[sflag:s13] =	ssyncset.done $0x0  }
0x11e: {  	[sflag:s13] =	ssyncadd.s32 $0xFFFF8000  }
0x11f: {  	v36 =	vld.idx.msk [tilespmem:v36+s2+$0x0], $0xffff;
	_ =	sdelay $0x4  }
0x120: {  	v37 =	vshll.u32 v36, $0x3  }
0x121: {  	v36 =	vand.u32 $0x7F, v36;
	v37 =	vand.u32 $0xFFFFFC00, v37  }
0x122: {  	v36 =	vor.u32 v37, v36  }
0x123: {  	v36 =	vor.u32 v0, v36;
	_ =	sdelay $0x4  }
0x124: {  	v36 =	vld.idx.msk [tilespmem:v36+s11+$0x0], $0xffff  }
0x125: {  	v60 =	vor.u32 s22, v3;
	_ =	sdelay $0x3  }
0x126: {  	[tilespmem:s19+$0xFFFFFFE0] =	vst v36  }
0x127: {  	v36 =	vld.idx.msk [tilespmem:v60+s2+$0x0], $0xffff;
	_ =	sdelay $0x4  }
0x128: {  	v37 =	vshll.u32 v36, $0x3  }
0x129: {  	v36 =	vand.u32 $0x7F, v36;
	v37 =	vand.u32 $0xFFFFFC00, v37  }
0x12a: {  	v36 =	vor.u32 v37, v36  }
0x12b: {  	v36 =	vor.u32 v4, v36;
	_ =	sdelay $0x4  }
0x12c: {  	v36 =	vld.idx.msk [tilespmem:v36+s11+$0x0], $0xffff;
	_ =	sdelay $0x3  }
0x12d: {  	p0 =	seq.s32 s18, $0x78  }
0x12e: {  	v61 =	vor.u32 s18, v2;
	s22 =	simm.s32 @!p0 $0x0;
	s23 =	simm.s32 @!p0 $0x600;
	[tilespmem:s19+$0xFFFFFFF0] =	vst v36  }
0x12f: {  	[tilespmem:s23], [sflag:$0x1] =	stream.linear.gather @!p0 [hbm4b:s20+s22], $0x8000, $0x38;
	[tilespmem:$0x10600] =	vst v63  }
0x130: {  	_ =	swait.ge [sflag:s14], $0x8000  }
0x131: {  	[sflag:s14] =	ssyncset.done $0x0  }
0x132: {  	[sflag:s14] =	ssyncadd.s32 $0xFFFF8000  }
0x133: {  	v36 =	vld.idx.msk [tilespmem:v61+s2+$0x0], $0xffff;
	_ =	sdelay $0x4  }
0x134: {  	v62 =	vshll.u32 v36, $0x3  }
0x135: {  	v36 =	vand.u32 $0x7F, v36;
	v37 =	vand.u32 $0xFFFFFC00, v62  }
0x136: {  	v36 =	vor.u32 v37, v36  }
0x137: {  	v36 =	vor.u32 v0, v36;
	_ =	sdelay $0x4  }
0x138: {  	v36 =	vld.idx.msk [tilespmem:v36+s12+$0x0], $0xffff  }
0x139: {  	v63 =	vor.u32 s18, v3;
	_ =	sdelay $0x3  }
0x13a: {  	[tilespmem:s19+$0x0] =	vst v36  }
0x13b: {  	v36 =	vld.idx.msk [tilespmem:v63+s2+$0x0], $0xffff;
	_ =	sdelay $0x4  }
0x13c: {  	v37 =	vshll.u32 v36, $0x3  }
0x13d: {  	v36 =	vand.u32 $0x7F, v36;
	v37 =	vand.u32 $0xFFFFFC00, v37  }
0x13e: {  	v36 =	vor.u32 v37, v36  }
0x13f: {  	v36 =	vor.u32 v4, v36;
	_ =	sdelay $0x4  }
0x140: {  	v36 =	vld.idx.msk [tilespmem:v36+s12+$0x0], $0xffff  }
.Ltmp2:
0x141: {  	_ = 	snop;
	(pc) =	sbr.rel @p0 .LBB2_4-.Ltmp2, $2  }
0x142: {  	_ =	sdelay $0x2  }
0x143: {  	[tilespmem:s19+$0x10] =	vst v36  }
.Ltmp3:
0x144: {  	(pc) =	sbr.rel .LBB2_2-.Ltmp3, $4  }
0x145: {  	_ = 	snop  }
0x146: {  	[tilespmem:s12], [sflag:$0x2] =	stream.linear.gather [hbm4b:s21+s2], $0x8000, $0x38;
	[tilespmem:$0x10600] =	vst v63  }
0x147: {  	s18 =	sadd.s32 $0x10, s18  }
0x148: {  	s21 =	sadd.s32 $0x2000, s21;
	s20 =	sadd.s32 $0x2000, s20;
	s19 =	sadd.s32 $0x40, s19  }
.LBB2_5:
0x149: {  	_ =	sfence.sel $0x180000  }
0x14a: {  	[bflag:$0x0] =	sbarrier.arrive $0xFFFF  }
0x14b: {  	p0 =	sne.s32 s1, $0x0;
	_ =	strace $0x90000047  }
0x14c: {  	s0 =	sadd.s32 @!p0 $0x100000, s0;
	[bflag:$0x2] =	sbarrier.arrive $0xFFFF  }
0x14d: {  	[sflag:s0] =	ssyncadd.tile.s32 @!p0 $0x1;
	_ =	shalt  }
.Lfunc_end2:
_tile_overlayer_lowered:
.L_overlay_start_2:
0x14e: {  	(tag) =	ssettag $0x2  }
0x14f: {  	s0 =	rddreg [dreg:$0x0];
	s2 =	stileid.u32  }
0x150: {  	s1 =	rddreg [dreg:$0x1];
	p0 =	sne.s32 s2, $0x0  }
0x151: {  	s3 =	rddreg [dreg:$0x2];
	[bflag:$0x3] =	sbarrier.arrive $0xFFFF;
	s2 =	simm.s32 @!p0 $0x1C03  }
0x152: {  	[timem:s3], [sflag:s2] =	dma.local @!p0 [hbm:s0], s1  }
0x153: {  	s0 =	simm.s32 @!p0 $0x3  }
0x154: {  	_ =	swait.ge @!p0 [sflag:s0], s1  }
0x155: {  	s1 =	ssub.s32 @!p0 $0x0, s1;
	[sflag:s0] =	ssyncset.done @!p0 $0x0  }
0x156: {  	[sflag:s0] =	ssyncadd.s32 @!p0 s1  }
0x157: {  	[bflag:$0x3] =	sbarrier.arrive $0xFFFF  }
0x158: {  	_ =	shalt  }

// kernel: kernel.7.cloned.1.call-start
scs
__scs_entry_jumppad:
0x0: {  	(pc) =	sbr.rel $0x88, $3  }
0x1: {  	(tag) =	ssettag $0x0;
	lr =	simm.s32 $0x1  }
0x2: {  	[smem:$0x3F9E] =	sst lr;
	_ =	strace $0xD0000000  }
0x3: {  	_ = 	snop  }
0x4: {  	_ = 	snop  }
0x5: {  	_ = 	snop  }
0x6: {  	_ = 	snop  }
0x7: {  	_ = 	snop  }
__scs_overlays_trampoline_lowered:
0x8: {  	[smem:$0x3FAD] =	sst s0  }
0x9: {  	[smem:$0x3FAE] =	sst s1  }
0xa: {  	[smem:$0x3FAF] =	sst s2  }
0xb: {  	[smem:$0x3FB0] =	sst s3  }
0xc: {  	[smem:$0x3FB1] =	sst s4  }
0xd: {  	[smem:$0x3FB2] =	sst s5  }
0xe: {  	[smem:$0x3FB3] =	sst s6  }
0xf: {  	[smem:$0x3FB4] =	sst s7  }
0x10: {  	[smem:$0x3FB5] =	sst s8  }
0x11: {  	[smem:$0x3FB6] =	sst s9;
	s0 =	simm.s32 @!p0 $0x0  }
0x12: {  	s1 =	sld [smem:$0x3F9C];
	s0 =	simm.s32 @p0 $0x1  }
0x13: {  	[smem:$0x3FB7] =	sst s0;
	s0 =	simm.s32 @!p1 $0x0  }
0x14: {  	s2 =	sld [smem:$0x3F9B];
	s0 =	simm.s32 @p1 $0x1  }
0x15: {  	[smem:$0x3FB8] =	sst s0;
	s0 =	simm.s32 @!p2 $0x0  }
0x16: {  	s3 =	sld [smem:$0x3FDB];
	s0 =	simm.s32 @p2 $0x1  }
0x17: {  	s4 =	simm.s32 $0x1BF5;
	[smem:$0x3FBA] =	sst s0  }
0x18: {  	s0 =	sld [smem:$0x3F9D];
	_ =	swait.ge [sflag:s4], $0x0  }
0x19: {  	s7 =	sld [smem:$0x3F9E]  }
0x1a: {  	s8 =	sadd.s32 $0xFFFFE003, lr  }
0x1b: {  	s9 =	sadd.s32 $0xFFFFFEF7, lr;
	s5 =	simm.s32 $0xFFFFFFFF;
	p2 =	slt.u32 s8, $0xFFFFF086  }
0x1c: {  	p1 =	slt.u32 s9, $0xF7A;
	s5 =	simm.s32 @!p2 $0x0  }
0x1d: {  	s5 =	simm.s32 @p1 $0x1;
	p0 =	seq.s32 s7, s2  }
0x1e: {  	s7 =	smul.u32 @!p0 $0xF7A, s2;
	p2 =	seq.s32 @!p0 s5, $0x0  }
0x1f: {  	s9 =	smul.u32 $0xF7A, s1;
	s8 =	simm.s32 @!p0 $0x1BF5;
	p2 =	por !p2, p0  }
0x20: {  	[sflag:s8] =	ssyncset.s32 @!p0 $0xFFFFF086;
	s6 =	sadd.s32 @!p0 s3, s7;
	s7 =	simm.s32 @!p0 $0x108  }
0x21: {  	s3 =	sadd.s32 s3, s9;
	s6 =	sadd.s32 @!p0 $0x88, s6;
	s7 =	simm.s32 @p2 $0x1082  }
0x22: {  	[simem:s7], [sflag:s8] =	dma.local @!p0 [hbm:s6], $0xF7A  }
0x23: {  	s9 =	sor.u32 $0xD0000000, s2;
	s6 =	simm.s32 $0x108;
	_ =	swait.ge @!p0 [sflag:s8], $0x0  }
0x24: {  	s3 =	sadd.s32 $0x88, s3;
	s6 =	simm.s32 @!p1 $0x1082;
	[sflag:s4] =	ssyncset.s32 $0xFFFFF086  }
0x25: {  	[simem:s6], [sflag:s4] =	dma.local [hbm:s3], $0xF7A  }
0x26: {  	[smem:$0x3F9E] =	sst s1;
	(tag) =	ssettag s2;
	_ =	strace s9  }
0x27: {  	s1 =	sld [smem:$0x3FAE]  }
0x28: {  	s2 =	sld [smem:$0x3FAF]  }
0x29: {  	s4 =	sld [smem:$0x3FB1]  }
0x2a: {  	p0 =	seq.s32 s5, $0x0;
	s5 =	sld [smem:$0x3FB2]  }
0x2b: {  	s6 =	sld [smem:$0x3FB3]  }
0x2c: {  	s7 =	sld [smem:$0x3FB4]  }
0x2d: {  	s3 =	simm.s32 $0x108;
	s8 =	sld [smem:$0x3FB5]  }
0x2e: {  	s3 =	simm.s32 @!p0 $0x1082;
	s9 =	sld [smem:$0x3FB6]  }
0x2f: {  	lr =	sadd.s32 s0, s3;
	s0 =	sld [smem:$0x3FAD]  }
0x30: {  	s3 =	sld [smem:$0x3FB0]  }
0x31: {  	[smem:$0x3FB9] =	sst s10  }
0x32: {  	s10 =	sld [smem:$0x3FB7];
	_ =	sdelay $0x3  }
0x33: {  	p0 =	seq.s32 s10, $0x1;
	s10 =	sld [smem:$0x3FB9];
	_ =	sdelay $0x3  }
0x34: {  	[smem:$0x3FB9] =	sst s10  }
0x35: {  	s10 =	sld [smem:$0x3FB8];
	_ =	sdelay $0x3  }
0x36: {  	p1 =	seq.s32 s10, $0x1;
	s10 =	sld [smem:$0x3FB9];
	_ =	sdelay $0x3  }
0x37: {  	[smem:$0x3FB9] =	sst s10  }
0x38: {  	s10 =	sld [smem:$0x3FBA]  }
0x39: {  	_ = 	snop;
	(pc) =	sbr.ind lr, $3  }
0x3a: {  	_ = 	snop  }
0x3b: {  	_ = 	snop  }
0x3c: {  	p2 =	seq.s32 s10, $0x1;
	s10 =	sld [smem:$0x3FB9]  }
0x3d: {  	_ =	shalt  }
0x3e: {  	_ =	shalt  }
0x3f: {  	_ =	shalt  }
0x40: {  	_ =	shalt  }
0x41: {  	_ =	shalt  }
0x42: {  	_ =	shalt  }
0x43: {  	_ =	shalt  }
0x44: {  	_ =	shalt  }
0x45: {  	_ =	shalt  }
0x46: {  	_ =	shalt  }
0x47: {  	_ =	shalt  }
0x48: {  	_ =	shalt  }
0x49: {  	_ =	shalt  }
0x4a: {  	_ =	shalt  }
0x4b: {  	_ =	shalt  }
0x4c: {  	_ =	shalt  }
0x4d: {  	_ =	shalt  }
0x4e: {  	_ =	shalt  }
0x4f: {  	_ =	shalt  }
0x50: {  	_ =	shalt  }
0x51: {  	_ =	shalt  }
0x52: {  	_ =	shalt  }
0x53: {  	_ =	shalt  }
0x54: {  	_ =	shalt  }
0x55: {  	_ =	shalt  }
0x56: {  	_ =	shalt  }
0x57: {  	_ =	shalt  }
0x58: {  	_ =	shalt  }
0x59: {  	_ =	shalt  }
0x5a: {  	_ =	shalt  }
0x5b: {  	_ =	shalt  }
0x5c: {  	_ =	shalt  }
0x5d: {  	_ =	shalt  }
0x5e: {  	_ =	shalt  }
0x5f: {  	_ =	shalt  }
0x60: {  	_ =	shalt  }
0x61: {  	_ =	shalt  }
0x62: {  	_ =	shalt  }
0x63: {  	_ =	shalt  }
0x64: {  	_ =	shalt  }
0x65: {  	_ =	shalt  }
0x66: {  	_ =	shalt  }
0x67: {  	_ =	shalt  }
0x68: {  	_ =	shalt  }
0x69: {  	_ =	shalt  }
0x6a: {  	_ =	shalt  }
0x6b: {  	_ =	shalt  }
0x6c: {  	_ =	shalt  }
0x6d: {  	_ =	shalt  }
0x6e: {  	_ =	shalt  }
0x6f: {  	_ =	shalt  }
0x70: {  	_ =	shalt  }
0x71: {  	_ =	shalt  }
0x72: {  	_ =	shalt  }
0x73: {  	_ =	shalt  }
0x74: {  	_ =	shalt  }
0x75: {  	_ =	shalt  }
0x76: {  	_ =	shalt  }
0x77: {  	_ =	shalt  }
0x78: {  	_ =	shalt  }
0x79: {  	_ =	shalt  }
0x7a: {  	_ =	shalt  }
0x7b: {  	_ =	shalt  }
0x7c: {  	_ =	shalt  }
0x7d: {  	_ =	shalt  }
0x7e: {  	_ =	shalt  }
0x7f: {  	_ =	shalt  }
0x80: {  	_ =	shalt  }
0x81: {  	_ =	shalt  }
0x82: {  	_ =	shalt  }
0x83: {  	_ =	shalt  }
0x84: {  	_ =	shalt  }
0x85: {  	_ =	shalt  }
0x86: {  	_ =	shalt  }
0x87: {  	_ =	shalt  }
.Lfunc_end0:
.L_simem_size_0:
called_computation.1_lowered:
.L_overlay_start_0:
0x88: {  	s2 =	sld [smem:$0x3FD9]  }
0x89: {  	s3 =	sld [smem:$0x3FFE];
	_ =	sdelay $0x1  }
0x8a: {  	s1 =	srdreg.scid  }
0x8b: {  	s0 =	sand.u32 $0x1, s1  }
0x8c: {  	s15 =	sshll.u32 s0, $0xA;
	s2 =	sadd.s32 s3, s2  }
0x8d: {  	s2 =	sadd.s32 s2, s15  }
0x8e: {  	[smem:$0x3FC5] =	sst s2  }
0x8f: {  	_ = 	snop  }
0x90: {  	s2 =	sld [smem:$0x3FD0];
	_ =	sdelay $0x1  }
0x91: {  	s16 =	sld [smem:$0x3FC8]  }
0x92: {  	s5 =	simm.s32 $0xA;
	s6 =	simm.s32 $0x10;
	s4 =	sld [smem:$0x3FC7]  }
0x93: {  	[smem:s6], [sflag:s5] =	dma.local [hbm:s2], $0x1  }
0x94: {  	_ =	swait.eq [sflag:s5], $0x1  }
0x95: {  	[sflag:s5] =	ssyncset.done $0x0  }
0x96: {  	s17 =	sld [smem:$0x10];
	[sflag:s5] =	ssyncadd.s32 $0xFFFFFFFF  }
0x97: {  	s18 =	sld [smem:$0x11];
	(tm) =	ssettm $0x1  }
0x98: {  	s19 =	sld [smem:$0x3FFB];
	_ =	sdelay $0x3  }
0x99: {  	_ =	strace s19  }
0x9a: {  	s6 =	sld [smem:$0x3FFC];
	_ =	sdelay $0x3  }
0x9b: {  	_ =	strace s6  }
0x9c: {  	s6 =	sld [smem:$0x3FFD];
	_ =	sdelay $0x3  }
0x9d: {  	_ =	strace s6  }
0x9e: {  	_ =	strace $0x8FFFFFFF  }
0x9f: {  	s20 =	sld [smem:$0x3FDB];
	_ =	sdelay $0x1  }
0xa0: {  	s7 =	simm.s32 $_scs_section_size  }
0xa1: {  	s8 =	simm.s32 $_size__tile_overlayer_lowered;
	s9 =	simm.s32 $_tile_overlayer_lowered  }
0xa2: {  	s23 =	simm.s32 $0x1BFF;
	s22 =	sshll.u32 s9, $0x1;
	s6 =	sadd.s32 s7, s20  }
0xa3: {  	s10 =	simm.s32 $0x0;
	s21 =	sshll.u32 s8, $0x1;
	s8 =	sadd.s32 s22, s6  }
0xa4: {  	[timem:s10], [sflag:s23] =	dma.local [hbm:s8], s21  }
0xa5: {  	_ =	swait.ge [sflag:s23], s21  }
0xa6: {  	s7 =	ssub.s32 $0x0, s21;
	[sflag:s23] =	ssyncset.done $0x0  }
0xa7: {  	[sflag:s23] =	ssyncadd.s32 s7;
	_ =	sdelay $0x1  }
0xa8: {  	s24 =	simm.s32 $0x1B8B  }
0xa9: {  	_ =	swait.ge [sflag:s24], $0x1  }
0xaa: {  	[sflag:s24] =	ssyncset.done $0x0  }
0xab: {  	s25 =	simm.s32 $0x1B8E;
	[sflag:s24] =	ssyncadd.s32 $0xFFFFFFFF  }
0xac: {  	s26 =	simm.s32 $execute0_lowered;
	[smem:$0x3FD2] =	sst s25  }
0xad: {  	s7 =	sshll.u32 s26, $0x1;
	_ =	strace $0x80000049;
	[dreg:$0x1] =	wrdreg $0xFFFFFFFF  }
0xae: {  	s28 =	simm.s32 $_size_execute0_lowered;
	s6 =	sadd.s32 s6, s7;
	[dreg:$0x0] =	wrdreg $0x0  }
0xaf: {  	s7 =	sshll.u32 s28, $0x1;
	[dreg:$0x2] =	wrdreg s6  }
0xb0: {  	[dreg:$0x3] =	wrdreg s7  }
0xb1: {  	[dreg:$0x4] =	wrdreg $0xC0  }
0xb2: {  	_ =	task [dreg:s10], $0x5FFFF  }
0xb3: {  	[dreg:$0x1] =	wrdreg $0xFFFFFFFF  }
0xb4: {  	[dreg:$0x0] =	wrdreg $0x60  }
0xb5: {  	[dreg:$0x2] =	wrdreg s16  }
0xb6: {  	[dreg:$0x3] =	wrdreg s4  }
0xb7: {  	[dreg:$0x4] =	wrdreg s17  }
0xb8: {  	[dreg:$0x5] =	wrdreg s18  }
0xb9: {  	[dreg:$0x6] =	wrdreg $0x9  }
0xba: {  	_ =	task.clear_ibuf [dreg:s10], $0x7FFFF;
	_ =	strace $0x90000049  }
0xbb: {  	s29 =	simm.s32 $0x9;
	_ =	strace $0x8000004B  }
0xbc: {  	_ =	swait.ge [sflag:s29], $0x1  }
0xbd: {  	[sflag:s29] =	ssyncadd.s32 $0xFFFFFFFF  }
0xbe: {  	_ =	strace $0x9000004B  }
0xbf: {  	_ =	sfence  }
0xc0: {  	s30 =	sld [smem:$0x0];
	_ =	sdelay $0x2  }
0xc1: {  	s31 =	sshll.u32 s1, $0xD;
	s1 =	sshrl.u32 s1, $0x2  }
0xc2: {  	s3 =	sand.u32 $0x4000, s31;
	s1 =	sadd.s32 s1, s30  }
0xc3: {  	s0 =	sor.u32 s3, s0;
	s1 =	sshll.u32 s1, $0x11  }
0xc4: {  	s0 =	sor.u32 s1, s0  }
0xc5: {  	s0 =	sadd.s32 $0x8F2B, s0  }
0xc6: {  	[sflag:s0] =	ssyncadd.remote.s32 $0x1  }
0xc7: {  	_ =	sfence.sel $0xFFFF  }
0xc8: {  	[dreg:$0x0] =	wrdreg $0xFFFFFFFF;
	(pc) =	sbr.abs _section_cstart, $3  }
0xc9: {  	[dreg:$0x1] =	wrdreg $0xFFFFFFFF  }
0xca: {  	_ =	task.clear_ibuf [dreg:s10], $0x2FFFF;
	_ =	strace $0x9FFFFFFF  }
0xcb: {  	(tm) =	ssettm $0x7FFFFFFF  }
tec
execute0_lowered:
.L_overlay_start_1:
0x0: {  	(tag) =	ssettag $0x1  }
0x1: {  	s0 =	rddreg [dreg:$0x0]  }
0x2: {  	s1 =	srdreg.scid;
	s2 =	stileid.u32  }
0x3: {  	s4 =	rddreg [dreg:$0x3];
	s26 =	simm.s32 $0x0;
	s16 =	simm.s32 $0x200  }
0x4: {  	s17 =	simm.s32 $0x400;
	s18 =	simm.s32 $0x8000;
	s20 =	simm.s32 $0x1  }
0x5: {  	s22 =	simm.s32 $0x2;
	s23 =	simm.s32 $0x4;
	s1 =	sand.u32 $0x1, s1  }
0x6: {  	s24 =	simm.s32 $0x14000;
	s2 =	sshll.u32 s2, $0x7;
	s3 =	sshll.u32 s1, $0x6  }
0x7: {  	[smem:$0x7FF] =	sst s26;
	s1 =	ssub.s32 $0x2, s1;
	s2 =	sor.u32 s3, s2  }
0x8: {  	s21 =	smov.u32 s4;
	s28 =	sshrl.u32 s1, $0x1;
	s6 =	sshll.u32 s2, $0x9  }
.Ltmp0:
0x9: {  	s29 =	ssub.s32 s1, s28;
	s5 =	sadd.s32 s0, s6;
	(pc) =	sbr.rel .LBB2_1-.Ltmp0, $4  }
0xa: {  	_ =	strace $0x8000004A;
	s0 =	smax.u32 s29, $0x1;
	[dreg:$0x5] =	wrdreg s5  }
0xb: {  	s11 =	sadd.s32 $0x40, s4;
	s30 =	sadd.s32 $0x40, s5;
	[dreg:$0x8] =	wrdreg s0  }
0xc: {  	s9 =	sshrl.u32 s2, $0x3;
	s31 =	sadd.s32 $0x1000, s5;
	[dreg:$0x6] =	wrdreg s30  }
0xd: {  	s1 =	simm.s32 $0x0;
	s12 =	sadd.s32 $0x1040, s5;
	[dreg:$0x7] =	wrdreg s31  }
.LBB2_12:
0xe: {  	s0 =	simm.s32 $0x3  }
0xf: {  	_ =	swait.ge [sflag:s0], $0x4000  }
0x10: {  	[sflag:s0] =	ssyncset.done $0x0  }
0x11: {  	[sflag:s0] =	ssyncadd.s32 $0xFFFFC000  }
0x12: {  	_ =	swait.ge [sflag:s23], $0x4000  }
0x13: {  	s1 =	rddreg [dreg:$0x9]  }
0x14: {  	s31 =	rddreg [dreg:$0x8];
	s1 =	sadd.s32 $0x1, s1  }
0x15: {  	p0 =	sne.s32 s1, s31  }
.Ltmp1:
0x16: {  	_ = 	snop;
	(pc) =	sbr.rel @!p0 .LBB2_13-.Ltmp1, $3  }
0x17: {  	_ =	sdelay $0x1  }
0x18: {  	[sflag:s23] =	ssyncset.done $0x0  }
0x19: {  	[sflag:s23] =	ssyncadd.s32 $0xFFFFC000  }
.LBB2_1:
0x1a: {  	[dreg:$0x9] =	wrdreg s1  }
0x1b: {  	s0 =	rddreg [dreg:$0x1];
	s25 =	simm.s32 $0x0;
	s2 =	simm.s32 $0x5  }
0x1c: {  	[tilespmem:s25], [sflag:$0x5] =	stream.linear.gather [hbm4b:s0+s25], $0x4000, $0x38;
	[tilespmem:$0x18000] =	vst v63  }
0x1d: {  	_ =	swait.ge [sflag:s2], $0x4000  }
0x1e: {  	[sflag:s2] =	ssyncset.done $0x0  }
0x1f: {  	[sflag:s2] =	ssyncadd.s32 $0xFFFFC000  }
0x20: {  	s3 =	simm.s32 $0x4000;
	s26 =	rddreg [dreg:$0x2]  }
0x21: {  	[tilespmem:s3], [sflag:$0x5] =	stream.linear.gather [hbm4b:s26+s25], $0x4000, $0x38;
	[tilespmem:$0x18000] =	vst v63  }
0x22: {  	_ =	swait.ge [sflag:s2], $0x4000  }
0x23: {  	[sflag:s2] =	ssyncset.done $0x0  }
0x24: {  	s29 =	rddreg [dreg:$0x5];
	[sflag:s2] =	ssyncadd.s32 $0xFFFFC000  }
0x25: {  	[tilespmem:s18], [sflag:$0x1] =	stream.strided.gather [hbm4b:s29+s16], $0x4000, s17, s16, $0x38;
	[tilespmem:$0x18000] =	vst v63  }
0x26: {  	s31 =	simm.s32 $0xC000;
	s28 =	simm.s32 $0x0;
	s30 =	rddreg [dreg:$0x6]  }
0x27: {  	[tilespmem:s31], [sflag:$0x2] =	stream.strided.gather [hbm4b:s30+s16], $0x4000, s17, s16, $0x38;
	[tilespmem:$0x18000] =	vst v63  }
.LBB2_2:
0x28: {  	_ =	swait.ge [sflag:s20], $0x4000  }
0x29: {  	p0 =	seq.s32 s28, $0x0;
	[sflag:s20] =	ssyncset.done $0x0  }
0x2a: {  	s0 =	simm.s32 @!p0 $0x3;
	[sflag:s20] =	ssyncadd.s32 $0xFFFFC000  }
0x2b: {  	s1 =	simm.s32 $0x0;
	_ =	swait.ge @!p0 [sflag:s0], $0x4000  }
0x2c: {  	s2 =	sand.u32 $0x60, s1;
	s3 =	sand.u32 $0x3E00, s1;
	[sflag:s0] =	ssyncset.done @!p0 $0x0  }
0x2d: {  	s29 =	sor.u32 s2, s3;
	[sflag:s0] =	ssyncadd.s32 @!p0 $0xFFFFC000  }
0x2e: {  	s25 =	sand.u32 $0x3, s1;
	v0 =	vld [tilespmem:s29+$0x10]  }
0x2f: {  	s0 =	sshll.u32 s25, $0x5;
	v1 =	vld [tilespmem:s29+$0x90]  }
0x30: {  	s0 =	sadd.s32 $0x0, s0  }
0x31: {  	v2 =	vld [tilespmem:s29+$0x110];
	s26 =	sadd.s32 $0x10, s0  }
0x32: {  	s5 =	sor.u32 $0x180, s26  }
0x33: {  	v4 =	vld [tilespmem:s5+$0x0];
	v3 =	vshll.u32 v0, $0x2  }
0x34: {  	v0 =	vand.u32 $0x7F, v0;
	v5 =	vshll.u32 v1, $0x2;
	v3 =	vand.u32 $0xFFFFFE00, v3  }
0x35: {  	v1 =	vand.u32 $0x7F, v1;
	v5 =	vand.u32 $0xFFFFFE00, v5;
	v0 =	vor.u32 v0, v3  }
0x36: {  	v5 =	vor.u32 v1, v5;
	v1 =	vshll.u32 v2, $0x2  }
0x37: {  	v2 =	vand.u32 $0x7F, v2;
	v1 =	vand.u32 $0xFFFFFE00, v1  }
0x38: {  	v14 =	vld [tilespmem:s29+$0x4010];
	v6 =	vor.u32 v2, v1;
	v1 =	vshll.u32 v4, $0x2  }
0x39: {  	v16 =	vld [tilespmem:s29+$0x4090];
	v2 =	vand.u32 $0x7F, v4;
	v1 =	vand.u32 $0xFFFFFE00, v1  }
0x3a: {  	v4 =	vor.u32 v2, v1;
	v3 =	vld.idx.msk [tilespmem:v0+s18+$0x0], $0xffff  }
0x3b: {  	v1 =	vld.idx.msk [tilespmem:v5+s18+$0x0], $0xffff  }
0x3c: {  	v13 =	vld [tilespmem:s29+$0x4110]  }
0x3d: {  	v2 =	vld.idx.msk [tilespmem:v6+s18+$0x0], $0xffff  }
0x3e: {  	v37 =	vld [tilespmem:s5+$0x4000]  }
0x3f: {  	v7 =	vld.idx.msk [tilespmem:v4+s18+$0x0], $0xffff  }
0x40: {  	v3 =	vmul.f32 v3, v14;
	v1 =	vmul.f32 v1, v16;
	_ =	sdelay $0x1  }
0x41: {  	v1 =	vadd.f32 v1, v3;
	v2 =	vmul.f32 v2, v13  }
0x42: {  	v8 =	vld [tilespmem:s29+$0x0]  }
0x43: {  	v1 =	vadd.f32 v2, v1;
	v2 =	vmul.f32 v7, v37;
	v7 =	vor.u32 $0x80, v0  }
0x44: {  	v9 =	vor.u32 $0x80, v5;
	v3 =	vld [tilespmem:s29+$0x80]  }
0x45: {  	v1 =	vadd.f32 v2, v1  }
0x46: {  	v10 =	vor.u32 $0x80, v6;
	v2 =	vld [tilespmem:s29+$0x100]  }
0x47: {  	v11 =	vshll.u32 v8, $0x2;
	[tilespmem:s29+$0x10010] =	vst v1  }
0x48: {  	v8 =	vand.u32 $0x7F, v8;
	v1 =	vand.u32 $0xFFFFFE00, v11;
	v11 =	vor.u32 $0x80, v4;
	v7 =	vld.idx.msk [tilespmem:v7+s18+$0x0], $0xffff  }
0x49: {  	v15 =	vshll.u32 v3, $0x2;
	v17 =	vor.u32 v8, v1;
	v1 =	vld.idx.msk [tilespmem:v9+s18+$0x0], $0xffff  }
0x4a: {  	v3 =	vand.u32 $0x7F, v3;
	v15 =	vand.u32 $0xFFFFFE00, v15  }
0x4b: {  	v15 =	vor.u32 v3, v15;
	v8 =	vld.idx.msk [tilespmem:v10+s18+$0x0], $0xffff;
	v3 =	vshll.u32 v2, $0x2  }
0x4c: {  	v2 =	vand.u32 $0x7F, v2;
	v3 =	vand.u32 $0xFFFFFE00, v3  }
0x4d: {  	s4 =	simm.s32 $0x1;
	s2 =	simm.s32 $0x80;
	s3 =	simm.s32 $0x20;
	v18 =	vor.u32 v2, v3;
	v2 =	vld.idx.msk [tilespmem:v11+s18+$0x0], $0xffff  }
0x4e: {  	s1 =	sand.u32 $0x60, s3;
	s30 =	sor.u32 $0x180, s0;
	s0 =	sand.u32 $0x3E00, s2;
	v3 =	vmul.f32 v7, v14;
	v1 =	vmul.f32 v1, v16  }
0x4f: {  	v59 =	vld [tilespmem:s29+$0x4000];
	s31 =	sor.u32 s1, s0;
	s0 =	sand.u32 $0x3, s4  }
0x50: {  	v12 =	vld [tilespmem:s29+$0x4080];
	s0 =	sshll.u32 s0, $0x5;
	v8 =	vmul.f32 v8, v13;
	v3 =	vadd.f32 v1, v3  }
0x51: {  	v22 =	vld [tilespmem:s31+$0x110];
	s0 =	sadd.s32 $0x80, s0  }
0x52: {  	v30 =	vld [tilespmem:s31+$0x80];
	s7 =	sadd.s32 $0x10, s0;
	v11 =	vor.u32 $0x100, v0;
	v8 =	vadd.f32 v8, v3;
	v10 =	vmul.f32 v2, v37  }
0x53: {  	v39 =	vld [tilespmem:s31+$0x100];
	s13 =	sor.u32 $0x180, s7;
	v19 =	vor.u32 $0x100, v5  }
0x54: {  	v25 =	vld [tilespmem:s13+$0x0];
	v8 =	vadd.f32 v10, v8  }
0x55: {  	v20 =	vor.u32 $0x100, v6;
	v9 =	vld [tilespmem:s30+$0x0]  }
0x56: {  	v26 =	vld.idx.msk [tilespmem:v17+s18+$0x0], $0xffff;
	[tilespmem:s29+$0x10090] =	vst v8  }
0x57: {  	v21 =	vor.u32 $0x100, v4;
	v11 =	vld.idx.msk [tilespmem:v11+s18+$0x0], $0xffff  }
0x58: {  	v19 =	vld.idx.msk [tilespmem:v19+s18+$0x0], $0xffff  }
0x59: {  	v10 =	vld [tilespmem:s31+$0x10]  }
0x5a: {  	v28 =	vld.idx.msk [tilespmem:v20+s18+$0x0], $0xffff  }
0x5b: {  	v23 =	vshll.u32 v9, $0x2;
	v8 =	vld [tilespmem:s31+$0x90]  }
0x5c: {  	v0 =	vor.u32 $0x180, v0;
	v31 =	vand.u32 $0xFFFFFE00, v23;
	v29 =	vld.idx.msk [tilespmem:v21+s18+$0x0], $0xffff  }
0x5d: {  	v7 =	vld.idx.msk [tilespmem:v15+s18+$0x0], $0xffff;
	v21 =	vand.u32 $0x7F, v9;
	v11 =	vmul.f32 v11, v14;
	v19 =	vmul.f32 v19, v16  }
0x5e: {  	v23 =	vld [tilespmem:s31+$0x4090];
	v21 =	vor.u32 v21, v31;
	v24 =	vshll.u32 v10, $0x2;
	v10 =	vand.u32 $0x7F, v10  }
0x5f: {  	v27 =	vld.idx.msk [tilespmem:v18+s18+$0x0], $0xffff;
	v24 =	vand.u32 $0xFFFFFE00, v24;
	v28 =	vmul.f32 v28, v13;
	v19 =	vadd.f32 v19, v11  }
0x60: {  	v3 =	vld [tilespmem:s29+$0x4100];
	v20 =	vshll.u32 v8, $0x2;
	v8 =	vand.u32 $0x7F, v8;
	v10 =	vor.u32 v10, v24  }
0x61: {  	v2 =	vld [tilespmem:s30+$0x4000];
	v20 =	vand.u32 $0xFFFFFE00, v20;
	v29 =	vmul.f32 v29, v37;
	v28 =	vadd.f32 v28, v19  }
0x62: {  	v24 =	vld [tilespmem:s31+$0x0];
	v9 =	vor.u32 v8, v20;
	v8 =	vshll.u32 v22, $0x2  }
0x63: {  	v22 =	vand.u32 $0x7F, v22;
	v20 =	vld [tilespmem:s31+$0x4010];
	v8 =	vand.u32 $0xFFFFFE00, v8;
	v28 =	vadd.f32 v29, v28  }
0x64: {  	v35 =	vld.idx.msk [tilespmem:v21+s18+$0x0], $0xffff;
	v8 =	vor.u32 v22, v8;
	v22 =	vshll.u32 v25, $0x2  }
0x65: {  	v25 =	vand.u32 $0x7F, v25;
	v22 =	vand.u32 $0xFFFFFE00, v22;
	v32 =	vld.idx.msk [tilespmem:v10+s18+$0x0], $0xffff;
	[tilespmem:s29+$0x10110] =	vst v28  }
0x66: {  	v11 =	vor.u32 v25, v22;
	v0 =	vld.idx.msk [tilespmem:v0+s18+$0x0], $0xffff  }
0x67: {  	v4 =	vor.u32 $0x180, v4;
	v19 =	vld [tilespmem:s13+$0x4000]  }
0x68: {  	v22 =	vld [tilespmem:s31+$0x4110]  }
0x69: {  	v25 =	vld.idx.msk [tilespmem:v9+s18+$0x0], $0xffff  }
0x6a: {  	v31 =	vld.idx.msk [tilespmem:v8+s18+$0x0], $0xffff  }
0x6b: {  	v33 =	vshll.u32 v30, $0x2;
	v5 =	vor.u32 $0x180, v5;
	v34 =	vld.idx.msk [tilespmem:v11+s18+$0x0], $0xffff;
	[tilespmem:$0x1FF40] =	vst v0  }
0x6c: {  	v30 =	vand.u32 $0x7F, v30;
	v6 =	vor.u32 $0x180, v6;
	v29 =	vshll.u32 v24, $0x2;
	v4 =	vld.idx.msk [tilespmem:v4+s18+$0x0], $0xffff  }
0x6d: {  	v24 =	vand.u32 $0x7F, v24;
	v29 =	vand.u32 $0xFFFFFE00, v29;
	v28 =	vand.u32 $0xFFFFFE00, v33  }
0x6e: {  	v32 =	vmul.f32 v32, v20;
	v36 =	vmul.f32 v25, v23;
	v25 =	vor.u32 v24, v29  }
0x6f: {  	v24 =	vor.u32 v30, v28  }
0x70: {  	v29 =	vmul.f32 v31, v22;
	v0 =	vadd.f32 v36, v32;
	v38 =	vld.idx.msk [tilespmem:v5+s18+$0x0], $0xffff  }
0x71: {  	s2 =	sor.u32 $0x180, s0;
	v32 =	vld.idx.msk [tilespmem:v6+s18+$0x0], $0xffff;
	[tilespmem:$0x1FF60] =	vst v4  }
0x72: {  	s8 =	simm.s32 $0x100;
	s10 =	simm.s32 $0x40;
	v5 =	vmul.f32 v34, v19;
	v6 =	vor.u32 $0x80, v10;
	v0 =	vadd.f32 v29, v0;
	v28 =	vld [tilespmem:s2+$0x0]  }
0x73: {  	s14 =	simm.s32 $0x2;
	s1 =	sand.u32 $0x60, s10;
	s0 =	sand.u32 $0x3E00, s8;
	v4 =	vor.u32 $0x80, v9;
	v41 =	vld.idx.msk [tilespmem:v25+s18+$0x0], $0xffff;
	[tilespmem:$0x1FFA0] =	vst v59  }
0x74: {  	s0 =	sor.u32 s1, s0;
	s1 =	sand.u32 $0x3, s14;
	v26 =	vmul.f32 v26, v59;
	v7 =	vmul.f32 v7, v12;
	v0 =	vadd.f32 v5, v0;
	v44 =	vld.idx.msk [tilespmem:v24+s18+$0x0], $0xffff  }
0x75: {  	s1 =	sshll.u32 s1, $0x5;
	v5 =	vor.u32 $0x80, v8;
	v55 =	vld [tilespmem:s0+$0x90]  }
0x76: {  	s1 =	sadd.s32 $0x100, s1;
	v7 =	vadd.f32 v7, v26;
	v26 =	vmul.f32 v27, v3;
	v29 =	vshll.u32 v39, $0x2;
	[tilespmem:s31+$0x10010] =	vst v0;
	v56 =	vld [tilespmem:s0+$0x110]  }
0x77: {  	s15 =	sadd.s32 $0x10, s1;
	v50 =	vor.u32 $0x80, v11;
	v0 =	vand.u32 $0xFFFFFE00, v29;
	v29 =	vand.u32 $0x7F, v39;
	v6 =	vld.idx.msk [tilespmem:v6+s18+$0x0], $0xffff  }
0x78: {  	s25 =	sor.u32 $0x180, s15;
	v31 =	vor.u32 v29, v0;
	v0 =	vld.idx.msk [tilespmem:v4+s18+$0x0], $0xffff  }
0x79: {  	v7 =	vadd.f32 v26, v7;
	v26 =	vmul.f32 v35, v2;
	v40 =	vld [tilespmem:s25+$0x0]  }
0x7a: {  	v51 =	vor.u32 $0x80, v15;
	v27 =	vld.idx.msk [tilespmem:v5+s18+$0x0], $0xffff  }
0x7b: {  	v52 =	vor.u32 $0x80, v18;
	v26 =	vadd.f32 v26, v7;
	v1 =	vld [tilespmem:s25+$0x4000]  }
0x7c: {  	v29 =	vor.u32 $0x80, v17;
	v33 =	vld.idx.msk [tilespmem:v50+s18+$0x0], $0xffff;
	v7 =	vshll.u32 v28, $0x2;
	v28 =	vand.u32 $0x7F, v28  }
0x7d: {  	v30 =	vmovc v2;
	v2 =	vld [tilespmem:s0+$0x4000];
	v53 =	vand.u32 $0xFFFFFE00, v7;
	v54 =	vmul.f32 v6, v20;
	v0 =	vmul.f32 v0, v23  }
0x7e: {  	[tilespmem:s29+$0x10000] =	vst v26;
	v5 =	vld [tilespmem:s31+$0x4080];
	v36 =	vor.u32 v28, v53;
	v28 =	vor.u32 $0x80, v21  }
0x7f: {  	v47 =	vld.idx.msk [tilespmem:v51+s18+$0x0], $0xffff;
	v26 =	vmul.f32 v27, v22;
	v0 =	vadd.f32 v0, v54  }
0x80: {  	v48 =	vld.idx.msk [tilespmem:v52+s18+$0x0], $0xffff  }
0x81: {  	v51 =	vld [tilespmem:s0+$0x0];
	v27 =	vor.u32 $0x100, v10;
	v0 =	vadd.f32 v26, v0;
	v26 =	vmul.f32 v33, v19  }
0x82: {  	v46 =	vld.idx.msk [tilespmem:v29+s18+$0x0], $0xffff;
	v29 =	vor.u32 $0x100, v9  }
0x83: {  	v50 =	vld.idx.msk [tilespmem:v28+s18+$0x0], $0xffff;
	v0 =	vadd.f32 v26, v0  }
0x84: {  	v28 =	vld [tilespmem:s0+$0x10];
	v26 =	vor.u32 $0x100, v8  }
0x85: {  	v52 =	vld [tilespmem:s0+$0x80];
	[tilespmem:s31+$0x10090] =	vst v0  }
0x86: {  	v0 =	vld.idx.msk [tilespmem:v27+s18+$0x0], $0xffff;
	v27 =	vor.u32 $0x100, v11  }
0x87: {  	v58 =	vshll.u32 v55, $0x2;
	v29 =	vld.idx.msk [tilespmem:v29+s18+$0x0], $0xffff  }
0x88: {  	v4 =	vld [tilespmem:s31+$0x4000];
	v39 =	vand.u32 $0xFFFFFE00, v58  }
0x89: {  	v33 =	vand.u32 $0x7F, v55;
	v57 =	vand.u32 $0x7F, v28;
	v28 =	vshll.u32 v28, $0x2;
	v26 =	vld.idx.msk [tilespmem:v26+s18+$0x0], $0xffff  }
0x8a: {  	v7 =	vld [tilespmem:s31+$0x4100];
	v39 =	vor.u32 v33, v39;
	v28 =	vand.u32 $0xFFFFFE00, v28  }
0x8b: {  	v42 =	vor.u32 v57, v28;
	v27 =	vld.idx.msk [tilespmem:v27+s18+$0x0], $0xffff  }
0x8c: {  	v45 =	vld.idx.msk [tilespmem:v31+s18+$0x0], $0xffff;
	v0 =	vmul.f32 v0, v20;
	v29 =	vmul.f32 v29, v23  }
0x8d: {  	v34 =	vand.u32 $0x7F, v56;
	v6 =	vld [tilespmem:s2+$0x4000];
	v28 =	vshll.u32 v56, $0x2  }
0x8e: {  	v53 =	vld [tilespmem:s0+$0x100];
	v28 =	vand.u32 $0xFFFFFE00, v28;
	v0 =	vadd.f32 v29, v0;
	v29 =	vmul.f32 v26, v22  }
0x8f: {  	v61 =	vshll.u32 v40, $0x2;
	v54 =	vld.idx.msk [tilespmem:v39+s18+$0x0], $0xffff;
	v43 =	vor.u32 v34, v28  }
0x90: {  	v10 =	vor.u32 $0x180, v10;
	v35 =	vld.idx.msk [tilespmem:v42+s18+$0x0], $0xffff;
	v0 =	vadd.f32 v29, v0;
	v60 =	vmul.f32 v27, v19  }
0x91: {  	v62 =	vand.u32 $0x7F, v40;
	v9 =	vor.u32 $0x180, v9;
	v34 =	vand.u32 $0xFFFFFE00, v61;
	v26 =	vld [tilespmem:s0+$0x4110]  }
0x92: {  	v40 =	vor.u32 v62, v34;
	v29 =	vld [tilespmem:s0+$0x4090];
	v0 =	vadd.f32 v60, v0  }
0x93: {  	v8 =	vor.u32 $0x180, v8;
	v27 =	vld [tilespmem:s0+$0x4010]  }
0x94: {  	v60 =	vld.idx.msk [tilespmem:v43+s18+$0x0], $0xffff;
	[tilespmem:s31+$0x10110] =	vst v0  }
0x95: {  	v63 =	vand.u32 $0x7F, v51;
	v0 =	vshll.u32 v51, $0x2;
	v55 =	vld.idx.msk [tilespmem:v10+s18+$0x0], $0xffff;
	v10 =	vor.u32 $0x180, v11  }
0x96: {  	v11 =	vshll.u32 v52, $0x2;
	v0 =	vand.u32 $0xFFFFFE00, v0;
	v52 =	vand.u32 $0x7F, v52;
	v56 =	vld.idx.msk [tilespmem:v9+s18+$0x0], $0xffff  }
0x97: {  	v9 =	vshll.u32 v53, $0x2;
	v11 =	vand.u32 $0xFFFFFE00, v11;
	v34 =	vor.u32 v63, v0;
	v0 =	vld.idx.msk [tilespmem:v40+s18+$0x0], $0xffff  }
0x98: {  	v33 =	vor.u32 v52, v11;
	v52 =	vld.idx.msk [tilespmem:v8+s18+$0x0], $0xffff;
	v8 =	vmul.f32 v35, v27;
	v11 =	vmul.f32 v54, v29  }
0x99: {  	s1 =	sor.u32 $0x180, s1;
	v49 =	vld.idx.msk [tilespmem:v36+s18+$0x0], $0xffff;
	v61 =	vand.u32 $0x7F, v53;
	v9 =	vand.u32 $0xFFFFFE00, v9  }
0x9a: {  	v35 =	vor.u32 v61, v9;
	v54 =	vld [tilespmem:s1+$0x0];
	v9 =	vmul.f32 v60, v26;
	v8 =	vadd.f32 v11, v8  }
0x9b: {  	v11 =	vmul.f32 v44, v5;
	v44 =	vor.u32 $0x80, v42;
	v53 =	vld.idx.msk [tilespmem:v10+s18+$0x0], $0xffff  }
0x9c: {  	v10 =	vmul.f32 v41, v4;
	v51 =	vld.idx.msk [tilespmem:v34+s18+$0x0], $0xffff;
	v62 =	vadd.f32 v9, v8;
	v0 =	vmul.f32 v0, v1  }
0x9d: {  	v58 =	vor.u32 $0x80, v39;
	v9 =	vld [tilespmem:s0+$0x4080]  }
0x9e: {  	v57 =	vld.idx.msk [tilespmem:v33+s18+$0x0], $0xffff;
	v10 =	vadd.f32 v11, v10;
	v11 =	vmul.f32 v45, v7;
	v0 =	vadd.f32 v0, v62  }
0x9f: {  	v47 =	vmul.f32 v47, v12;
	v41 =	vmul.f32 v46, v59;
	v46 =	vor.u32 $0x80, v43;
	v59 =	vld.idx.msk [tilespmem:v35+s18+$0x0], $0xffff  }
0xa0: {  	v49 =	vmul.f32 v49, v6;
	v45 =	vor.u32 $0x80, v25;
	v11 =	vadd.f32 v11, v10;
	v10 =	vld [tilespmem:s0+$0x4100];
	[tilespmem:s0+$0x10010] =	vst v0  }
0xa1: {  	v61 =	vor.u32 $0x80, v40;
	v47 =	vadd.f32 v47, v41;
	v44 =	vld.idx.msk [tilespmem:v44+s18+$0x0], $0xffff  }
0xa2: {  	v63 =	vshll.u32 v54, $0x2;
	v0 =	vor.u32 $0x80, v24;
	v41 =	vadd.f32 v49, v11;
	v58 =	vld.idx.msk [tilespmem:v58+s18+$0x0], $0xffff  }
0xa3: {  	v54 =	vand.u32 $0x7F, v54;
	v11 =	vld [tilespmem:s1+$0x4000];
	v49 =	vand.u32 $0xFFFFFE00, v63  }
0xa4: {  	v8 =	vor.u32 $0x180, v17;
	[tilespmem:s31+$0x10000] =	vst v41;
	v41 =	vor.u32 v54, v49;
	v49 =	vld.idx.msk [tilespmem:v46+s18+$0x0], $0xffff  }
0xa5: {  	v45 =	vld.idx.msk [tilespmem:v45+s18+$0x0], $0xffff;
	[tilespmem:$0x1FFE0] =	vst v8;
	v8 =	vor.u32 $0x180, v15  }
0xa6: {  	v62 =	vor.u32 $0x100, v17;
	v17 =	vmul.f32 v50, v30;
	v50 =	vld.idx.msk [tilespmem:v61+s18+$0x0], $0xffff;
	[tilespmem:$0x1FFF0] =	vst v8  }
0xa7: {  	v61 =	vld.idx.msk [tilespmem:v0+s18+$0x0], $0xffff;
	v0 =	vmul.f32 v44, v27;
	v44 =	vmul.f32 v58, v29;
	_ =	sdelay $0x1  }
0xa8: {  	v60 =	vor.u32 $0x80, v31;
	v44 =	vadd.f32 v44, v0;
	v0 =	vld [tilespmem:$0x1FF40]  }
0xa9: {  	v48 =	vmul.f32 v48, v3  }
0xaa: {  	v63 =	vor.u32 $0x80, v36  }
0xab: {  	v48 =	vadd.f32 v48, v47;
	v8 =	vor.u32 $0x180, v18  }
0xac: {  	v28 =	vmov v12;
	v12 =	vor.u32 $0x100, v18;
	v54 =	vor.u32 $0x100, v15;
	[tilespmem:$0x1FF30] =	vst v8  }
0xad: {  	v17 =	vadd.f32 v17, v48;
	v58 =	vld.idx.msk [tilespmem:v60+s18+$0x0], $0xffff;
	v14 =	vmul.f32 v0, v14;
	v0 =	vor.u32 $0x100, v25  }
0xae: {  	v18 =	vor.u32 $0x100, v21;
	v60 =	vld.idx.msk [tilespmem:v41+s18+$0x0], $0xffff;
	[tilespmem:$0x1FFB0] =	vst v0  }
0xaf: {  	v16 =	vmul.f32 v38, v16;
	[tilespmem:s29+$0x10080] =	vst v17;
	v38 =	vld.idx.msk [tilespmem:v63+s18+$0x0], $0xffff  }
0xb0: {  	v46 =	vmul.f32 v49, v26;
	v49 =	vld.idx.msk [tilespmem:v62+s18+$0x0], $0xffff  }
0xb1: {  	v54 =	vld.idx.msk [tilespmem:v54+s18+$0x0], $0xffff  }
0xb2: {  	v63 =	vld.idx.msk [tilespmem:v12+s18+$0x0], $0xffff  }
0xb3: {  	v13 =	vmul.f32 v32, v13;
	v0 =	vor.u32 $0x180, v25;
	v32 =	vld.idx.msk [tilespmem:v18+s18+$0x0], $0xffff  }
0xb4: {  	[tilespmem:$0x1FF50] =	vst v0;
	v0 =	vld [tilespmem:$0x1FF60]  }
0xb5: {  	v48 =	vmul.f32 v50, v1;
	v17 =	vadd.f32 v46, v44;
	v62 =	vor.u32 $0x100, v42  }
0xb6: {  	s19 =	simm.s32 $0x180;
	s4 =	simm.s32 $0x60;
	v14 =	vadd.f32 v16, v14;
	v16 =	vor.u32 $0x100, v39  }
0xb7: {  	s3 =	sand.u32 $0x3E00, s19;
	s4 =	sand.u32 $0x60, s4;
	v17 =	vadd.f32 v48, v17  }
0xb8: {  	s3 =	sor.u32 s4, s3;
	v20 =	vmul.f32 v55, v20;
	v23 =	vmul.f32 v56, v23;
	v18 =	vor.u32 $0x100, v43  }
0xb9: {  	v47 =	vmov v30;
	[tilespmem:s0+$0x10090] =	vst v17;
	v30 =	vmul.f32 v0, v37;
	v37 =	vld [tilespmem:s3+$0x10];
	v0 =	vor.u32 $0x180, v24  }
0xba: {  	v17 =	vadd.f32 v23, v20;
	v20 =	vmul.f32 v52, v22;
	v22 =	vld.idx.msk [tilespmem:v62+s18+$0x0], $0xffff;
	[tilespmem:$0x1FF70] =	vst v0;
	v0 =	vor.u32 $0x180, v31  }
0xbb: {  	v19 =	vmul.f32 v53, v19;
	v57 =	vmul.f32 v57, v9;
	v44 =	vor.u32 $0x100, v24;
	v55 =	vld.idx.msk [tilespmem:v16+s18+$0x0], $0xffff;
	[tilespmem:$0x1FF80] =	vst v0  }
0xbc: {  	v23 =	vor.u32 $0x100, v40;
	v17 =	vadd.f32 v20, v17;
	v0 =	vor.u32 $0x100, v36;
	v20 =	vld [tilespmem:s3+$0x90]  }
0xbd: {  	v25 =	vadd.f32 v13, v14;
	v24 =	vmul.f32 v51, v2;
	v18 =	vld.idx.msk [tilespmem:v18+s18+$0x0], $0xffff;
	[tilespmem:$0x1FFC0] =	vst v0;
	v0 =	vor.u32 $0x180, v36  }
0xbe: {  	s7 =	simm.s32 $0x3;
	[tilespmem:$0x1FF90] =	vst v0;
	v0 =	vadd.f32 v19, v17  }
0xbf: {  	s26 =	sand.u32 $0x3, s7;
	v48 =	vadd.f32 v30, v25;
	v24 =	vadd.f32 v57, v24;
	v25 =	vmul.f32 v59, v10  }
0xc0: {  	s4 =	sshll.u32 s26, $0x5;
	v30 =	vld [tilespmem:s3+$0x110];
	[tilespmem:$0x1FFD0] =	vst v0  }
0xc1: {  	s4 =	sadd.s32 $0x180, s4;
	v50 =	vor.u32 $0x100, v31;
	v31 =	vadd.f32 v25, v24;
	v24 =	vld.idx.msk [tilespmem:v23+s18+$0x0], $0xffff  }
0xc2: {  	s8 =	sadd.s32 $0x10, s4;
	v25 =	vshll.u32 v37, $0x2;
	v46 =	vmul.f32 v22, v27;
	v55 =	vmul.f32 v55, v29  }
0xc3: {  	s15 =	sor.u32 $0x180, s8;
	v17 =	vmul.f32 v45, v4;
	v19 =	vmul.f32 v61, v5;
	v22 =	vand.u32 $0xFFFFFE00, v25;
	v45 =	vld [tilespmem:s3+$0x0]  }
0xc4: {  	v23 =	vand.u32 $0x7F, v37;
	v61 =	vld [tilespmem:s15+$0x0];
	v18 =	vmul.f32 v18, v26;
	v55 =	vadd.f32 v55, v46  }
0xc5: {  	v37 =	vld [tilespmem:s3+$0x80];
	v62 =	vshll.u32 v20, $0x2;
	v20 =	vand.u32 $0x7F, v20;
	v22 =	vor.u32 v23, v22  }
0xc6: {  	v51 =	vld [tilespmem:s3+$0x100];
	v25 =	vand.u32 $0xFFFFFE00, v62;
	v55 =	vadd.f32 v18, v55;
	v62 =	vmul.f32 v24, v1  }
0xc7: {  	v56 =	vadd.f32 v19, v17;
	v17 =	vld [tilespmem:s3+$0x4110];
	v23 =	vor.u32 v20, v25;
	v25 =	vshll.u32 v30, $0x2  }
0xc8: {  	v19 =	vld [tilespmem:s3+$0x4010];
	v25 =	vand.u32 $0xFFFFFE00, v25;
	v24 =	vand.u32 $0x7F, v30;
	v46 =	vadd.f32 v62, v55  }
0xc9: {  	v20 =	vld [tilespmem:s3+$0x4090];
	v24 =	vor.u32 v24, v25;
	v25 =	vshll.u32 v61, $0x2  }
0xca: {  	v42 =	vor.u32 $0x180, v42;
	v57 =	vand.u32 $0x7F, v61;
	v55 =	vld.idx.msk [tilespmem:v22+s18+$0x0], $0xffff;
	v25 =	vand.u32 $0xFFFFFE00, v25;
	[tilespmem:s0+$0x10110] =	vst v46  }
0xcb: {  	v25 =	vor.u32 v57, v25;
	v0 =	vld [tilespmem:$0x1FFA0]  }
0xcc: {  	v40 =	vor.u32 $0x180, v40;
	v30 =	vor.u32 $0x180, v39;
	v52 =	vshll.u32 v45, $0x2;
	v61 =	vld.idx.msk [tilespmem:v23+s18+$0x0], $0xffff  }
0xcd: {  	v18 =	vld [tilespmem:s15+$0x4000];
	v39 =	vmul.f32 v60, v11;
	v45 =	vand.u32 $0x7F, v45;
	v57 =	vand.u32 $0xFFFFFE00, v52  }
0xce: {  	v60 =	vor.u32 v45, v57;
	v45 =	vld.idx.msk [tilespmem:v24+s18+$0x0], $0xffff  }
0xcf: {  	v58 =	vmul.f32 v58, v7;
	v57 =	vadd.f32 v39, v31;
	v31 =	vmul.f32 v38, v6;
	v42 =	vld.idx.msk [tilespmem:v42+s18+$0x0], $0xffff  }
0xd0: {  	v39 =	vmul.f32 v54, v28;
	v38 =	vmul.f32 v49, v0;
	v49 =	vld.idx.msk [tilespmem:v25+s18+$0x0], $0xffff  }
0xd1: {  	v43 =	vor.u32 $0x180, v43;
	v54 =	vld.idx.msk [tilespmem:v40+s18+$0x0], $0xffff;
	v40 =	vmul.f32 v55, v19;
	v55 =	vmul.f32 v61, v20  }
0xd2: {  	v56 =	vadd.f32 v58, v56;
	v53 =	vshll.u32 v37, $0x2;
	v37 =	vand.u32 $0x7F, v37  }
0xd3: {  	v62 =	vld.idx.msk [tilespmem:v30+s18+$0x0], $0xffff;
	v30 =	vand.u32 $0xFFFFFE00, v53;
	v40 =	vadd.f32 v55, v40;
	v45 =	vmul.f32 v45, v17  }
0xd4: {  	v37 =	vor.u32 v37, v30;
	v30 =	vshll.u32 v51, $0x2;
	v51 =	vand.u32 $0x7F, v51  }
0xd5: {  	v27 =	vmul.f32 v42, v27;
	v40 =	vadd.f32 v45, v40;
	v42 =	vmul.f32 v49, v18  }
0xd6: {  	v56 =	vadd.f32 v31, v56;
	[tilespmem:s0+$0x10000] =	vst v57;
	v57 =	vor.u32 $0x80, v35;
	v30 =	vand.u32 $0xFFFFFE00, v30  }
0xd7: {  	v8 =	vmovc v7;
	v43 =	vld.idx.msk [tilespmem:v43+s18+$0x0], $0xffff;
	v7 =	vmov v0;
	v0 =	vor.u32 v51, v30;
	v42 =	vadd.f32 v42, v40  }
0xd8: {  	s8 =	sor.u32 $0x180, s4;
	[tilespmem:s31+$0x10080] =	vst v56;
	v61 =	vld.idx.msk [tilespmem:v60+s18+$0x0], $0xffff  }
0xd9: {  	v51 =	vld [tilespmem:s8+$0x0];
	[tilespmem:s3+$0x10010] =	vst v42  }
0xda: {  	v12 =	vmov v3;
	v36 =	vor.u32 $0x80, v34;
	v52 =	vmul.f32 v63, v3;
	v3 =	vld [tilespmem:$0x1FFB0]  }
0xdb: {  	v29 =	vmul.f32 v62, v29;
	v57 =	vld.idx.msk [tilespmem:v57+s18+$0x0], $0xffff  }
0xdc: {  	v53 =	vadd.f32 v39, v38;
	v58 =	vld.idx.msk [tilespmem:v0+s18+$0x0], $0xffff  }
0xdd: {  	v43 =	vmul.f32 v43, v26;
	v55 =	vadd.f32 v29, v27;
	v40 =	vld [tilespmem:s3+$0x4100]  }
0xde: {  	v46 =	vmovc v28;
	v30 =	vor.u32 $0x100, v34;
	v28 =	vld.idx.msk [tilespmem:v37+s18+$0x0], $0xffff;
	v49 =	vadd.f32 v52, v53;
	v53 =	vmul.f32 v32, v47  }
0xdf: {  	v54 =	vmul.f32 v54, v1;
	v29 =	vor.u32 $0x180, v34;
	v34 =	vld.idx.msk [tilespmem:v36+s18+$0x0], $0xffff;
	v36 =	vadd.f32 v43, v55  }
0xe0: {  	v39 =	vld [tilespmem:s3+$0x4000];
	v63 =	vadd.f32 v53, v49  }
0xe1: {  	v13 =	vmov v4;
	v59 =	vor.u32 $0x80, v33;
	v38 =	vld [tilespmem:s3+$0x4080];
	v4 =	vadd.f32 v54, v36;
	[tilespmem:s5+$0x10000] =	vst v48  }
0xe2: {  	v45 =	vor.u32 $0x80, v22;
	[tilespmem:s29+$0x10100] =	vst v63;
	v36 =	vmul.f32 v58, v40;
	v58 =	vmul.f32 v57, v10;
	v57 =	vld.idx.msk [tilespmem:v3+s18+$0x0], $0xffff  }
0xe3: {  	v52 =	vor.u32 $0x80, v23;
	v3 =	vld [tilespmem:$0x1FFC0]  }
0xe4: {  	v31 =	vor.u32 $0x100, v33  }
0xe5: {  	v26 =	vor.u32 $0x180, v35;
	v27 =	vor.u32 $0x180, v33;
	v42 =	vor.u32 $0x80, v24  }
0xe6: {  	v32 =	vor.u32 $0x100, v35;
	v35 =	vld.idx.msk [tilespmem:v59+s18+$0x0], $0xffff;
	v55 =	vshll.u32 v51, $0x2;
	v59 =	vand.u32 $0x7F, v51  }
0xe7: {  	v33 =	vand.u32 $0xFFFFFE00, v55;
	v61 =	vmul.f32 v61, v39;
	v53 =	vmul.f32 v28, v38;
	v43 =	vld.idx.msk [tilespmem:v45+s18+$0x0], $0xffff  }
0xe8: {  	v59 =	vor.u32 v59, v33;
	v51 =	vld.idx.msk [tilespmem:v52+s18+$0x0], $0xffff  }
0xe9: {  	v49 =	vor.u32 $0x80, v25;
	v54 =	vadd.f32 v53, v61;
	v45 =	vld [tilespmem:s8+$0x4000]  }
0xea: {  	v16 =	vmov v2;
	v61 =	vld.idx.msk [tilespmem:v42+s18+$0x0], $0xffff  }
0xeb: {  	v34 =	vmul.f32 v34, v2;
	v35 =	vmul.f32 v35, v9;
	v2 =	vadd.f32 v36, v54;
	v54 =	vld.idx.msk [tilespmem:v3+s18+$0x0], $0xffff  }
0xec: {  	v3 =	vld [tilespmem:$0x1FFD0]  }
0xed: {  	v55 =	vor.u32 $0x80, v41;
	v35 =	vadd.f32 v35, v34;
	v62 =	vld.idx.msk [tilespmem:v59+s18+$0x0], $0xffff  }
0xee: {  	v33 =	vor.u32 $0x100, v41;
	v52 =	vld.idx.msk [tilespmem:v49+s18+$0x0], $0xffff;
	v43 =	vmul.f32 v43, v19;
	v49 =	vmul.f32 v51, v20  }
0xef: {  	v48 =	vor.u32 $0x180, v0;
	v58 =	vadd.f32 v58, v35;
	v35 =	vor.u32 $0x100, v0  }
0xf0: {  	v1 =	vadd.f32 v49, v43;
	v43 =	vor.u32 $0x80, v0;
	v0 =	vmul.f32 v61, v17  }
0xf1: {  	v28 =	vor.u32 $0x180, v41;
	v41 =	vor.u32 $0x80, v60;
	v36 =	vor.u32 $0x100, v60;
	[tilespmem:s13+$0x10000] =	vst v3  }
0xf2: {  	v51 =	vor.u32 $0x180, v60;
	v60 =	vmul.f32 v62, v45;
	v62 =	vadd.f32 v0, v1;
	v0 =	vld [tilespmem:$0x1FFE0];
	[tilespmem:s25+$0x10000] =	vst v4  }
0xf3: {  	v1 =	vld [tilespmem:$0x1FFF0];
	_ =	sdelay $0x2  }
0xf4: {  	v53 =	vld.idx.msk [tilespmem:v55+s18+$0x0], $0xffff  }
0xf5: {  	v56 =	vld.idx.msk [tilespmem:v50+s18+$0x0], $0xffff  }
0xf6: {  	v21 =	vor.u32 $0x180, v21;
	v50 =	vor.u32 $0x180, v59;
	v55 =	vld.idx.msk [tilespmem:v44+s18+$0x0], $0xffff;
	v44 =	vor.u32 $0x80, v59  }
0xf7: {  	v34 =	vor.u32 $0x100, v37;
	v42 =	vor.u32 $0x80, v37;
	v49 =	vor.u32 $0x180, v37  }
0xf8: {  	v15 =	vmovc v6;
	s29 =	sshll.u32 s28, $0xC;
	v37 =	vor.u32 $0x100, v59;
	v63 =	vmul.f32 v52, v18;
	v59 =	vor.u32 $0x100, v22;
	v52 =	vld.idx.msk [tilespmem:v0+s18+$0x0], $0xffff  }
0xf9: {  	v14 =	vmovc v5;
	s5 =	simm.s32 $0x6;
	v61 =	vmul.f32 v53, v11;
	s13 =	simm.s32 $0x200;
	s25 =	simm.s32 $0x80;
	v0 =	vadd.f32 v60, v2;
	v60 =	vor.u32 $0x100, v23;
	v53 =	vld.idx.msk [tilespmem:v1+s18+$0x0], $0xffff  }
.LBB2_3:
0xfa: {  	v1 =	vld [tilespmem:$0x1FF30];
	_ =	sdelay $0x7  }
0xfb: {  	v62 =	vadd.f32 v63, v62;
	v63 =	vld.idx.msk [tilespmem:v1+s18+$0x0], $0xffff;
	v1 =	vmov v51  }
0xfc: {  	[tilespmem:$0x1FF20] =	vst v1;
	v1 =	vld [tilespmem:$0x1FF70]  }
0xfd: {  	s4 =	sand.u32 $0x60, s25;
	s10 =	sand.u32 $0x3E00, s13  }
0xfe: {  	v55 =	vmul.f32 v55, v14;
	s10 =	sor.u32 s4, s10  }
0xff: {  	v57 =	vmul.f32 v57, v13;
	[tilespmem:s3+$0x10000] =	vst v0;
	v0 =	vor.u32 $0x100, v24;
	v51 =	vadd.f32 v61, v58;
	v61 =	vld [tilespmem:s10+$0x10]  }
0x100: {  	[tilespmem:s3+$0x10090] =	vst v62;
	v58 =	vld.idx.msk [tilespmem:v21+s18+$0x0], $0xffff  }
0x101: {  	v62 =	vadd.f32 v55, v57;
	v55 =	vld.idx.msk [tilespmem:v60+s18+$0x0], $0xffff;
	v3 =	vmov v1;
	v1 =	vmov v27  }
0x102: {  	v21 =	vmul.f32 v56, v8;
	v56 =	vor.u32 $0x100, v25;
	[tilespmem:$0x1FF70] =	vst v1;
	v1 =	vld [tilespmem:$0x1FF80]  }
0x103: {  	v6 =	vmov v39;
	s7 =	sadd.s32 $0x1, s7;
	v39 =	vld [tilespmem:s10+$0x90]  }
0x104: {  	v54 =	vmul.f32 v54, v15;
	v52 =	vmul.f32 v52, v7;
	s26 =	sand.u32 $0x3, s7;
	v0 =	vld.idx.msk [tilespmem:v0+s18+$0x0], $0xffff  }
0x105: {  	s4 =	sshll.u32 s26, $0x5;
	v57 =	vadd.f32 v21, v62;
	v27 =	vmov v49;
	v49 =	vld.idx.msk [tilespmem:v59+s18+$0x0], $0xffff;
	v59 =	vmul.f32 v53, v46  }
0x106: {  	s4 =	sadd.s32 s4, s13;
	[tilespmem:s0+$0x10080] =	vst v51;
	v60 =	vmul.f32 v63, v12;
	v12 =	vmovc v8;
	v8 =	vmovc v10;
	v10 =	vmov v40;
	v40 =	vld [tilespmem:s10+$0x110];
	v62 =	vand.u32 $0x7F, v61  }
0x107: {  	s14 =	sor.u32 $0x180, s4;
	s4 =	sadd.s32 $0x10, s4;
	v63 =	vshll.u32 v61, $0x2;
	v46 =	vmovc v14;
	v53 =	vld.idx.msk [tilespmem:v56+s18+$0x0], $0xffff;
	v51 =	vadd.f32 v59, v52;
	v2 =	vmovc v1;
	v1 =	vmov v26  }
0x108: {  	s4 =	sor.u32 $0x180, s4;
	v14 =	vmovc v9;
	v9 =	vmov v38;
	v55 =	vmul.f32 v55, v20;
	v52 =	vmul.f32 v58, v47;
	[tilespmem:$0x1FF80] =	vst v1;
	v1 =	vld [tilespmem:$0x1FF90]  }
0x109: {  	v61 =	vld [tilespmem:s4+$0x0];
	v47 =	vmovc v15;
	v38 =	vadd.f32 v60, v51;
	v60 =	vshll.u32 v39, $0x2;
	v26 =	vmovc v48;
	v48 =	vadd.f32 v54, v57  }
0x10a: {  	v15 =	vmovc v11;
	v11 =	vmovc v45;
	v45 =	vld [tilespmem:s10+$0x0];
	v39 =	vand.u32 $0x7F, v39;
	v49 =	vmul.f32 v49, v19;
	v51 =	vand.u32 $0xFFFFFE00, v60  }
0x10b: {  	v58 =	vor.u32 $0x180, v23;
	v59 =	vld [tilespmem:s4+$0x4000];
	v0 =	vmul.f32 v0, v17;
	v39 =	vor.u32 v39, v51;
	[tilespmem:s31+$0x10100] =	vst v48  }
0x10c: {  	v54 =	vand.u32 $0xFFFFFE00, v63;
	v38 =	vadd.f32 v52, v38;
	v49 =	vadd.f32 v55, v49;
	s31 =	smov.u32 s0;
	s0 =	smov.u32 s3;
	s3 =	smov.u32 s10;
	v48 =	vld [tilespmem:s10+$0x80]  }
0x10d: {  	v63 =	vmul.f32 v53, v18;
	v57 =	vld [tilespmem:s3+$0x100];
	v21 =	vmovc v1;
	v1 =	vmovc v28;
	v28 =	vmov v50;
	v50 =	vor.u32 v62, v54  }
0x10e: {  	v53 =	vor.u32 $0x180, v22;
	v52 =	vld [tilespmem:s3+$0x4010];
	v0 =	vadd.f32 v0, v49;
	v62 =	vshll.u32 v40, $0x2  }
0x10f: {  	v60 =	vshll.u32 v61, $0x2;
	v55 =	vld [tilespmem:s3+$0x4090];
	v40 =	vand.u32 $0x7F, v40;
	v51 =	vand.u32 $0xFFFFFE00, v62  }
0x110: {  	v23 =	vmov v39;
	[tilespmem:s30+$0x10000] =	vst v38;
	v0 =	vadd.f32 v63, v0;
	v39 =	vld.idx.msk [tilespmem:v39+s18+$0x0], $0xffff;
	v38 =	vor.u32 v40, v51  }
0x111: {  	v49 =	vand.u32 $0x7F, v61;
	v54 =	vld [tilespmem:s3+$0x4110];
	v40 =	vand.u32 $0xFFFFFE00, v60;
	v51 =	vor.u32 $0x180, v24  }
0x112: {  	v56 =	vshll.u32 v45, $0x2;
	v22 =	vmov v50;
	v40 =	vor.u32 v49, v40;
	v50 =	vld.idx.msk [tilespmem:v50+s18+$0x0], $0xffff;
	[tilespmem:s0+$0x10110] =	vst v0  }
0x113: {  	v60 =	vshll.u32 v48, $0x2;
	v0 =	vand.u32 $0xFFFFFE00, v56;
	v56 =	vor.u32 $0x180, v25;
	v53 =	vld.idx.msk [tilespmem:v53+s18+$0x0], $0xffff  }
0x114: {  	v45 =	vand.u32 $0x7F, v45;
	v48 =	vand.u32 $0x7F, v48;
	v49 =	vand.u32 $0xFFFFFE00, v60;
	v58 =	vld.idx.msk [tilespmem:v58+s18+$0x0], $0xffff  }
0x115: {  	v24 =	vmov v38;
	v0 =	vor.u32 v45, v0;
	v45 =	vor.u32 v48, v49;
	v38 =	vld.idx.msk [tilespmem:v38+s18+$0x0], $0xffff  }
0x116: {  	v60 =	vshll.u32 v57, $0x2;
	v61 =	vld.idx.msk [tilespmem:v51+s18+$0x0], $0xffff  }
0x117: {  	v39 =	vmul.f32 v39, v55;
	v25 =	vmovc v40;
	v48 =	vand.u32 $0xFFFFFE00, v60;
	v49 =	vand.u32 $0x7F, v57;
	v40 =	vld.idx.msk [tilespmem:v40+s18+$0x0], $0xffff  }
0x118: {  	v60 =	vor.u32 $0x80, v45;
	v62 =	vor.u32 v49, v48;
	v56 =	vld.idx.msk [tilespmem:v56+s18+$0x0], $0xffff;
	v50 =	vmul.f32 v50, v52  }
0x119: {  	[tilespmem:$0x1FF90] =	vst v1;
	v1 =	vor.u32 $0x100, v45;
	v53 =	vmul.f32 v53, v19;
	v58 =	vmul.f32 v58, v20  }
0x11a: {  	v49 =	vor.u32 $0x180, v45;
	v19 =	vmovc v52;
	v52 =	vld.idx.msk [tilespmem:v45+s18+$0x0], $0xffff;
	v45 =	vadd.f32 v39, v50;
	v50 =	vmul.f32 v38, v54  }
0x11b: {  	v61 =	vmul.f32 v61, v17;
	v53 =	vadd.f32 v58, v53  }
0x11c: {  	v45 =	vadd.f32 v50, v45;
	v50 =	vmul.f32 v40, v59  }
0x11d: {  	v17 =	vmovc v54;
	v54 =	vld.idx.msk [tilespmem:v62+s18+$0x0], $0xffff;
	v58 =	vor.u32 $0x80, v22;
	v53 =	vadd.f32 v61, v53;
	v61 =	vmul.f32 v56, v18  }
0x11e: {  	s30 =	smov.u32 s2;
	v40 =	vld [tilespmem:s3+$0x4100];
	v18 =	vmov v59;
	v59 =	vor.u32 $0x80, v23;
	v50 =	vadd.f32 v50, v45  }
0x11f: {  	s2 =	smov.u32 s1;
	s1 =	smov.u32 s8;
	s8 =	smov.u32 s14;
	v53 =	vadd.f32 v61, v53  }
0x120: {  	v4 =	vld [tilespmem:s8+$0x0];
	v20 =	vmov v55;
	v55 =	vor.u32 $0x80, v24;
	[tilespmem:s3+$0x10010] =	vst v50  }
0x121: {  	v5 =	vld.idx.msk [tilespmem:v42+s18+$0x0], $0xffff;
	[tilespmem:s15+$0x10000] =	vst v53  }
0x122: {  	v53 =	vld.idx.msk [tilespmem:v58+s18+$0x0], $0xffff  }
0x123: {  	v42 =	vmov v60;
	v60 =	vmul.f32 v54, v40;
	v54 =	vld.idx.msk [tilespmem:v59+s18+$0x0], $0xffff  }
0x124: {  	[tilespmem:$0x1FF30] =	vst v2;
	v2 =	vor.u32 $0x80, v62;
	v58 =	vld.idx.msk [tilespmem:v43+s18+$0x0], $0xffff  }
0x125: {  	v57 =	vor.u32 $0x80, v0;
	v43 =	vmov v2;
	v2 =	vld.idx.msk [tilespmem:v55+s18+$0x0], $0xffff  }
0x126: {  	[tilespmem:$0x1FF10] =	vst v3;
	v63 =	vor.u32 $0x100, v0;
	v51 =	vor.u32 $0x180, v0;
	v3 =	vor.u32 $0x100, v62  }
0x127: {  	v48 =	vor.u32 $0x180, v62;
	v62 =	vshll.u32 v4, $0x2;
	v4 =	vand.u32 $0x7F, v4  }
0x128: {  	v0 =	vld.idx.msk [tilespmem:v0+s18+$0x0], $0xffff;
	v56 =	vand.u32 $0xFFFFFE00, v62;
	v53 =	vmul.f32 v53, v19;
	v54 =	vmul.f32 v54, v20  }
0x129: {  	v39 =	vld [tilespmem:s3+$0x4000];
	v4 =	vor.u32 v4, v56  }
0x12a: {  	v55 =	vld.idx.msk [tilespmem:v31+s18+$0x0], $0xffff;
	v31 =	vmovc v34;
	v34 =	vmov v1;
	v2 =	vmul.f32 v2, v17;
	v1 =	vadd.f32 v54, v53  }
0x12b: {  	v62 =	vor.u32 $0x100, v4;
	v54 =	vld.idx.msk [tilespmem:v33+s18+$0x0], $0xffff  }
0x12c: {  	v33 =	vmov v37;
	v37 =	vmov v62;
	v62 =	vadd.f32 v2, v1;
	v1 =	vld [tilespmem:$0x1FF50]  }
0x12d: {  	v38 =	vld [tilespmem:s3+$0x4080];
	_ =	sdelay $0x4  }
0x12e: {  	v0 =	vmul.f32 v0, v39;
	v52 =	vmul.f32 v52, v38;
	_ =	sdelay $0x1  }
0x12f: {  	v0 =	vadd.f32 v52, v0;
	v52 =	vld.idx.msk [tilespmem:v1+s18+$0x0], $0xffff;
	v1 =	vmov v29  }
0x130: {  	[tilespmem:$0x1FF50] =	vst v1;
	v1 =	vld [tilespmem:$0x1FF10]  }
0x131: {  	v56 =	vld.idx.msk [tilespmem:v41+s18+$0x0], $0xffff;
	v41 =	vmov v57;
	v57 =	vor.u32 $0x80, v25;
	_ =	sdelay $0x2  }
0x132: {  	v45 =	vld [tilespmem:s8+$0x4000]  }
0x133: {  	v61 =	vor.u32 $0x80, v4;
	v50 =	vor.u32 $0x180, v4;
	v4 =	vld.idx.msk [tilespmem:v4+s18+$0x0], $0xffff  }
0x134: {  	v7 =	vmov v13;
	v59 =	vld.idx.msk [tilespmem:v57+s18+$0x0], $0xffff  }
0x135: {  	v13 =	vmovc v16;
	v16 =	vmov v6;
	v0 =	vadd.f32 v60, v0;
	v60 =	vmul.f32 v56, v6;
	v6 =	vld.idx.msk [tilespmem:v44+s18+$0x0], $0xffff  }
0x136: {  	s5 =	sadd.s32 $0x2, s5;
	v53 =	vld.idx.msk [tilespmem:v1+s18+$0x0], $0xffff  }
0x137: {  	p1 =	slt.u32 s5, $0xFE;
	v1 =	vld [tilespmem:$0x1FF20]  }
.Ltmp2:
0x138: {  	v5 =	vmul.f32 v5, v9;
	(pc) =	sbr.rel @p1 .LBB2_3-.Ltmp2, $4  }
0x139: {  	v44 =	vmov v61;
	v56 =	vld.idx.msk [tilespmem:v32+s18+$0x0], $0xffff;
	v32 =	vmov v35  }
0x13a: {  	v35 =	vmovc v3;
	v5 =	vadd.f32 v5, v60;
	v61 =	vmul.f32 v58, v10;
	v3 =	vmul.f32 v4, v45  }
0x13b: {  	v57 =	vld.idx.msk [tilespmem:v30+s18+$0x0], $0xffff;
	v30 =	vmovc v36;
	v36 =	vmovc v63;
	v60 =	vor.u32 $0x100, v23;
	v63 =	vmul.f32 v59, v18;
	v59 =	vor.u32 $0x100, v22  }
0x13c: {  	s25 =	sadd.s32 $0x20, s25;
	s13 =	sadd.s32 $0x80, s13;
	s15 =	smov.u32 s4;
	v58 =	vadd.f32 v61, v5;
	v61 =	vmul.f32 v6, v11;
	v0 =	vadd.f32 v3, v0;
	v29 =	vmovc v1  }
0x13d: {  	_ =	sdelay $0x2  }
0x13e: {  	[tilespmem:s3+$0x10000] =	vst v0  }
0x13f: {  	v1 =	vadd.f32 v63, v62;
	v0 =	vld.idx.msk [tilespmem:v41+s18+$0x0], $0xffff  }
0x140: {  	v63 =	vld.idx.msk [tilespmem:v42+s18+$0x0], $0xffff  }
0x141: {  	v2 =	vor.u32 $0x100, v24;
	[tilespmem:s3+$0x10090] =	vst v1;
	v4 =	vld.idx.msk [tilespmem:v43+s18+$0x0], $0xffff  }
0x142: {  	v3 =	vld.idx.msk [tilespmem:v59+s18+$0x0], $0xffff  }
0x143: {  	v5 =	vor.u32 $0x100, v25;
	v6 =	vld.idx.msk [tilespmem:v60+s18+$0x0], $0xffff  }
0x144: {  	v59 =	vld.idx.msk [tilespmem:v44+s18+$0x0], $0xffff  }
0x145: {  	v62 =	vld [tilespmem:$0x1FF30];
	v0 =	vmul.f32 v0, v39;
	v1 =	vmul.f32 v63, v38  }
0x146: {  	v61 =	vadd.f32 v61, v58;
	v2 =	vld.idx.msk [tilespmem:v2+s18+$0x0], $0xffff  }
0x147: {  	v21 =	vld.idx.msk [tilespmem:v21+s18+$0x0], $0xffff;
	v60 =	vmul.f32 v4, v40;
	v0 =	vadd.f32 v1, v0  }
0x148: {  	[tilespmem:s0+$0x10080] =	vst v61;
	v44 =	vmul.f32 v55, v14;
	v5 =	vld.idx.msk [tilespmem:v5+s18+$0x0], $0xffff;
	v3 =	vmul.f32 v3, v19  }
0x149: {  	v55 =	vld.idx.msk [tilespmem:v31+s18+$0x0], $0xffff;
	v6 =	vmul.f32 v6, v20;
	v63 =	vmul.f32 v59, v45;
	v0 =	vadd.f32 v60, v0  }
0x14a: {  	v42 =	vmov v14;
	v14 =	vld.idx.msk [tilespmem:v33+s18+$0x0], $0xffff  }
0x14b: {  	v4 =	vld.idx.msk [tilespmem:v30+s18+$0x0], $0xffff;
	v3 =	vadd.f32 v6, v3;
	v2 =	vmul.f32 v2, v17;
	v0 =	vadd.f32 v63, v0  }
0x14c: {  	v41 =	vmov v13;
	v13 =	vmul.f32 v57, v13;
	v59 =	vld.idx.msk [tilespmem:v32+s18+$0x0], $0xffff  }
0x14d: {  	v58 =	vor.u32 $0x180, v22;
	v57 =	vmul.f32 v5, v18;
	v43 =	vld.idx.msk [tilespmem:v62+s18+$0x0], $0xffff;
	v2 =	vadd.f32 v2, v3;
	[tilespmem:s3+$0x10080] =	vst v0  }
0x14e: {  	v1 =	vadd.f32 v44, v13;
	v60 =	vmul.f32 v56, v8;
	v62 =	vor.u32 $0x180, v23;
	v61 =	vld.idx.msk [tilespmem:v36+s18+$0x0], $0xffff  }
0x14f: {  	v13 =	vor.u32 $0x180, v24;
	v2 =	vadd.f32 v57, v2;
	v63 =	vld.idx.msk [tilespmem:v34+s18+$0x0], $0xffff  }
0x150: {  	v33 =	vmov v15;
	v15 =	vmul.f32 v54, v15;
	v0 =	vadd.f32 v60, v1;
	v44 =	vld.idx.msk [tilespmem:v35+s18+$0x0], $0xffff  }
0x151: {  	v55 =	vmul.f32 v55, v9;
	v4 =	vmul.f32 v4, v16;
	[tilespmem:s3+$0x10110] =	vst v2;
	v56 =	vld.idx.msk [tilespmem:v37+s18+$0x0], $0xffff  }
0x152: {  	v5 =	vld.idx.msk [tilespmem:v58+s18+$0x0], $0xffff;
	v0 =	vadd.f32 v15, v0  }
0x153: {  	v22 =	vmul.f32 v59, v10;
	v4 =	vadd.f32 v55, v4;
	v6 =	vld.idx.msk [tilespmem:v62+s18+$0x0], $0xffff  }
0x154: {  	v36 =	vor.u32 $0x180, v25;
	v58 =	vld.idx.msk [tilespmem:v13+s18+$0x0], $0xffff;
	[tilespmem:s31+$0x10100] =	vst v0  }
0x155: {  	v59 =	vmul.f32 v14, v11;
	v4 =	vadd.f32 v22, v4;
	v60 =	vld [tilespmem:$0x1FF50]  }
0x156: {  	v62 =	vld [tilespmem:$0x1FF70]  }
0x157: {  	v4 =	vadd.f32 v59, v4;
	v23 =	vld [tilespmem:$0x1FF80];
	v57 =	vmul.f32 v61, v39;
	v3 =	vmul.f32 v63, v38  }
0x158: {  	v25 =	vld [tilespmem:$0x1FF90]  }
0x159: {  	[tilespmem:s0+$0x10100] =	vst v4;
	v1 =	vld.idx.msk [tilespmem:v36+s18+$0x0], $0xffff;
	v2 =	vmul.f32 v44, v40;
	v3 =	vadd.f32 v3, v57  }
0x15a: {  	v32 =	vld.idx.msk [tilespmem:v29+s18+$0x0], $0xffff  }
0x15b: {  	v54 =	vmov v16;
	v16 =	vmul.f32 v56, v45;
	v35 =	vld.idx.msk [tilespmem:v27+s18+$0x0], $0xffff;
	v2 =	vadd.f32 v2, v3  }
0x15c: {  	v31 =	vmul.f32 v53, v46;
	v46 =	vld.idx.msk [tilespmem:v26+s18+$0x0], $0xffff  }
0x15d: {  	v2 =	vadd.f32 v16, v2;
	v61 =	vld.idx.msk [tilespmem:v60+s18+$0x0], $0xffff  }
0x15e: {  	v63 =	vld.idx.msk [tilespmem:v62+s18+$0x0], $0xffff  }
0x15f: {  	v30 =	vmul.f32 v52, v7;
	v3 =	vld.idx.msk [tilespmem:v23+s18+$0x0], $0xffff;
	[tilespmem:s3+$0x10100] =	vst v2  }
0x160: {  	v5 =	vmul.f32 v5, v19;
	v6 =	vmul.f32 v6, v20;
	v37 =	vld.idx.msk [tilespmem:v51+s18+$0x0], $0xffff  }
0x161: {  	v4 =	vadd.f32 v31, v30;
	v36 =	vmul.f32 v43, v12;
	v44 =	vmul.f32 v21, v47;
	v43 =	vld.idx.msk [tilespmem:v49+s18+$0x0], $0xffff  }
0x162: {  	v0 =	vmul.f32 v58, v17;
	v5 =	vadd.f32 v6, v5;
	v1 =	vmul.f32 v1, v18;
	v48 =	vld.idx.msk [tilespmem:v48+s18+$0x0], $0xffff  }
0x163: {  	v52 =	vmul.f32 v35, v9;
	v49 =	vld.idx.msk [tilespmem:v28+s18+$0x0], $0xffff;
	v51 =	vmul.f32 v32, v54  }
0x164: {  	v0 =	vadd.f32 v0, v5;
	v13 =	vld.idx.msk [tilespmem:v25+s18+$0x0], $0xffff;
	v2 =	vadd.f32 v36, v4;
	v4 =	vmul.f32 v46, v10  }
0x165: {  	v53 =	vld.idx.msk [tilespmem:v50+s18+$0x0], $0xffff;
	v5 =	vadd.f32 v52, v51;
	v47 =	vmul.f32 v61, v41;
	v14 =	vmul.f32 v63, v42  }
0x166: {  	v0 =	vadd.f32 v1, v0;
	v54 =	vmul.f32 v37, v39;
	v55 =	vmul.f32 v43, v38  }
0x167: {  	v3 =	vmul.f32 v3, v8;
	v4 =	vadd.f32 v4, v5;
	v6 =	vadd.f32 v14, v47  }
0x168: {  	v56 =	vmul.f32 v48, v40;
	v58 =	vmul.f32 v49, v11;
	v57 =	vadd.f32 v55, v54  }
0x169: {  	v2 =	vadd.f32 v44, v2;
	v13 =	vmul.f32 v13, v33;
	v3 =	vadd.f32 v3, v6  }
0x16a: {  	p1 =	sne.s32 s28, $0x7;
	[tilespmem:s15+$0x10000] =	vst v0;
	v60 =	vmul.f32 v53, v45;
	v62 =	vadd.f32 v58, v4;
	v61 =	vadd.f32 v56, v57  }
.Ltmp3:
0x16b: {  	[tilespmem:s30+$0x10000] =	vst v2;
	v59 =	vadd.f32 v13, v3;
	(pc) =	sbr.rel @p1 .LBB2_6-.Ltmp3, $4  }
0x16c: {  	s30 =	sadd.s32 s9, s28;
	[tilespmem:s1+$0x10000] =	vst v62;
	v63 =	vadd.f32 v60, v61  }
0x16d: {  	s0 =	sshll.u32 s30, $0xC;
	[tilespmem:s2+$0x10000] =	vst v59  }
0x16e: {  	s31 =	simm.s32 $0x10000;
	s0 =	sadd.s32 s21, s0;
	[tilespmem:s8+$0x10000] =	vst v63  }
0x16f: {  	[hbm4b:s0+s16] =	stream.strided.scatter [tilespmem:s31], [sflag:$0x3], $0x4000, s17, s16, $0x38;
	[tilespmem:$0x18000] =	vst v63  }
.Ltmp4:
0x170: {  	(pc) =	sbr.rel .LBB2_7-.Ltmp4, $4  }
0x171: {  	_ = 	snop  }
0x172: {  	_ =	swait.ge [sflag:s22], $0x4000  }
0x173: {  	[sflag:s22] =	ssyncset.done $0x0  }
0x174: {  	[sflag:s22] =	ssyncadd.s32 $0xFFFFC000  }
.LBB2_6:
0x175: {  	s0 =	rddreg [dreg:$0x7]  }
.Ltmp5:
0x176: {  	s0 =	sadd.s32 s29, s0;
	(pc) =	sbr.rel @p0 .LBB2_8-.Ltmp5, $4  }
0x177: {  	[tilespmem:s18], [sflag:$0x1] =	stream.strided.gather [hbm4b:s0+s16], $0x4000, s17, s16, $0x38;
	[tilespmem:$0x18000] =	vst v63  }
0x178: {  	_ =	swait.ge [sflag:s22], $0x4000  }
0x179: {  	[sflag:s22] =	ssyncset.done $0x0  }
0x17a: {  	[sflag:s22] =	ssyncadd.s32 $0xFFFFC000  }
.LBB2_7:
0x17b: {  	_ =	swait.ge [sflag:s23], $0x4000  }
0x17c: {  	[sflag:s23] =	ssyncset.done $0x0  }
0x17d: {  	[sflag:s23] =	ssyncadd.s32 $0xFFFFC000  }
.LBB2_8:
0x17e: {  	s0 =	simm.s32 $0x0  }
0x17f: {  	s8 =	sand.u32 $0x60, s0  }
0x180: {  	s13 =	sand.u32 $0x3E00, s0;
	s7 =	sor.u32 $0x10, s8  }
0x181: {  	s1 =	sor.u32 s13, s7  }
0x182: {  	s0 =	sand.u32 $0x3, s0;
	v0 =	vld [tilespmem:s1+$0x0]  }
0x183: {  	s0 =	sshll.u32 s0, $0x5;
	v1 =	vld [tilespmem:s1+$0x80]  }
0x184: {  	s2 =	sadd.s32 $0x0, s0  }
0x185: {  	v2 =	vld [tilespmem:s1+$0x100];
	s0 =	sadd.s32 $0x10, s2  }
0x186: {  	s3 =	sor.u32 $0x180, s0  }
0x187: {  	v3 =	vld [tilespmem:s3+$0x0];
	v4 =	vshll.u32 v0, $0x2  }
0x188: {  	s30 =	sor.u32 s8, s13;
	v0 =	vand.u32 $0x7F, v0;
	v5 =	vshll.u32 v1, $0x2;
	v4 =	vand.u32 $0xFFFFFE00, v4  }
0x189: {  	v8 =	vld [tilespmem:s30+$0x0];
	v1 =	vand.u32 $0x7F, v1;
	v5 =	vand.u32 $0xFFFFFE00, v5;
	v18 =	vor.u32 v0, v4  }
0x18a: {  	v9 =	vld [tilespmem:s30+$0x100];
	v7 =	vor.u32 v1, v5;
	v1 =	vshll.u32 v2, $0x2;
	v4 =	vadd.s32 $0x4000, v18  }
0x18b: {  	v0 =	vld [tilespmem:s30+$0x80];
	v2 =	vand.u32 $0x7F, v2;
	v10 =	vadd.s32 $0x4000, v7;
	v1 =	vand.u32 $0xFFFFFE00, v1  }
0x18c: {  	v13 =	vld [tilespmem:s1+$0x4000];
	v5 =	vor.u32 v2, v1;
	v1 =	vshll.u32 v3, $0x2  }
0x18d: {  	s2 =	sor.u32 $0x180, s2;
	v14 =	vld [tilespmem:s1+$0x4080];
	v6 =	vand.u32 $0x7F, v3;
	v2 =	vadd.s32 $0x4000, v5;
	v1 =	vand.u32 $0xFFFFFE00, v1  }
0x18e: {  	v16 =	vld [tilespmem:s2+$0x0];
	v3 =	vshll.u32 v8, $0x2;
	v6 =	vor.u32 v6, v1  }
0x18f: {  	v8 =	vand.u32 $0x7F, v8;
	v1 =	vand.u32 $0xFFFFFE00, v3;
	v17 =	vadd.s32 $0x4000, v6;
	v3 =	vld.idx.msk [tilespmem:v4+s18+$0x0], $0xffff  }
0x190: {  	v15 =	vor.u32 v8, v1;
	v1 =	vshll.u32 v9, $0x2;
	v4 =	vshll.u32 v0, $0x2;
	v19 =	vld.idx.msk [tilespmem:v10+s18+$0x0], $0xffff  }
0x191: {  	v12 =	vld [tilespmem:s1+$0x4100];
	v0 =	vand.u32 $0x7F, v0;
	v20 =	vadd.s32 $0x4000, v15;
	v4 =	vand.u32 $0xFFFFFE00, v4  }
0x192: {  	v11 =	vor.u32 v0, v4;
	v0 =	vand.u32 $0xFFFFFE00, v1;
	v2 =	vld.idx.msk [tilespmem:v2+s18+$0x0], $0xffff;
	v1 =	vand.u32 $0x7F, v9  }
0x193: {  	v10 =	vld [tilespmem:s3+$0x4000];
	v9 =	vshll.u32 v16, $0x2;
	v4 =	vadd.s32 $0x4000, v11;
	v8 =	vor.u32 v1, v0  }
0x194: {  	v0 =	vand.u32 $0x7F, v16;
	v9 =	vand.u32 $0xFFFFFE00, v9;
	v16 =	vld.idx.msk [tilespmem:v17+s18+$0x0], $0xffff;
	v17 =	vadd.s32 $0x4000, v8  }
0x195: {  	v1 =	vld [tilespmem:s30+$0x4000];
	v9 =	vor.u32 v0, v9;
	v3 =	vmul.f32 v3, v13;
	v19 =	vmul.f32 v19, v14  }
0x196: {  	v0 =	vld [tilespmem:s30+$0x4080];
	v21 =	vadd.s32 $0x4000, v9  }
0x197: {  	v20 =	vld.idx.msk [tilespmem:v20+s18+$0x0], $0xffff;
	v3 =	vadd.f32 v19, v3;
	v19 =	vmul.f32 v2, v12  }
0x198: {  	v4 =	vld.idx.msk [tilespmem:v4+s18+$0x0], $0xffff  }
0x199: {  	v2 =	vld [tilespmem:s30+$0x4100];
	v3 =	vadd.f32 v19, v3;
	v16 =	vmul.f32 v16, v10;
	v19 =	vadd.s32 $0x4080, v18  }
0x19a: {  	v22 =	vadd.s32 $0x4080, v7;
	v17 =	vld.idx.msk [tilespmem:v17+s18+$0x0], $0xffff  }
0x19b: {  	s31 =	sor.u32 $0x14000, s13;
	v21 =	vld.idx.msk [tilespmem:v21+s18+$0x0], $0xffff;
	v16 =	vadd.f32 v16, v3  }
0x19c: {  	v23 =	vadd.s32 $0x4080, v5;
	s3 =	sor.u32 s7, s31;
	v3 =	vld [tilespmem:s2+$0x4000]  }
0x19d: {  	v20 =	vmul.f32 v20, v1;
	v4 =	vmul.f32 v4, v0;
	[tilespmem:s3+$0x0] =	vst v16  }
0x19e: {  	s4 =	simm.s32 $0x20;
	v16 =	vld.idx.msk [tilespmem:v19+s18+$0x0], $0xffff;
	v19 =	vadd.s32 $0x4080, v6  }
0x19f: {  	s5 =	simm.s32 $0x80;
	s25 =	simm.s32 $0x1;
	s15 =	sand.u32 $0x60, s4;
	v17 =	vmul.f32 v17, v2;
	v4 =	vadd.f32 v4, v20;
	v20 =	vld.idx.msk [tilespmem:v22+s18+$0x0], $0xffff  }
0x1a0: {  	s0 =	sor.u32 s8, s31;
	s31 =	sand.u32 $0x3E00, s5;
	s2 =	sand.u32 $0x3, s25  }
0x1a1: {  	s26 =	sor.u32 s15, s31;
	s2 =	sshll.u32 s2, $0x5;
	v22 =	vadd.s32 $0x4080, v15;
	v21 =	vmul.f32 v21, v3;
	v4 =	vadd.f32 v17, v4;
	v17 =	vld.idx.msk [tilespmem:v23+s18+$0x0], $0xffff  }
0x1a2: {  	v27 =	vld [tilespmem:s26+$0x0];
	s2 =	sadd.s32 $0x80, s2;
	v23 =	vadd.s32 $0x4080, v11  }
0x1a3: {  	v24 =	vadd.s32 $0x4080, v8;
	s4 =	sadd.s32 $0x10, s2;
	v4 =	vadd.f32 v21, v4;
	v19 =	vld.idx.msk [tilespmem:v19+s18+$0x0], $0xffff  }
0x1a4: {  	v32 =	vld [tilespmem:s26+$0x80];
	s4 =	sor.u32 $0x180, s4;
	v16 =	vmul.f32 v16, v13;
	v20 =	vmul.f32 v20, v14  }
0x1a5: {  	v25 =	vld [tilespmem:s4+$0x0];
	[tilespmem:s0+$0x0] =	vst v4  }
0x1a6: {  	v21 =	vadd.s32 $0x4080, v9;
	v29 =	vld.idx.msk [tilespmem:v22+s18+$0x0], $0xffff;
	v4 =	vadd.f32 v20, v16;
	v16 =	vmul.f32 v17, v12  }
0x1a7: {  	s30 =	sor.u32 $0x10, s15;
	v30 =	vld.idx.msk [tilespmem:v23+s18+$0x0], $0xffff  }
0x1a8: {  	s10 =	sor.u32 s31, s30;
	v31 =	vld.idx.msk [tilespmem:v24+s18+$0x0], $0xffff;
	v17 =	vadd.s32 $0x4100, v18;
	v4 =	vadd.f32 v16, v4;
	v16 =	vmul.f32 v19, v10  }
0x1a9: {  	v20 =	vld [tilespmem:s10+$0x100]  }
0x1aa: {  	s14 =	sor.u32 $0x14080, s13;
	v23 =	vld [tilespmem:s10+$0x80];
	v19 =	vadd.s32 $0x4100, v7;
	v4 =	vadd.f32 v16, v4  }
0x1ab: {  	s19 =	sor.u32 s7, s14;
	v38 =	vadd.s32 $0x4180, v18;
	v21 =	vld.idx.msk [tilespmem:v21+s18+$0x0], $0xffff  }
0x1ac: {  	v52 =	vadd.s32 $0x4100, v15;
	v42 =	vadd.s32 $0x4100, v11;
	v22 =	vadd.s32 $0x4100, v5;
	v16 =	vld [tilespmem:s10+$0x0];
	[tilespmem:s19+$0x0] =	vst v4  }
0x1ad: {  	v40 =	vshll.u32 v27, $0x2;
	v37 =	vand.u32 $0x7F, v25;
	v4 =	vld.idx.msk [tilespmem:v17+s18+$0x0], $0xffff;
	v17 =	vadd.s32 $0x4100, v6  }
0x1ae: {  	v33 =	vld [tilespmem:s26+$0x100];
	v7 =	vadd.s32 $0x4180, v7;
	v29 =	vmul.f32 v29, v1;
	v30 =	vmul.f32 v30, v0  }
0x1af: {  	s2 =	sor.u32 $0x180, s2;
	v26 =	vand.u32 $0x7F, v20;
	v20 =	vshll.u32 v20, $0x2;
	v31 =	vmul.f32 v31, v2;
	v19 =	vld.idx.msk [tilespmem:v19+s18+$0x0], $0xffff  }
0x1b0: {  	v34 =	vld [tilespmem:s2+$0x0];
	v20 =	vand.u32 $0xFFFFFE00, v20;
	v29 =	vadd.f32 v30, v29;
	v30 =	vadd.s32 $0x4180, v6  }
0x1b1: {  	v22 =	vld.idx.msk [tilespmem:v22+s18+$0x0], $0xffff;
	v21 =	vmul.f32 v21, v3;
	v24 =	vand.u32 $0x7F, v16;
	v16 =	vshll.u32 v16, $0x2  }
0x1b2: {  	v16 =	vand.u32 $0xFFFFFE00, v16;
	v28 =	vld.idx.msk [tilespmem:v17+s18+$0x0], $0xffff;
	v17 =	vand.u32 $0x7F, v23;
	v23 =	vshll.u32 v23, $0x2  }
0x1b3: {  	v18 =	vld [tilespmem:s10+$0x4000];
	v16 =	vor.u32 v24, v16;
	v4 =	vmul.f32 v4, v13;
	v23 =	vand.u32 $0xFFFFFE00, v23  }
0x1b4: {  	v6 =	vld [tilespmem:s26+$0x4100];
	v19 =	vmul.f32 v19, v14;
	v35 =	vadd.s32 $0x4000, v16;
	v17 =	vor.u32 v17, v23  }
0x1b5: {  	v29 =	vadd.f32 v31, v29;
	v24 =	vor.u32 v26, v20;
	v26 =	vld [tilespmem:s10+$0x4080];
	v36 =	vadd.s32 $0x4000, v17  }
0x1b6: {  	v20 =	vshll.u32 v25, $0x2;
	v25 =	vld [tilespmem:s4+$0x4000];
	v22 =	vmul.f32 v22, v12;
	v19 =	vadd.f32 v19, v4  }
0x1b7: {  	v21 =	vadd.f32 v21, v29;
	v39 =	vadd.s32 $0x4000, v24;
	v20 =	vand.u32 $0xFFFFFE00, v20;
	v4 =	vld [tilespmem:s26+$0x4000]  }
0x1b8: {  	v23 =	vld [tilespmem:s10+$0x4100];
	v19 =	vadd.f32 v22, v19;
	v22 =	vmul.f32 v28, v10;
	v28 =	vor.u32 v37, v20  }
0x1b9: {  	v27 =	vand.u32 $0x7F, v27;
	v61 =	vshll.u32 v34, $0x2;
	s0 =	sor.u32 s8, s14;
	v35 =	vld.idx.msk [tilespmem:v35+s18+$0x0], $0xffff;
	v37 =	vadd.s32 $0x4000, v28  }
0x1ba: {  	s25 =	sor.u32 $0x14100, s13;
	v62 =	vand.u32 $0xFFFFFE00, v61;
	[tilespmem:s0+$0x0] =	vst v21;
	v19 =	vadd.f32 v22, v19;
	v22 =	vshll.u32 v32, $0x2;
	v36 =	vld.idx.msk [tilespmem:v36+s18+$0x0], $0xffff  }
0x1bb: {  	v5 =	vadd.s32 $0x4180, v5;
	s4 =	sor.u32 s7, s25;
	v56 =	vld.idx.msk [tilespmem:v52+s18+$0x0], $0xffff;
	v20 =	vand.u32 $0xFFFFFE00, v40;
	v22 =	vand.u32 $0xFFFFFE00, v22  }
0x1bc: {  	v39 =	vld.idx.msk [tilespmem:v39+s18+$0x0], $0xffff;
	[tilespmem:s4+$0x0] =	vst v19;
	v19 =	vor.u32 v27, v20;
	v20 =	vand.u32 $0x7F, v32;
	v27 =	vshll.u32 v33, $0x2  }
0x1bd: {  	v20 =	vor.u32 v20, v22;
	v22 =	vand.u32 $0xFFFFFE00, v27;
	v27 =	vand.u32 $0x7F, v33;
	v33 =	vld.idx.msk [tilespmem:v7+s18+$0x0], $0xffff  }
0x1be: {  	v60 =	vadd.s32 $0x4000, v19;
	v44 =	vmul.f32 v35, v18;
	v7 =	vadd.s32 $0x4000, v20;
	v37 =	vld.idx.msk [tilespmem:v37+s18+$0x0], $0xffff  }
0x1bf: {  	v42 =	vld.idx.msk [tilespmem:v42+s18+$0x0], $0xffff;
	v22 =	vor.u32 v27, v22;
	v27 =	vand.u32 $0x7F, v34;
	v45 =	vmul.f32 v36, v26  }
0x1c0: {  	v38 =	vld.idx.msk [tilespmem:v38+s18+$0x0], $0xffff;
	v63 =	vadd.s32 $0x4000, v22;
	v27 =	vor.u32 v27, v62  }
0x1c1: {  	v41 =	vld.idx.msk [tilespmem:v5+s18+$0x0], $0xffff;
	v47 =	vmul.f32 v39, v23;
	v46 =	vadd.s32 $0x4000, v27;
	v34 =	vadd.f32 v45, v44  }
0x1c2: {  	v5 =	vld [tilespmem:s26+$0x4080]  }
0x1c3: {  	v50 =	vadd.s32 $0x4080, v16;
	v48 =	vld.idx.msk [tilespmem:v7+s18+$0x0], $0xffff;
	v49 =	vmul.f32 v37, v25;
	v7 =	vadd.f32 v47, v34  }
0x1c4: {  	v51 =	vadd.s32 $0x4080, v17;
	v32 =	vld.idx.msk [tilespmem:v60+s18+$0x0], $0xffff  }
0x1c5: {  	s5 =	sor.u32 $0x14000, s31;
	v31 =	vld.idx.msk [tilespmem:v63+s18+$0x0], $0xffff;
	v34 =	vadd.f32 v49, v7  }
0x1c6: {  	v29 =	vadd.s32 $0x4080, v24;
	s10 =	sor.u32 s30, s5;
	v36 =	vld.idx.msk [tilespmem:v46+s18+$0x0], $0xffff  }
0x1c7: {  	v43 =	vadd.s32 $0x4100, v8;
	v7 =	vld [tilespmem:s2+$0x4000];
	[tilespmem:s10+$0x0] =	vst v34  }
0x1c8: {  	v53 =	vadd.s32 $0x4080, v28;
	v34 =	vld.idx.msk [tilespmem:v50+s18+$0x0], $0xffff  }
0x1c9: {  	v55 =	vadd.s32 $0x4100, v9;
	v32 =	vmul.f32 v32, v4;
	v39 =	vmul.f32 v48, v5;
	v54 =	vld.idx.msk [tilespmem:v51+s18+$0x0], $0xffff  }
0x1ca: {  	v30 =	vld.idx.msk [tilespmem:v30+s18+$0x0], $0xffff;
	v13 =	vmul.f32 v38, v13  }
0x1cb: {  	s19 =	simm.s32 $0x40;
	v14 =	vmul.f32 v33, v14;
	v31 =	vmul.f32 v31, v6;
	v29 =	vld.idx.msk [tilespmem:v29+s18+$0x0], $0xffff;
	v21 =	vadd.f32 v39, v32  }
0x1cc: {  	s3 =	simm.s32 $0x100;
	s0 =	sand.u32 $0x60, s19;
	v43 =	vld.idx.msk [tilespmem:v43+s18+$0x0], $0xffff;
	v57 =	vadd.s32 $0x4080, v19;
	v44 =	vadd.s32 $0x4080, v22;
	v12 =	vmul.f32 v41, v12  }
0x1cd: {  	s1 =	sor.u32 $0x10, s0;
	v13 =	vadd.f32 v14, v13;
	s2 =	sand.u32 $0x3E00, s3;
	v35 =	vld.idx.msk [tilespmem:v53+s18+$0x0], $0xffff;
	v36 =	vmul.f32 v36, v7;
	v21 =	vadd.f32 v31, v21  }
0x1ce: {  	v37 =	vld.idx.msk [tilespmem:v55+s18+$0x0], $0xffff;
	s10 =	sor.u32 s2, s1;
	v31 =	vadd.s32 $0x4080, v20;
	v34 =	vmul.f32 v34, v18;
	v32 =	vmul.f32 v54, v26  }
0x1cf: {  	v10 =	vmul.f32 v30, v10;
	v12 =	vadd.f32 v12, v13;
	v63 =	vld [tilespmem:s10+$0x100];
	v21 =	vadd.f32 v36, v21  }
0x1d0: {  	s14 =	sor.u32 s15, s5;
	v58 =	vadd.s32 $0x4080, v27;
	v14 =	vld [tilespmem:s10+$0x80];
	v29 =	vmul.f32 v29, v23;
	v32 =	vadd.f32 v32, v34  }
0x1d1: {  	v33 =	vadd.f32 v10, v12;
	v10 =	vld [tilespmem:s10+$0x4080];
	[tilespmem:s14+$0x0] =	vst v21  }
0x1d2: {  	v61 =	vadd.s32 $0x4100, v16;
	v60 =	vmul.f32 v35, v25;
	v21 =	vld.idx.msk [tilespmem:v57+s18+$0x0], $0xffff;
	v29 =	vadd.f32 v29, v32  }
0x1d3: {  	v62 =	vadd.s32 $0x4100, v17;
	v31 =	vld.idx.msk [tilespmem:v31+s18+$0x0], $0xffff  }
0x1d4: {  	s4 =	sor.u32 $0x14080, s31;
	v48 =	vadd.s32 $0x4100, v24;
	v59 =	vld.idx.msk [tilespmem:v44+s18+$0x0], $0xffff;
	v32 =	vadd.f32 v60, v29  }
0x1d5: {  	v49 =	vadd.s32 $0x4100, v28;
	s14 =	sor.u32 s30, s4;
	v36 =	vld.idx.msk [tilespmem:v58+s18+$0x0], $0xffff  }
0x1d6: {  	s5 =	simm.s32 $0x2;
	v29 =	vadd.s32 $0x4180, v15;
	v15 =	vld [tilespmem:s10+$0x0];
	[tilespmem:s14+$0x0] =	vst v32  }
0x1d7: {  	s26 =	sand.u32 $0x3, s5;
	v30 =	vmul.f32 v43, v2;
	v13 =	vadd.s32 $0x4180, v9;
	v37 =	vmul.f32 v37, v3;
	v35 =	vld.idx.msk [tilespmem:v61+s18+$0x0], $0xffff  }
0x1d8: {  	s26 =	sshll.u32 s26, $0x5;
	v28 =	vadd.s32 $0x4180, v28;
	v21 =	vmul.f32 v21, v4;
	v31 =	vmul.f32 v31, v5;
	v38 =	vld.idx.msk [tilespmem:v62+s18+$0x0], $0xffff  }
0x1d9: {  	v50 =	vmul.f32 v42, v0;
	v32 =	vadd.s32 $0x4180, v11;
	v11 =	vmul.f32 v56, v1;
	s14 =	sadd.s32 $0x100, s26;
	v51 =	vld.idx.msk [tilespmem:v48+s18+$0x0], $0xffff  }
0x1da: {  	v52 =	vand.u32 $0x7F, v63;
	v53 =	vand.u32 $0x7F, v14;
	s19 =	sadd.s32 $0x10, s14;
	v31 =	vadd.f32 v31, v21;
	v21 =	vld.idx.msk [tilespmem:v49+s18+$0x0], $0xffff  }
0x1db: {  	v14 =	vshll.u32 v14, $0x2;
	v39 =	vadd.f32 v50, v11;
	s26 =	sor.u32 $0x180, s19;
	v11 =	vadd.s32 $0x4180, v8;
	v8 =	vld [tilespmem:s10+$0x4100]  }
0x1dc: {  	v54 =	vand.u32 $0xFFFFFE00, v14;
	v60 =	vadd.s32 $0x4180, v17;
	v34 =	vmul.f32 v59, v6;
	s19 =	sor.u32 s0, s2;
	v12 =	vld [tilespmem:s26+$0x0]  }
0x1dd: {  	v36 =	vmul.f32 v36, v7;
	v48 =	vadd.s32 $0x4180, v16;
	v9 =	vshll.u32 v15, $0x2;
	v45 =	vld [tilespmem:s19+$0x0]  }
0x1de: {  	v55 =	vld [tilespmem:s19+$0x80];
	v39 =	vadd.f32 v30, v39;
	v30 =	vand.u32 $0x7F, v15;
	v15 =	vand.u32 $0xFFFFFE00, v9  }
0x1df: {  	v61 =	vadd.s32 $0x4180, v24;
	v58 =	vld [tilespmem:s19+$0x100];
	v31 =	vadd.f32 v34, v31;
	v14 =	vor.u32 v30, v15  }
0x1e0: {  	v24 =	vld [tilespmem:s19+$0x4100];
	v15 =	vor.u32 v53, v54;
	v30 =	vshll.u32 v63, $0x2;
	v35 =	vmul.f32 v35, v18  }
0x1e1: {  	v9 =	vld [tilespmem:s10+$0x4000];
	s10 =	sor.u32 $0x180, s14;
	v38 =	vmul.f32 v38, v26;
	v56 =	vadd.s32 $0x4000, v14;
	v57 =	vmul.f32 v51, v23  }
0x1e2: {  	v47 =	vld [tilespmem:s10+$0x0];
	v44 =	vadd.s32 $0x4000, v15;
	v30 =	vand.u32 $0xFFFFFE00, v30;
	v31 =	vadd.f32 v36, v31  }
0x1e3: {  	v59 =	vmul.f32 v21, v25;
	v21 =	vld [tilespmem:s19+$0x4000];
	v16 =	vor.u32 v52, v30;
	v35 =	vadd.f32 v38, v35  }
0x1e4: {  	s4 =	sor.u32 s15, s4;
	v46 =	vand.u32 $0x7F, v12;
	v30 =	vshll.u32 v12, $0x2;
	v12 =	vld [tilespmem:s26+$0x4000];
	v49 =	vadd.s32 $0x4000, v16  }
0x1e5: {  	[tilespmem:s4+$0x0] =	vst v31;
	v31 =	vld [tilespmem:s10+$0x4000];
	v17 =	vand.u32 $0xFFFFFE00, v30;
	v30 =	vshll.u32 v45, $0x2;
	v35 =	vadd.f32 v57, v35  }
0x1e6: {  	v50 =	vshll.u32 v55, $0x2;
	v40 =	vand.u32 $0x7F, v55;
	v62 =	vand.u32 $0xFFFFFE00, v30;
	v30 =	vld [tilespmem:s19+$0x4080]  }
0x1e7: {  	s14 =	sor.u32 $0x14100, s31;
	v50 =	vand.u32 $0xFFFFFE00, v50;
	v17 =	vor.u32 v46, v17;
	v38 =	vld.idx.msk [tilespmem:v56+s18+$0x0], $0xffff;
	v35 =	vadd.f32 v59, v35  }
0x1e8: {  	s26 =	sor.u32 s30, s14;
	v45 =	vand.u32 $0x7F, v45;
	v40 =	vor.u32 v40, v50;
	v51 =	vadd.s32 $0x4000, v17;
	v63 =	vld.idx.msk [tilespmem:v44+s18+$0x0], $0xffff  }
0x1e9: {  	v44 =	vor.u32 v45, v62;
	v56 =	vshll.u32 v58, $0x2;
	v50 =	vadd.s32 $0x4000, v40;
	v49 =	vld.idx.msk [tilespmem:v49+s18+$0x0], $0xffff;
	[tilespmem:s26+$0x0] =	vst v35  }
0x1ea: {  	v42 =	vand.u32 $0x7F, v58;
	v57 =	vadd.s32 $0x4000, v44;
	v45 =	vand.u32 $0xFFFFFE00, v56;
	v46 =	vld.idx.msk [tilespmem:v48+s18+$0x0], $0xffff  }
0x1eb: {  	v37 =	vadd.f32 v37, v39;
	v52 =	vshll.u32 v47, $0x2;
	v42 =	vor.u32 v42, v45;
	v41 =	vld.idx.msk [tilespmem:v60+s18+$0x0], $0xffff  }
0x1ec: {  	v58 =	vand.u32 $0x7F, v47;
	v59 =	vand.u32 $0xFFFFFE00, v52;
	v43 =	vld.idx.msk [tilespmem:v61+s18+$0x0], $0xffff;
	v60 =	vadd.s32 $0x4000, v42  }
0x1ed: {  	v53 =	vadd.s32 $0x4080, v15;
	v62 =	vadd.s32 $0x4100, v19;
	v45 =	vor.u32 v58, v59;
	v61 =	vld.idx.msk [tilespmem:v51+s18+$0x0], $0xffff  }
0x1ee: {  	s19 =	sor.u32 s8, s25;
	v47 =	vadd.s32 $0x4000, v45;
	v38 =	vmul.f32 v38, v9;
	v35 =	vmul.f32 v63, v10;
	v50 =	vld.idx.msk [tilespmem:v50+s18+$0x0], $0xffff  }
0x1ef: {  	v19 =	vadd.s32 $0x4180, v19;
	[tilespmem:s19+$0x0] =	vst v37;
	v59 =	vadd.s32 $0x4080, v14;
	v63 =	vadd.s32 $0x4100, v20;
	v56 =	vld.idx.msk [tilespmem:v57+s18+$0x0], $0xffff  }
0x1f0: {  	v37 =	vld.idx.msk [tilespmem:v29+s18+$0x0], $0xffff;
	v36 =	vadd.s32 $0x4080, v45;
	v35 =	vadd.f32 v35, v38;
	v58 =	vmul.f32 v49, v8  }
0x1f1: {  	v29 =	vadd.s32 $0x4100, v42;
	v20 =	vadd.s32 $0x4180, v20;
	v57 =	vadd.s32 $0x4100, v22;
	v52 =	vld.idx.msk [tilespmem:v60+s18+$0x0], $0xffff  }
0x1f2: {  	v28 =	vld.idx.msk [tilespmem:v28+s18+$0x0], $0xffff;
	v49 =	vadd.s32 $0x4100, v27;
	v35 =	vadd.f32 v58, v35;
	v34 =	vmul.f32 v61, v12  }
0x1f3: {  	v38 =	vld.idx.msk [tilespmem:v47+s18+$0x0], $0xffff;
	v46 =	vmul.f32 v46, v18;
	v18 =	vadd.s32 $0x4180, v27;
	v26 =	vmul.f32 v41, v26  }
0x1f4: {  	s4 =	sor.u32 $0x14000, s2;
	v61 =	vmul.f32 v50, v30;
	v39 =	vld.idx.msk [tilespmem:v63+s18+$0x0], $0xffff;
	v60 =	vmul.f32 v56, v21;
	v27 =	vadd.f32 v34, v35  }
0x1f5: {  	s26 =	sor.u32 s1, s4;
	v51 =	vadd.s32 $0x4080, v40;
	v46 =	vadd.f32 v26, v46;
	v34 =	vld.idx.msk [tilespmem:v62+s18+$0x0], $0xffff;
	v62 =	vadd.s32 $0x4080, v16  }
0x1f6: {  	v22 =	vadd.s32 $0x4180, v22;
	v48 =	vld.idx.msk [tilespmem:v57+s18+$0x0], $0xffff;
	v26 =	vadd.f32 v61, v60;
	[tilespmem:s26+$0x0] =	vst v27;
	v27 =	vmul.f32 v52, v24  }
0x1f7: {  	v23 =	vmul.f32 v43, v23;
	v25 =	vmul.f32 v28, v25;
	v63 =	vadd.s32 $0x4080, v17;
	v35 =	vld.idx.msk [tilespmem:v59+s18+$0x0], $0xffff  }
0x1f8: {  	v50 =	vadd.s32 $0x4080, v44;
	v38 =	vmul.f32 v38, v31;
	v57 =	vld.idx.msk [tilespmem:v53+s18+$0x0], $0xffff;
	v58 =	vadd.f32 v27, v26  }
0x1f9: {  	v28 =	vadd.s32 $0x4100, v45;
	v56 =	vadd.s32 $0x4080, v42;
	v49 =	vld.idx.msk [tilespmem:v49+s18+$0x0], $0xffff;
	v23 =	vadd.f32 v23, v46  }
0x1fa: {  	v39 =	vmul.f32 v39, v5;
	v59 =	vld.idx.msk [tilespmem:v62+s18+$0x0], $0xffff;
	v34 =	vmul.f32 v34, v4;
	v38 =	vadd.f32 v38, v58  }
0x1fb: {  	v32 =	vld.idx.msk [tilespmem:v32+s18+$0x0], $0xffff;
	s4 =	sor.u32 s0, s4;
	v60 =	vadd.f32 v25, v23;
	v23 =	vadd.s32 $0x4180, v44;
	v25 =	vadd.s32 $0x4180, v40  }
0x1fc: {  	s25 =	sor.u32 $0x14180, s13;
	v41 =	vld.idx.msk [tilespmem:v63+s18+$0x0], $0xffff;
	v26 =	vadd.s32 $0x4100, v44;
	v61 =	vmul.f32 v48, v6;
	v62 =	vadd.f32 v39, v34;
	[tilespmem:s4+$0x0] =	vst v38  }
0x1fd: {  	s7 =	sor.u32 s7, s25;
	s26 =	sor.u32 $0x14180, s31;
	v27 =	vadd.s32 $0x4100, v40;
	v63 =	vmul.f32 v35, v9;
	v43 =	vmul.f32 v57, v10;
	v40 =	vld.idx.msk [tilespmem:v50+s18+$0x0], $0xffff  }
0x1fe: {  	s13 =	simm.s32 $0x4;
	[tilespmem:s7+$0x0] =	vst v33;
	s7 =	sor.u32 s8, s25;
	s31 =	sor.u32 s30, s26;
	v34 =	vadd.s32 $0x4180, v42;
	v38 =	vmul.f32 v49, v7;
	v42 =	vld.idx.msk [tilespmem:v51+s18+$0x0], $0xffff;
	v33 =	vadd.f32 v61, v62  }
0x1ff: {  	s25 =	sor.u32 s15, s14;
	s8 =	sor.u32 s15, s26;
	s15 =	simm.s32 $0x60;
	[tilespmem:s31+$0x0] =	vst v60;
	v35 =	vadd.s32 $0x4180, v45;
	v39 =	vld.idx.msk [tilespmem:v56+s18+$0x0], $0xffff;
	v43 =	vadd.f32 v43, v63;
	v44 =	vmul.f32 v59, v8  }
.LBB2_9:
0x200: {  	s30 =	sand.u32 $0x60, s15;
	v36 =	vld.idx.msk [tilespmem:v36+s18+$0x0], $0xffff;
	s3 =	sadd.s32 $0x80, s3;
	v33 =	vadd.f32 v38, v33;
	v37 =	vmul.f32 v37, v1;
	v1 =	vmovc v4;
	v4 =	vmov v21  }
0x201: {  	v38 =	vmul.f32 v41, v12;
	v41 =	vadd.s32 $0x4100, v14;
	s31 =	sand.u32 $0x3E00, s3;
	s14 =	sor.u32 $0x10, s30;
	v21 =	vadd.f32 v44, v43;
	v43 =	vld.idx.msk [tilespmem:v11+s18+$0x0], $0xffff;
	v11 =	vmovc v22  }
0x202: {  	v44 =	vadd.s32 $0x4100, v15;
	v32 =	vmul.f32 v32, v0;
	v0 =	vmovc v5;
	v5 =	vmov v30;
	s26 =	sor.u32 s30, s31;
	s10 =	sor.u32 s31, s14;
	[tilespmem:s25+$0x0] =	vst v33;
	v33 =	vld.idx.msk [tilespmem:v13+s18+$0x0], $0xffff  }
0x203: {  	s4 =	sor.u32 $0x14080, s2;
	v22 =	vmovc v34;
	v40 =	vmul.f32 v40, v4;
	v13 =	vmovc v18;
	v18 =	vmov v35;
	v30 =	vld [tilespmem:s10+$0x100];
	v21 =	vadd.f32 v38, v21  }
0x204: {  	s5 =	sadd.s32 $0x1, s5;
	s19 =	sor.u32 s0, s4;
	s4 =	sor.u32 s1, s4;
	v35 =	vmul.f32 v42, v5;
	v38 =	vadd.s32 $0x4100, v16;
	v37 =	vadd.f32 v32, v37;
	v34 =	vld [tilespmem:s10+$0x0]  }
0x205: {  	s25 =	sand.u32 $0x3, s5;
	v32 =	vmul.f32 v39, v24;
	v42 =	vld [tilespmem:s10+$0x80];
	[tilespmem:s4+$0x0] =	vst v21  }
0x206: {  	v39 =	vadd.s32 $0x4100, v17;
	s4 =	sshll.u32 s25, $0x5;
	v21 =	vadd.f32 v35, v40;
	v35 =	vmul.f32 v36, v31;
	v36 =	vld.idx.msk [tilespmem:v41+s18+$0x0], $0xffff  }
0x207: {  	s25 =	sadd.s32 s4, s3;
	v41 =	vmul.f32 v43, v2;
	v2 =	vmov v6;
	v6 =	vmov v24;
	v40 =	vld.idx.msk [tilespmem:v44+s18+$0x0], $0xffff  }
0x208: {  	s4 =	sor.u32 $0x180, s25;
	s25 =	sadd.s32 $0x10, s25;
	v21 =	vadd.f32 v32, v21;
	v32 =	vmul.f32 v33, v3;
	v3 =	vmovc v7;
	v7 =	vmov v31;
	v24 =	vld [tilespmem:s26+$0x0]  }
0x209: {  	s25 =	sor.u32 $0x180, s25;
	v33 =	vadd.f32 v41, v37;
	v31 =	vld.idx.msk [tilespmem:v38+s18+$0x0], $0xffff  }
0x20a: {  	s13 =	sadd.s32 $0x2, s13;
	v21 =	vadd.f32 v35, v21;
	v37 =	vld [tilespmem:s25+$0x0]  }
0x20b: {  	p0 =	slt.u32 s13, $0xFE;
	v35 =	vand.u32 $0x7F, v34;
	v34 =	vshll.u32 v34, $0x2;
	v38 =	vand.u32 $0x7F, v30;
	v39 =	vld.idx.msk [tilespmem:v39+s18+$0x0], $0xffff  }
0x20c: {  	v34 =	vand.u32 $0xFFFFFE00, v34;
	v43 =	vand.u32 $0x7F, v42;
	v42 =	vshll.u32 v42, $0x2;
	v41 =	vld [tilespmem:s26+$0x80];
	[tilespmem:s19+$0x0] =	vst v21  }
0x20d: {  	v36 =	vmul.f32 v36, v9;
	v21 =	vand.u32 $0xFFFFFE00, v42;
	v40 =	vmul.f32 v40, v10;
	v44 =	vld [tilespmem:s26+$0x100]  }
0x20e: {  	v30 =	vshll.u32 v30, $0x2;
	v34 =	vor.u32 v35, v34;
	v35 =	vor.u32 v43, v21;
	v42 =	vld [tilespmem:s4+$0x0]  }
0x20f: {  	v43 =	vadd.s32 $0x4000, v34;
	v36 =	vadd.f32 v40, v36;
	v31 =	vmul.f32 v31, v8;
	v21 =	vld [tilespmem:s26+$0x4000]  }
0x210: {  	v30 =	vand.u32 $0xFFFFFE00, v30;
	v45 =	vadd.s32 $0x4000, v35;
	v46 =	vand.u32 $0x7F, v37;
	v40 =	vld [tilespmem:s10+$0x4100]  }
0x211: {  	v31 =	vadd.f32 v31, v36;
	v36 =	vmul.f32 v39, v12;
	v39 =	vadd.s32 $0x4180, v14;
	v14 =	vmovc v34;
	v47 =	vld [tilespmem:s10+$0x4000]  }
0x212: {  	v30 =	vor.u32 v38, v30;
	v38 =	vadd.s32 $0x4180, v15;
	v15 =	vmovc v35;
	v37 =	vshll.u32 v37, $0x2;
	v34 =	vld [tilespmem:s10+$0x4080]  }
0x213: {  	v48 =	vadd.s32 $0x4000, v30;
	v37 =	vand.u32 $0xFFFFFE00, v37;
	s10 =	sor.u32 $0x14100, s2;
	v31 =	vadd.f32 v36, v31;
	v35 =	vld [tilespmem:s25+$0x4000]  }
0x214: {  	v37 =	vor.u32 v46, v37;
	v46 =	vadd.s32 $0x4180, v16;
	v16 =	vmovc v30;
	v36 =	vshll.u32 v24, $0x2;
	s25 =	sor.u32 s0, s10;
	s10 =	sor.u32 s1, s10;
	v43 =	vld.idx.msk [tilespmem:v43+s18+$0x0], $0xffff  }
0x215: {  	v49 =	vadd.s32 $0x4000, v37;
	v30 =	vand.u32 $0xFFFFFE00, v36;
	v36 =	vshll.u32 v41, $0x2;
	v45 =	vld.idx.msk [tilespmem:v45+s18+$0x0], $0xffff;
	[tilespmem:s10+$0x0] =	vst v31  }
0x216: {  	v24 =	vand.u32 $0x7F, v24;
	v31 =	vand.u32 $0xFFFFFE00, v36;
	v36 =	vld.idx.msk [tilespmem:v39+s18+$0x0], $0xffff;
	v39 =	vadd.s32 $0x4180, v17;
	v17 =	vmovc v37  }
0x217: {  	v37 =	vor.u32 v24, v30;
	v24 =	vand.u32 $0x7F, v41;
	v30 =	vshll.u32 v44, $0x2;
	v38 =	vld.idx.msk [tilespmem:v38+s18+$0x0], $0xffff  }
0x218: {  	v41 =	vadd.s32 $0x4000, v37;
	v50 =	vor.u32 v24, v31;
	v24 =	vand.u32 $0xFFFFFE00, v30;
	v31 =	vld.idx.msk [tilespmem:v48+s18+$0x0], $0xffff  }
0x219: {  	v30 =	vand.u32 $0x7F, v44;
	v44 =	vshll.u32 v42, $0x2;
	v48 =	vadd.s32 $0x4000, v50;
	v46 =	vld.idx.msk [tilespmem:v46+s18+$0x0], $0xffff  }
0x21a: {  	v51 =	vor.u32 v30, v24;
	v24 =	vand.u32 $0x7F, v42;
	v30 =	vand.u32 $0xFFFFFE00, v44;
	v42 =	vld.idx.msk [tilespmem:v49+s18+$0x0], $0xffff  }
0x21b: {  	v52 =	vadd.s32 $0x4080, v37;
	v44 =	vadd.s32 $0x4000, v51;
	v49 =	vor.u32 v24, v30;
	v39 =	vld.idx.msk [tilespmem:v39+s18+$0x0], $0xffff  }
0x21c: {  	v24 =	vmul.f32 v43, v47;
	v43 =	vmul.f32 v45, v34;
	v53 =	vadd.s32 $0x4000, v49;
	v30 =	vld [tilespmem:s26+$0x4080]  }
0x21d: {  	v45 =	vadd.s32 $0x4080, v50;
	v54 =	vmul.f32 v36, v9;
	v9 =	vmovc v47;
	v38 =	vmul.f32 v38, v10;
	v41 =	vld.idx.msk [tilespmem:v41+s18+$0x0], $0xffff  }
0x21e: {  	v43 =	vadd.f32 v43, v24;
	v10 =	vmovc v34;
	v31 =	vmul.f32 v31, v40;
	v47 =	vld.idx.msk [tilespmem:v48+s18+$0x0], $0xffff;
	v48 =	vadd.s32 $0x4080, v51  }
0x21f: {  	v36 =	vadd.s32 $0x4080, v49;
	v34 =	vadd.f32 v38, v54;
	v38 =	vmul.f32 v46, v8;
	v8 =	vmovc v40;
	v24 =	vld [tilespmem:s26+$0x4100]  }
0x220: {  	v43 =	vadd.f32 v31, v43;
	v42 =	vmul.f32 v42, v35;
	v40 =	vld.idx.msk [tilespmem:v44+s18+$0x0], $0xffff;
	v44 =	vadd.s32 $0x4100, v37  }
0x221: {  	v34 =	vadd.f32 v38, v34;
	v38 =	vmul.f32 v39, v12;
	v12 =	vmovc v35;
	v46 =	vld.idx.msk [tilespmem:v53+s18+$0x0], $0xffff;
	v53 =	vadd.s32 $0x4080, v14  }
0x222: {  	v35 =	vadd.s32 $0x4100, v50;
	v39 =	vadd.f32 v42, v43;
	v42 =	vadd.s32 $0x4080, v15;
	v31 =	vld [tilespmem:s4+$0x4000];
	s4 =	sor.u32 $0x14000, s31  }
0x223: {  	s2 =	sor.u32 $0x14180, s2;
	v43 =	vadd.s32 $0x4100, v51;
	v41 =	vmul.f32 v41, v21;
	v38 =	vadd.f32 v38, v34;
	s10 =	sor.u32 s30, s4;
	s4 =	sor.u32 s14, s4;
	v54 =	vld.idx.msk [tilespmem:v26+s18+$0x0], $0xffff;
	v26 =	vmovc v44  }
0x224: {  	s1 =	sor.u32 s1, s2;
	v44 =	vmul.f32 v47, v30;
	v47 =	vadd.s32 $0x4100, v49;
	[tilespmem:s4+$0x0] =	vst v39;
	v39 =	vadd.s32 $0x4080, v16;
	v55 =	vld.idx.msk [tilespmem:v27+s18+$0x0], $0xffff;
	s4 =	sor.u32 s0, s2;
	v27 =	vmovc v35;
	s0 =	smov.u32 s30  }
0x225: {  	v56 =	vadd.s32 $0x4180, v37;
	v50 =	vadd.s32 $0x4180, v50;
	v34 =	vadd.s32 $0x4180, v51;
	s2 =	smov.u32 s31;
	v51 =	vld.idx.msk [tilespmem:v29+s18+$0x0], $0xffff;
	[tilespmem:s1+$0x0] =	vst v38;
	v29 =	vmovc v43;
	s1 =	smov.u32 s14  }
0x226: {  	v37 =	vadd.f32 v44, v41;
	v38 =	vmul.f32 v40, v24;
	v40 =	vadd.s32 $0x4080, v17;
	v43 =	vld.idx.msk [tilespmem:v53+s18+$0x0], $0xffff  }
0x227: {  	v32 =	vadd.f32 v32, v33;
	v35 =	vadd.s32 $0x4180, v49;
	v41 =	vmul.f32 v46, v31;
	v42 =	vld.idx.msk [tilespmem:v42+s18+$0x0], $0xffff  }
0x228: {  	v33 =	vadd.f32 v38, v37;
	v38 =	vld.idx.msk [tilespmem:v28+s18+$0x0], $0xffff;
	v28 =	vmov v47  }
0x229: {  	v44 =	vld.idx.msk [tilespmem:v39+s18+$0x0], $0xffff;
	v39 =	vmul.f32 v54, v4;
	[tilespmem:s7+$0x0] =	vst v32;
	s7 =	smov.u32 s8;
	s8 =	smov.u32 s4  }
0x22a: {  	v32 =	vadd.f32 v41, v33;
	v33 =	vmul.f32 v55, v5;
	v37 =	vld.idx.msk [tilespmem:v19+s18+$0x0], $0xffff;
	v19 =	vmovc v23;
	v23 =	vmov v56  }
.Ltmp6:
0x22b: {  	v46 =	vmul.f32 v51, v6;
	v41 =	vld.idx.msk [tilespmem:v40+s18+$0x0], $0xffff;
	(pc) =	sbr.rel @p0 .LBB2_9-.Ltmp6, $4  }
0x22c: {  	v33 =	vadd.f32 v33, v39;
	[tilespmem:s10+$0x0] =	vst v32;
	v32 =	vld.idx.msk [tilespmem:v20+s18+$0x0], $0xffff;
	v20 =	vmov v25;
	v25 =	vmov v50  }
0x22d: {  	v43 =	vmul.f32 v43, v9;
	v47 =	vmul.f32 v42, v10;
	v40 =	vld.idx.msk [tilespmem:v52+s18+$0x0], $0xffff  }
0x22e: {  	v33 =	vadd.f32 v46, v33;
	v38 =	vmul.f32 v38, v7;
	v42 =	vld.idx.msk [tilespmem:v45+s18+$0x0], $0xffff  }
0x22f: {  	s15 =	sadd.s32 $0x20, s15;
	v43 =	vadd.f32 v47, v43;
	v44 =	vmul.f32 v44, v8;
	v39 =	vld.idx.msk [tilespmem:v48+s18+$0x0], $0xffff  }
0x230: {  	_ =	sdelay $0x3  }
0x231: {  	v36 =	vld.idx.msk [tilespmem:v36+s18+$0x0], $0xffff  }
0x232: {  	v40 =	vmul.f32 v40, v21;
	v42 =	vmul.f32 v42, v30  }
0x233: {  	v41 =	vmul.f32 v41, v12;
	v56 =	vadd.s32 $0x4100, v14;
	v43 =	vadd.f32 v44, v43  }
0x234: {  	v45 =	vadd.s32 $0x4100, v15;
	v39 =	vmul.f32 v39, v24;
	v40 =	vadd.f32 v42, v40  }
0x235: {  	s3 =	sor.u32 $0x14080, s2;
	v57 =	vadd.s32 $0x4100, v16;
	v41 =	vadd.f32 v41, v43  }
0x236: {  	s4 =	sor.u32 s1, s3;
	v36 =	vmul.f32 v36, v31;
	v39 =	vadd.f32 v39, v40  }
0x237: {  	[tilespmem:s4+$0x0] =	vst v41  }
0x238: {  	v58 =	vadd.s32 $0x4100, v17;
	v41 =	vld.idx.msk [tilespmem:v56+s18+$0x0], $0xffff;
	v36 =	vadd.f32 v36, v39  }
0x239: {  	s3 =	sor.u32 s0, s3;
	v59 =	vld.idx.msk [tilespmem:v45+s18+$0x0], $0xffff  }
0x23a: {  	v60 =	vld.idx.msk [tilespmem:v57+s18+$0x0], $0xffff;
	[tilespmem:s3+$0x0] =	vst v36  }
0x23b: {  	v26 =	vld.idx.msk [tilespmem:v26+s18+$0x0], $0xffff  }
0x23c: {  	v27 =	vld.idx.msk [tilespmem:v27+s18+$0x0], $0xffff  }
0x23d: {  	v61 =	vld.idx.msk [tilespmem:v58+s18+$0x0], $0xffff  }
0x23e: {  	v29 =	vld.idx.msk [tilespmem:v29+s18+$0x0], $0xffff  }
0x23f: {  	v62 =	vmul.f32 v41, v9;
	v63 =	vmul.f32 v59, v10  }
0x240: {  	v46 =	vadd.f32 v38, v33;
	v40 =	vmul.f32 v60, v8;
	v28 =	vld.idx.msk [tilespmem:v28+s18+$0x0], $0xffff  }
0x241: {  	v11 =	vld.idx.msk [tilespmem:v11+s18+$0x0], $0xffff;
	v36 =	vadd.f32 v63, v62;
	v26 =	vmul.f32 v26, v21;
	v27 =	vmul.f32 v27, v30  }
0x242: {  	v13 =	vld.idx.msk [tilespmem:v13+s18+$0x0], $0xffff;
	v42 =	vadd.s32 $0x4180, v14;
	v39 =	vmul.f32 v61, v12  }
0x243: {  	[tilespmem:s25+$0x0] =	vst v46;
	v36 =	vadd.f32 v40, v36;
	v29 =	vmul.f32 v29, v24;
	v26 =	vadd.f32 v27, v26  }
0x244: {  	v43 =	vadd.s32 $0x4180, v15;
	v19 =	vld.idx.msk [tilespmem:v19+s18+$0x0], $0xffff  }
0x245: {  	s14 =	sor.u32 $0x14100, s2;
	v20 =	vld.idx.msk [tilespmem:v20+s18+$0x0], $0xffff;
	v36 =	vadd.f32 v39, v36;
	v28 =	vmul.f32 v28, v31;
	v26 =	vadd.f32 v29, v26  }
0x246: {  	s15 =	sor.u32 s1, s14;
	v49 =	vld.idx.msk [tilespmem:v22+s18+$0x0], $0xffff  }
0x247: {  	v44 =	vadd.s32 $0x4180, v16;
	v52 =	vld.idx.msk [tilespmem:v18+s18+$0x0], $0xffff;
	[tilespmem:s15+$0x0] =	vst v36;
	v26 =	vadd.f32 v28, v26  }
0x248: {  	s3 =	sor.u32 s0, s14;
	v14 =	vld.idx.msk [tilespmem:v42+s18+$0x0], $0xffff  }
0x249: {  	v45 =	vadd.s32 $0x4180, v17;
	v15 =	vld.idx.msk [tilespmem:v43+s18+$0x0], $0xffff;
	[tilespmem:s3+$0x0] =	vst v26  }
0x24a: {  	v23 =	vld.idx.msk [tilespmem:v23+s18+$0x0], $0xffff  }
0x24b: {  	v1 =	vmul.f32 v37, v1;
	v0 =	vmul.f32 v32, v0;
	v25 =	vld.idx.msk [tilespmem:v25+s18+$0x0], $0xffff  }
0x24c: {  	v2 =	vmul.f32 v11, v2;
	v16 =	vld.idx.msk [tilespmem:v44+s18+$0x0], $0xffff  }
0x24d: {  	v0 =	vadd.f32 v0, v1;
	v3 =	vmul.f32 v13, v3;
	v53 =	vmul.f32 v19, v4;
	v50 =	vld.idx.msk [tilespmem:v34+s18+$0x0], $0xffff  }
0x24e: {  	v54 =	vmul.f32 v20, v5;
	v59 =	vmul.f32 v49, v6;
	v17 =	vld.idx.msk [tilespmem:v45+s18+$0x0], $0xffff  }
0x24f: {  	v0 =	vadd.f32 v2, v0;
	v47 =	vmul.f32 v14, v9;
	v48 =	vmul.f32 v15, v10;
	v55 =	vld.idx.msk [tilespmem:v35+s18+$0x0], $0xffff  }
0x250: {  	v1 =	vadd.f32 v54, v53;
	v56 =	vmul.f32 v23, v21;
	v57 =	vmul.f32 v25, v30  }
0x251: {  	v7 =	vmul.f32 v52, v7;
	v51 =	vmul.f32 v16, v8;
	v9 =	vadd.f32 v48, v47  }
0x252: {  	v1 =	vadd.f32 v59, v1;
	v61 =	vmul.f32 v50, v24;
	v60 =	vadd.f32 v57, v56  }
0x253: {  	v0 =	vadd.f32 v3, v0;
	v58 =	vmul.f32 v17, v12;
	v8 =	vadd.f32 v51, v9  }
0x254: {  	p0 =	seq.s32 s28, $0x7;
	v1 =	vadd.f32 v7, v1;
	v62 =	vmul.f32 v55, v31;
	v2 =	vadd.f32 v61, v60  }
.Ltmp7:
0x255: {  	s19 =	sor.u32 $0x14180, s2;
	[tilespmem:s7+$0x0] =	vst v0;
	v8 =	vadd.f32 v58, v8;
	(pc) =	sbr.rel @p0 .LBB2_12-.Ltmp7, $4  }
0x256: {  	s25 =	sor.u32 s1, s19;
	[tilespmem:s8+$0x0] =	vst v1;
	v63 =	vadd.f32 v62, v2  }
0x257: {  	s30 =	sor.u32 s29, s6;
	s26 =	sor.u32 s0, s19;
	[tilespmem:s25+$0x0] =	vst v8  }
0x258: {  	s31 =	sadd.s32 s30, s11;
	[tilespmem:s26+$0x0] =	vst v63  }
0x259: {  	[hbm4b:s31+s16] =	stream.strided.scatter [tilespmem:s24], [sflag:$0x4], $0x4000, s17, s16, $0x38;
	[tilespmem:$0x18000] =	vst v63  }
.Ltmp8:
0x25a: {  	(pc) =	sbr.rel .LBB2_2-.Ltmp8, $3  }
0x25b: {  	_ =	sdelay $0x1  }
0x25c: {  	s0 =	sadd.s32 s29, s12;
	s1 =	simm.s32 $0xC000;
	s28 =	sadd.s32 $0x1, s28  }
0x25d: {  	[tilespmem:s1], [sflag:$0x2] =	stream.strided.gather [hbm4b:s0+s16], $0x4000, s17, s16, $0x38;
	[tilespmem:$0x18000] =	vst v63  }
.LBB2_13:
0x25e: {  	_ =	sfence.sel $0x180000  }
0x25f: {  	[bflag:$0x0] =	sbarrier.arrive $0xFFFF  }
0x260: {  	_ =	strace $0x9000004A  }
0x261: {  	s0 =	stileid.u32;
	[bflag:$0x2] =	sbarrier.arrive $0xFFFF  }
0x262: {  	p0 =	sne.s32 s0, $0x0;
	s0 =	rddreg [dreg:$0x4]  }
0x263: {  	s0 =	sadd.s32 @!p0 $0x100000, s0  }
0x264: {  	[sflag:s0] =	ssyncadd.tile.s32 @!p0 $0x1;
	_ =	shalt  }
.Lfunc_end2:
_tile_overlayer_lowered:
.L_overlay_start_2:
0x265: {  	(tag) =	ssettag $0x2  }
0x266: {  	s0 =	rddreg [dreg:$0x0];
	s2 =	stileid.u32  }
0x267: {  	s1 =	rddreg [dreg:$0x1];
	p0 =	sne.s32 s2, $0x0  }
0x268: {  	s3 =	rddreg [dreg:$0x2];
	[bflag:$0x3] =	sbarrier.arrive $0xFFFF;
	s2 =	simm.s32 @!p0 $0x1C05  }
0x269: {  	[timem:s3], [sflag:s2] =	dma.local @!p0 [hbm:s0], s1  }
0x26a: {  	s0 =	simm.s32 @!p0 $0x5  }
0x26b: {  	_ =	swait.ge @!p0 [sflag:s0], s1  }
0x26c: {  	s1 =	ssub.s32 @!p0 $0x0, s1;
	[sflag:s0] =	ssyncset.done @!p0 $0x0  }
0x26d: {  	[sflag:s0] =	ssyncadd.s32 @!p0 s1  }
0x26e: {  	[bflag:$0x3] =	sbarrier.arrive $0xFFFF  }
0x26f: {  	_ =	shalt  }

</sc_bundles>
